<compile_context>
chip_gen: v7x
topology: tpu7x:2x2x1
jax: 0.10.2.dev20260603
libtpu: 0.0.44.dev20260713+nightly
codegen_flags: <defaults>
</compile_context>

<pallas_src>
import functools

import jax
import jax.numpy as jnp
from jax import lax
from jax.experimental import pallas as pl
from jax.experimental.pallas import tpu as pltpu
from jax.experimental.pallas import tpu_sc as plsc

NC = 2
NS = 16
NW = NC * NS
CH = 128
CHA = 64
NB = 5
NI = 10
GAP = 2
F0 = 0.52


def _fill_1d(ref, n, value):
  v = jnp.full((16,), value, dtype=jnp.float32)

  def body(i, _):
    ref[pl.ds(i * 16, 16)] = v
    return 0

  lax.fori_loop(0, n // 16, body, 0)


def _fill_2d(ref, rows, cols, value):
  v = jnp.full((16,), value, dtype=jnp.float32)

  def body(i, _):
    for j in range(cols // 16):
      ref[i, pl.ds(j * 16, 16)] = v
    return 0

  lax.fori_loop(0, rows, body, 0)


def _deg_body(b2, r2, rpt, dst_hbm, deg_hbm, deg_acc, didx_v, ones_v,
              zeros_v, isem, sem):
  cid = lax.axis_index("c")
  sid = lax.axis_index("s")
  wid = cid * NS + sid
  cnt = b2 + jnp.where(wid < r2, 1, 0)
  start = wid * b2 + jnp.minimum(wid, r2)

  _fill_1d(ones_v, CH, 1.0)
  _fill_1d(zeros_v, rpt, 0.0)
  pltpu.sync_copy(zeros_v, deg_acc.at[pl.ds(sid * rpt, rpt)])

  def load(k, _):
    pltpu.async_copy(dst_hbm.at[pl.ds((start + k) * CH, CH)], didx_v.at[k],
                     isem)
    return 0

  lax.fori_loop(0, cnt, load, 0)

  def load_drain(k, _):
    pltpu.make_async_copy(dst_hbm.at[pl.ds(0, CH)], didx_v.at[0],
                          isem).wait()
    return 0

  lax.fori_loop(0, cnt, load_drain, 0)
  plsc.subcore_barrier()

  def fire(k, _):
    pltpu.async_copy(ones_v, deg_acc.at[didx_v.at[k]], sem, add=True)
    return 0

  lax.fori_loop(0, cnt, fire, 0)

  def drain(k, _):
    pltpu.make_async_copy(ones_v, deg_acc.at[didx_v.at[0]], sem).wait()
    return 0

  lax.fori_loop(0, cnt, drain, 0)
  plsc.subcore_barrier()
  pltpu.sync_copy(deg_acc.at[pl.ds(sid * rpt, rpt)],
                  deg_hbm.at[cid, pl.ds(sid * rpt, rpt)])


def _copy_rows(src0, dst, base, count):
  for r in range(count // CHA):
    pltpu.sync_copy(src0, dst.at[pl.ds(base + r * CHA, CHA)])
  if count % CHA:
    pltpu.sync_copy(src0.at[pl.ds(0, count % CHA)],
                    dst.at[pl.ds(base + (count // CHA) * CHA, count % CHA)])


def _copy_out(acc, dst, base, count):
  for r in range(count // CHA):
    pltpu.sync_copy(acc.at[pl.ds(base + r * CHA, CHA)],
                    dst.at[pl.ds(base + r * CHA, CHA)])
  if count % CHA:
    rr = (count // CHA) * CHA
    pltpu.sync_copy(acc.at[pl.ds(base + rr, count % CHA)],
                    dst.at[pl.ds(base + rr, count % CHA)])


def _agg_body(k0, b0, r0, b1, r1, rpt, rlast, srcr_hbm, dstr_hbm, hs_hbm,
              part_hbm, acc, sidx_v, didx_v, rows_v, isem, jsem, gsem, ssem):
  cid = lax.axis_index("c")
  sid = lax.axis_index("s")
  cnt = jnp.where(cid == 0,
                  b0 + jnp.where(sid < r0, 1, 0),
                  b1 + jnp.where(sid < r1, 1, 0))
  start = jnp.where(cid == 0,
                    sid * b0 + jnp.minimum(sid, r0),
                    k0 + sid * b1 + jnp.minimum(sid, r1))

  _fill_2d(rows_v.at[0], CHA, 128, 0.0)
  base = sid * rpt

  @pl.when(sid < NS - 1)
  def _():
    _copy_rows(rows_v.at[0], acc, base, rpt)

  @pl.when(sid == NS - 1)
  def _():
    _copy_rows(rows_v.at[0], acc, base, rlast)

  plsc.subcore_barrier()

  def fire_idx(k, slot):
    pltpu.async_copy(srcr_hbm.at[pl.ds((start + k) * CHA, CHA)],
                     sidx_v.at[slot], isem.at[slot])
    pltpu.async_copy(dstr_hbm.at[pl.ds((start + k) * CHA, CHA)],
                     didx_v.at[slot], jsem.at[slot])

  def wait_isem(slot):
    pltpu.make_async_copy(
        srcr_hbm.at[pl.ds(0, CHA)], sidx_v.at[slot], isem.at[slot]).wait()

  def wait_jsem(slot):
    pltpu.make_async_copy(
        dstr_hbm.at[pl.ds(0, CHA)], didx_v.at[slot], jsem.at[slot]).wait()

  def fire_gather(k, slot, b):
    pltpu.async_copy(hs_hbm.at[sidx_v.at[slot]], rows_v.at[b], gsem.at[b])

  def wait_gather(b):
    pltpu.make_async_copy(
        hs_hbm.at[sidx_v.at[0]], rows_v.at[b], gsem.at[b]).wait()

  def wait_scatter(b):
    pltpu.make_async_copy(
        rows_v.at[b], acc.at[didx_v.at[0]], ssem.at[b]).wait()

  for k in range(NI - GAP):
    fire_idx(k, k)
  for k in range(GAP):
    wait_isem(k)
    fire_gather(k, k, k)

  def step(k, _):
    b = lax.rem(k, NB)
    i = lax.rem(k, NI)
    wait_gather(b)
    wait_jsem(i)
    pltpu.async_copy(rows_v.at[b], acc.at[didx_v.at[i]], ssem.at[b],
                     add=True)

    @pl.when(k >= GAP)
    def _():
      wait_scatter(lax.rem(k + NB - GAP, NB))

    @pl.when(k + NI - GAP < cnt)
    def _():
      ki = k + NI - GAP
      fire_idx(ki, lax.rem(ki, NI))

    @pl.when(k + GAP < cnt)
    def _():
      kg = k + GAP
      ig = lax.rem(kg, NI)
      wait_isem(ig)
      fire_gather(kg, ig, lax.rem(kg, NB))

    return 0

  lax.fori_loop(0, cnt, step, 0)
  for t in range(GAP):
    wait_scatter(lax.rem(cnt - GAP + t, NB))
  plsc.subcore_barrier()

  @pl.when(sid < NS - 1)
  def _():
    _copy_out(acc, part_hbm.at[cid], base, rpt)

  @pl.when(sid == NS - 1)
  def _():
    _copy_out(acc, part_hbm.at[cid], base, rlast)


def _hs_body(blk, x_ref, w_ref, degp_ref, hs_ref, dinv_ref):
  sl = pl.ds(pl.multiple_of(pl.program_id(0) * blk, 128), blk)
  deg = degp_ref[0, sl] + degp_ref[1, sl] + 1.0
  dinv = lax.rsqrt(deg)
  h = jnp.dot(x_ref[...], w_ref[...], preferred_element_type=jnp.float32)
  hs_ref[...] = h * dinv[:, None]
  dinv_ref[...] = dinv[:, None]


def _out_body(part_ref, hs_ref, dinv_ref, b_ref, out_ref):
  s = part_ref[0] + part_ref[1] + hs_ref[...]
  out_ref[...] = s * dinv_ref[...] + b_ref[0, :]


def kernel(x, edge_index, W, b):
  n, d = x.shape
  e = edge_index.shape[1]

  rpt = -(-(n + 1) // NS)
  rpt = -(-rpt // CH) * CH
  np_ = NS * rpt
  rpa = 8 * (-(-(n + 1) // (8 * NS)))
  npa = 8 * (-(-(n + 1) // 8))
  rlast = npa - (NS - 1) * rpa

  f2 = -(-e // CH)
  dst2 = edge_index[1]
  if f2 * CH != e:
    dst2 = jnp.concatenate(
        [dst2, jnp.full((f2 * CH - e,), n, dtype=jnp.int32)])
  b2, r2 = f2 // NW, f2 % NW

  f = -(-e // CHA)
  srcr, dstr = edge_index[0], edge_index[1]
  if f * CHA != e:
    padv = jnp.full((f * CHA - e,), n, dtype=jnp.int32)
    srcr = jnp.concatenate([srcr, padv])
    dstr = jnp.concatenate([dstr, padv])
  k0 = int(round(F0 * f))
  k1 = f - k0
  b0, r0 = k0 // NS, k0 % NS
  b1, r1 = k1 // NS, k1 % NS

  xp = jnp.concatenate([x, jnp.zeros((np_ - n, d), dtype=x.dtype)])

  mesh = plsc.VectorSubcoreMesh(core_axis_name="c", subcore_axis_name="s")

  deg_kernel = pl.kernel(
      functools.partial(_deg_body, b2, r2, rpt),
      out_type=jax.ShapeDtypeStruct((NC, np_), jnp.float32),
      mesh=mesh,
      scratch_types=[
          pltpu.VMEM_SHARED((np_,), jnp.float32),
          pltpu.VMEM((b2 + (1 if r2 else 0), CH), jnp.int32),
          pltpu.VMEM((CH,), jnp.float32),
          pltpu.VMEM((rpt,), jnp.float32),
          pltpu.SemaphoreType.DMA,
          pltpu.SemaphoreType.DMA,
      ],
  )
  degp = deg_kernel(dst2)

  blk1 = 2048
  hs, dinv = pl.pallas_call(
      functools.partial(_hs_body, blk1),
      grid=(np_ // blk1,),
      in_specs=[
          pl.BlockSpec((blk1, d), lambda i: (i, 0)),
          pl.BlockSpec((d, d), lambda i: (0, 0)),
          pl.BlockSpec((NC, np_), lambda i: (0, 0)),
      ],
      out_specs=[
          pl.BlockSpec((blk1, d), lambda i: (i, 0)),
          pl.BlockSpec((blk1, 1), lambda i: (i, 0)),
      ],
      out_shape=[
          jax.ShapeDtypeStruct((np_, d), jnp.float32),
          jax.ShapeDtypeStruct((np_, 1), jnp.float32),
      ],
  )(xp, W, degp)

  agg_kernel = pl.kernel(
      functools.partial(_agg_body, k0, b0, r0, b1, r1, rpa, rlast),
      out_type=jax.ShapeDtypeStruct((NC, npa, d), jnp.float32),
      mesh=mesh,
      scratch_types=[
          pltpu.VMEM_SHARED((npa, d), jnp.float32),
          pltpu.VMEM((NI, CHA), jnp.int32),
          pltpu.VMEM((NI, CHA), jnp.int32),
          pltpu.VMEM((NB, CHA, d), jnp.float32),
          pltpu.SemaphoreType.DMA((NI,)),
          pltpu.SemaphoreType.DMA((NI,)),
          pltpu.SemaphoreType.DMA((NB,)),
          pltpu.SemaphoreType.DMA((NB,)),
      ],
  )
  part = agg_kernel(srcr, dstr, hs)

  blk2 = 5000
  out = pl.pallas_call(
      _out_body,
      grid=(n // blk2,),
      in_specs=[
          pl.BlockSpec((NC, blk2, d), lambda i: (0, i, 0)),
          pl.BlockSpec((blk2, d), lambda i: (i, 0)),
          pl.BlockSpec((blk2, 1), lambda i: (i, 0)),
          pl.BlockSpec((1, d), lambda i: (0, 0)),
      ],
      out_specs=pl.BlockSpec((blk2, d), lambda i: (i, 0)),
      out_shape=jax.ShapeDtypeStruct((n, d), jnp.float32),
  )(part, hs, dinv, b.reshape(1, d))

  return out

# --- scband reference (transcript-rebuilt; emitter-appended) ---
"""Pipeline reference for scband-linear-encoder-62749472194608 (READ-ONLY COPY).

The authoritative reference and input builder live on the scoring server;
editing this copy changes nothing except your own understanding.
"""

import jax, jax.numpy as jnp
import numpy as np

N = 10000
E = 320000
D_IN = 128
D_OUT = 128


def setup_inputs(seed: int = 0) -> dict:
    key = jax.random.key(seed)
    k1, k2, k3 = jax.random.split(key, 3)
    x = jax.random.normal(k1, (N, D_IN), dtype=jnp.float32)
    edge_index = jax.random.randint(k2, (2, E), 0, N, dtype=jnp.int32)
    # GCNConv linear weight (PyG uses glorot init); apply as x @ W with W [in, out]
    s = float(np.sqrt(6.0 / (D_IN + D_OUT)))
    W = jax.random.uniform(k3, (D_IN, D_OUT), minval=-s, maxval=s, dtype=jnp.float32)
    b = jnp.zeros((D_OUT,), dtype=jnp.float32)
    return {"x": x, "edge_index": edge_index, "W": W, "b": b}


def reference(x, edge_index, W, b):
    # Faithful GCNConv: add self-loops, symmetric normalization, linear transform,
    # scatter-add aggregation at destination nodes, then bias.
    n = x.shape[0]
    src = edge_index[0]
    dst = edge_index[1]
    loop = jnp.arange(n, dtype=src.dtype)
    src = jnp.concatenate([src, loop])
    dst = jnp.concatenate([dst, loop])
    ew = jnp.ones(src.shape[0], dtype=x.dtype)
    deg = jnp.zeros((n,), dtype=x.dtype).at[dst].add(ew)
    dinv = jnp.where(deg > 0, jax.lax.rsqrt(jnp.maximum(deg, 1e-12)), 0.0)
    norm = dinv[src] * dinv[dst]
    h = x @ W
    msg = jnp.take(h, src, axis=0) * norm[:, None]
    out = jnp.zeros((n, h.shape[1]), dtype=x.dtype).at[dst].add(msg)
    return out + b

if __name__ == "__main__":
    import jax
    _d = setup_inputs()
    print(jax.jit(kernel)(*tuple(_d.values())))

</pallas_src>

<mosaic_0001>
#map = affine_map<(d0, d1) -> (0)>
#map1 = affine_map<(d0, d1) -> (0, 0)>
module attributes {stable_mosaic.version = 14 : i64} {
  func.func @_deg_body(%arg0: i32, %arg1: i32, %arg2: memref<320000xi32, #tpu.memory_space<hbm>>, %arg3: memref<2x10240xf32, #tpu.memory_space<hbm>>, %arg4: memref<10240xf32, #tpu.memory_space<vmem_shared>>, %arg5: memref<79x128xi32, #tpu.memory_space<vmem>>, %arg6: memref<128xf32, #tpu.memory_space<vmem>>, %arg7: memref<640xf32, #tpu.memory_space<vmem>>, %arg8: memref<!tpu.dma_semaphore, #tpu.memory_space<semaphore_mem>>, %arg9: memref<!tpu.dma_semaphore, #tpu.memory_space<semaphore_mem>>) attributes {dimension_semantics = [#tpu.dimension_semantics<core_parallel>, #tpu.dimension_semantics<subcore_parallel>], iteration_bounds = array<i64: 2, 16>, scalar_prefetch = 0 : i64, scratch_operands = 6 : i64, tpu.core_type = #tpu.core_type<sc_vector_subcore>, window_params = [{transform_indices = #map}, {transform_indices = #map1}]} {
    %mul3A = arith.constant 16 : i32
    %mul3A_0 = arith.muli %arg0, %mul3A : i32
    %add3A = arith.addi %mul3A_0, %arg1 : i32
    %lt3A = arith.constant 4 : i32
    %lt3A_1 = arith.cmpi slt, %add3A, %lt3A : i32
    %jit3A = arith.constant 1 : i32
    %jit3A_2 = arith.constant 0 : i32
    %select_n3A = arith.select %lt3A_1, %jit3A, %jit3A_2 : i32
    %add3A_3 = arith.constant 78 : i32
    %add3A_4 = arith.addi %add3A_3, %select_n3A : i32
    %mul3A_5 = arith.constant 78 : i32
    %mul3A_6 = arith.muli %add3A, %mul3A_5 : i32
    %min3A = arith.constant 4 : i32
    %min3A_7 = arith.minsi %add3A, %min3A : i32
    %add3A_8 = arith.addi %mul3A_6, %min3A_7 : i32
    %broadcast_in_dim3A = arith.constant 1.000000e+00 : f32
    %broadcast_in_dim3A_9 = vector.broadcast %broadcast_in_dim3A : f32 to vector<16xf32>
    %scan3A = arith.constant 0 : i32
    %scan3A_10 = arith.constant 0 : i32
    %scan3A_11 = arith.constant 8 : i32
    %scan3A_12 = arith.addi %scan3A_10, %scan3A_11 : i32
    %scan3A_13 = arith.constant 1 : i32
    %scan3A_14 = scf.for %scan3A_79 = %scan3A_10 to %scan3A_12 step %scan3A_13 iter_args(%scan3A_80 = %scan3A) -> (i32)  : i32 {
      %mul3A_81 = arith.constant 16 : i32
      %mul3A_82 = arith.muli %scan3A_79, %mul3A_81 : i32
      %swap3A = arith.index_cast %mul3A_82 : i32 to index
      %swap3A_83 = tpu.vector_load %arg6[%swap3A] {strides = array<i32>} : memref<128xf32, #tpu.memory_space<vmem>>, vector<16xf32>,
      %swap3A_84 = vector.shape_cast %swap3A_83 : vector<16xf32> to vector<16xf32>
      %swap3A_85 = vector.shape_cast %broadcast_in_dim3A_9 : vector<16xf32> to vector<16xf32>
      tpu.vector_store %arg6[%swap3A], %swap3A_85 {strides = array<i32>} : memref<128xf32, #tpu.memory_space<vmem>>, vector<16xf32>,
      %scan3A_86 = arith.constant 0 : i32
      scf.yield %scan3A_86 : i32
    }
    %scan3A_15 = arith.constant 8 : i32
    %broadcast_in_dim3A_16 = arith.constant 0.000000e+00 : f32
    %broadcast_in_dim3A_17 = vector.broadcast %broadcast_in_dim3A_16 : f32 to vector<16xf32>
    %scan3A_18 = arith.constant 0 : i32
    %scan3A_19 = arith.constant 0 : i32
    %scan3A_20 = arith.constant 40 : i32
    %scan3A_21 = arith.addi %scan3A_19, %scan3A_20 : i32
    %scan3A_22 = arith.constant 1 : i32
    %scan3A_23 = scf.for %scan3A_79 = %scan3A_19 to %scan3A_21 step %scan3A_22 iter_args(%scan3A_80 = %scan3A_18) -> (i32)  : i32 {
      %mul3A_81 = arith.constant 16 : i32
      %mul3A_82 = arith.muli %scan3A_79, %mul3A_81 : i32
      %swap3A = arith.index_cast %mul3A_82 : i32 to index
      %swap3A_83 = tpu.vector_load %arg7[%swap3A] {strides = array<i32>} : memref<640xf32, #tpu.memory_space<vmem>>, vector<16xf32>,
      %swap3A_84 = vector.shape_cast %swap3A_83 : vector<16xf32> to vector<16xf32>
      %swap3A_85 = vector.shape_cast %broadcast_in_dim3A_17 : vector<16xf32> to vector<16xf32>
      tpu.vector_store %arg7[%swap3A], %swap3A_85 {strides = array<i32>} : memref<640xf32, #tpu.memory_space<vmem>>, vector<16xf32>,
      %scan3A_86 = arith.constant 0 : i32
      scf.yield %scan3A_86 : i32
    }
    %scan3A_24 = arith.constant 40 : i32
    %mul3A_25 = arith.constant 640 : i32
    %mul3A_26 = arith.muli %arg1, %mul3A_25 : i32
    "tpu.region"() ({
      %run_scoped3A = tpu.sem_alloc : memref<!tpu.dma_semaphore, #tpu.memory_space<semaphore_mem>>
      %dma_start3A = tpu.memref_slice %arg4[%mul3A_26] : memref<10240xf32, #tpu.memory_space<vmem_shared>> -> memref<640xf32, #tpu.memory_space<vmem_shared>>
      %dma_start3A_79 = tpu.memref_slice %arg4[%mul3A_26] : memref<10240xf32, #tpu.memory_space<vmem_shared>> -> memref<640xf32, #tpu.memory_space<vmem_shared>>
      tpu.enqueue_dma source(%arg7 : memref<640xf32, #tpu.memory_space<vmem>>) target(%dma_start3A_79 : memref<640xf32, #tpu.memory_space<vmem_shared>>) target_semaphore(%run_scoped3A : memref<!tpu.dma_semaphore, #tpu.memory_space<semaphore_mem>>)
      %dma_wait3A = tpu.memref_slice %arg4[%mul3A_26] : memref<10240xf32, #tpu.memory_space<vmem_shared>> -> memref<640xf32, #tpu.memory_space<vmem_shared>>
      %dma_wait3A_80 = tpu.memref_slice %arg4[%mul3A_26] : memref<10240xf32, #tpu.memory_space<vmem_shared>> -> memref<640xf32, #tpu.memory_space<vmem_shared>>
      tpu.wait_dma2 semaphore(%run_scoped3A : memref<!tpu.dma_semaphore, #tpu.memory_space<semaphore_mem>>) src(%arg7 : memref<640xf32, #tpu.memory_space<vmem>>) dst(%dma_wait3A_80 : memref<640xf32, #tpu.memory_space<vmem_shared>>)
      tpu.yield
    }) : () -> ()
    %while3A = arith.constant 0 : i32
    %while3A_27 = arith.constant 0 : i32
    %while3A_28 = arith.subi %add3A_4, %while3A : i32
    %while3A_29 = arith.addi %while3A, %while3A_28 : i32
    %while3A_30 = arith.constant 1 : i32
    %while3A_31 = arith.divsi %while3A_28, %while3A_30 : i32
    %while3A_32 = arith.muli %while3A_31, %while3A_30 : i32
    %while3A_33 = arith.addi %while3A, %while3A_32 : i32
    %while3A_34 = arith.constant 1 : i32
    %while3A_35 = scf.for %while3A_79 = %while3A to %while3A_33 step %while3A_34 iter_args(%while3A_80 = %while3A_27) -> (i32)  : i32 {
      %add3A_81 = arith.addi %add3A_8, %while3A_79 : i32
      %mul3A_82 = arith.constant 128 : i32
      %mul3A_83 = arith.muli %add3A_81, %mul3A_82 : i32
      %dma_start3A = arith.constant 0 : i32
      %dma_start3A_84 = tpu.memref_slice %arg5[%while3A_79, %dma_start3A] : memref<79x128xi32, #tpu.memory_space<vmem>> -> memref<1x128xi32, #tpu.memory_space<vmem>>
      %dma_start3A_85 = tpu.memref_squeeze %dma_start3A_84 : memref<1x128xi32, #tpu.memory_space<vmem>> -> memref<128xi32, #tpu.memory_space<vmem>>
      %dma_start3A_86 = tpu.memref_slice %arg2[%mul3A_83] : memref<320000xi32, #tpu.memory_space<hbm>> -> memref<128xi32, #tpu.memory_space<hbm>>
      %dma_start3A_87 = arith.constant 0 : i32
      %dma_start3A_88 = tpu.memref_slice %arg5[%while3A_79, %dma_start3A_87] : memref<79x128xi32, #tpu.memory_space<vmem>> -> memref<1x128xi32, #tpu.memory_space<vmem>>
      %dma_start3A_89 = tpu.memref_squeeze %dma_start3A_88 : memref<1x128xi32, #tpu.memory_space<vmem>> -> memref<128xi32, #tpu.memory_space<vmem>>
      %dma_start3A_90 = tpu.memref_slice %arg2[%mul3A_83] : memref<320000xi32, #tpu.memory_space<hbm>> -> memref<128xi32, #tpu.memory_space<hbm>>
      tpu.enqueue_dma source(%dma_start3A_90 : memref<128xi32, #tpu.memory_space<hbm>>) target(%dma_start3A_89 : memref<128xi32, #tpu.memory_space<vmem>>) target_semaphore(%arg8 : memref<!tpu.dma_semaphore, #tpu.memory_space<semaphore_mem>>)
      %while3A_91 = arith.constant 0 : i32
      scf.yield %while3A_91 : i32
    }
    %while3A_36 = arith.constant 1 : i32
    %while3A_37 = scf.for %while3A_79 = %while3A_33 to %while3A_29 step %while3A_36 iter_args(%while3A_80 = %while3A_35) -> (i32)  : i32 {
      %add3A_81 = arith.addi %add3A_8, %while3A_79 : i32
      %mul3A_82 = arith.constant 128 : i32
      %mul3A_83 = arith.muli %add3A_81, %mul3A_82 : i32
      %dma_start3A = arith.constant 0 : i32
      %dma_start3A_84 = tpu.memref_slice %arg5[%while3A_79, %dma_start3A] : memref<79x128xi32, #tpu.memory_space<vmem>> -> memref<1x128xi32, #tpu.memory_space<vmem>>
      %dma_start3A_85 = tpu.memref_squeeze %dma_start3A_84 : memref<1x128xi32, #tpu.memory_space<vmem>> -> memref<128xi32, #tpu.memory_space<vmem>>
      %dma_start3A_86 = tpu.memref_slice %arg2[%mul3A_83] : memref<320000xi32, #tpu.memory_space<hbm>> -> memref<128xi32, #tpu.memory_space<hbm>>
      %dma_start3A_87 = arith.constant 0 : i32
      %dma_start3A_88 = tpu.memref_slice %arg5[%while3A_79, %dma_start3A_87] : memref<79x128xi32, #tpu.memory_space<vmem>> -> memref<1x128xi32, #tpu.memory_space<vmem>>
      %dma_start3A_89 = tpu.memref_squeeze %dma_start3A_88 : memref<1x128xi32, #tpu.memory_space<vmem>> -> memref<128xi32, #tpu.memory_space<vmem>>
      %dma_start3A_90 = tpu.memref_slice %arg2[%mul3A_83] : memref<320000xi32, #tpu.memory_space<hbm>> -> memref<128xi32, #tpu.memory_space<hbm>>
      tpu.enqueue_dma source(%dma_start3A_90 : memref<128xi32, #tpu.memory_space<hbm>>) target(%dma_start3A_89 : memref<128xi32, #tpu.memory_space<vmem>>) target_semaphore(%arg8 : memref<!tpu.dma_semaphore, #tpu.memory_space<semaphore_mem>>)
      %while3A_91 = arith.constant 0 : i32
      scf.yield %while3A_91 : i32
    }
    %while3A_38 = arith.constant 0 : i32
    %while3A_39 = arith.constant 0 : i32
    %while3A_40 = arith.subi %add3A_4, %while3A_38 : i32
    %while3A_41 = arith.addi %while3A_38, %while3A_40 : i32
    %while3A_42 = arith.constant 1 : i32
    %while3A_43 = arith.divsi %while3A_40, %while3A_42 : i32
    %while3A_44 = arith.muli %while3A_43, %while3A_42 : i32
    %while3A_45 = arith.addi %while3A_38, %while3A_44 : i32
    %while3A_46 = arith.constant 1 : i32
    %while3A_47 = scf.for %while3A_79 = %while3A_38 to %while3A_45 step %while3A_46 iter_args(%while3A_80 = %while3A_39) -> (i32)  : i32 {
      %dma_wait3A = arith.constant 0 : i32
      %dma_wait3A_81 = arith.constant 0 : i32
      %dma_wait3A_82 = tpu.memref_slice %arg5[%dma_wait3A, %dma_wait3A_81] : memref<79x128xi32, #tpu.memory_space<vmem>> -> memref<1x128xi32, #tpu.memory_space<vmem>>
      %dma_wait3A_83 = tpu.memref_squeeze %dma_wait3A_82 : memref<1x128xi32, #tpu.memory_space<vmem>> -> memref<128xi32, #tpu.memory_space<vmem>>
      %dma_wait3A_84 = arith.constant 0 : i32
      %dma_wait3A_85 = tpu.memref_slice %arg2[%dma_wait3A_84] : memref<320000xi32, #tpu.memory_space<hbm>> -> memref<128xi32, #tpu.memory_space<hbm>>
      %dma_wait3A_86 = arith.constant 0 : i32
      %dma_wait3A_87 = tpu.memref_slice %arg5[%dma_wait3A, %dma_wait3A_86] : memref<79x128xi32, #tpu.memory_space<vmem>> -> memref<1x128xi32, #tpu.memory_space<vmem>>
      %dma_wait3A_88 = tpu.memref_squeeze %dma_wait3A_87 : memref<1x128xi32, #tpu.memory_space<vmem>> -> memref<128xi32, #tpu.memory_space<vmem>>
      %dma_wait3A_89 = arith.constant 0 : i32
      %dma_wait3A_90 = tpu.memref_slice %arg2[%dma_wait3A_89] : memref<320000xi32, #tpu.memory_space<hbm>> -> memref<128xi32, #tpu.memory_space<hbm>>
      tpu.wait_dma2 semaphore(%arg8 : memref<!tpu.dma_semaphore, #tpu.memory_space<semaphore_mem>>) src(%dma_wait3A_90 : memref<128xi32, #tpu.memory_space<hbm>>) dst(%dma_wait3A_88 : memref<128xi32, #tpu.memory_space<vmem>>)
      %while3A_91 = arith.constant 0 : i32
      scf.yield %while3A_91 : i32
    }
    %while3A_48 = arith.constant 1 : i32
    %while3A_49 = scf.for %while3A_79 = %while3A_45 to %while3A_41 step %while3A_48 iter_args(%while3A_80 = %while3A_47) -> (i32)  : i32 {
      %dma_wait3A = arith.constant 0 : i32
      %dma_wait3A_81 = arith.constant 0 : i32
      %dma_wait3A_82 = tpu.memref_slice %arg5[%dma_wait3A, %dma_wait3A_81] : memref<79x128xi32, #tpu.memory_space<vmem>> -> memref<1x128xi32, #tpu.memory_space<vmem>>
      %dma_wait3A_83 = tpu.memref_squeeze %dma_wait3A_82 : memref<1x128xi32, #tpu.memory_space<vmem>> -> memref<128xi32, #tpu.memory_space<vmem>>
      %dma_wait3A_84 = arith.constant 0 : i32
      %dma_wait3A_85 = tpu.memref_slice %arg2[%dma_wait3A_84] : memref<320000xi32, #tpu.memory_space<hbm>> -> memref<128xi32, #tpu.memory_space<hbm>>
      %dma_wait3A_86 = arith.constant 0 : i32
      %dma_wait3A_87 = tpu.memref_slice %arg5[%dma_wait3A, %dma_wait3A_86] : memref<79x128xi32, #tpu.memory_space<vmem>> -> memref<1x128xi32, #tpu.memory_space<vmem>>
      %dma_wait3A_88 = tpu.memref_squeeze %dma_wait3A_87 : memref<1x128xi32, #tpu.memory_space<vmem>> -> memref<128xi32, #tpu.memory_space<vmem>>
      %dma_wait3A_89 = arith.constant 0 : i32
      %dma_wait3A_90 = tpu.memref_slice %arg2[%dma_wait3A_89] : memref<320000xi32, #tpu.memory_space<hbm>> -> memref<128xi32, #tpu.memory_space<hbm>>
      tpu.wait_dma2 semaphore(%arg8 : memref<!tpu.dma_semaphore, #tpu.memory_space<semaphore_mem>>) src(%dma_wait3A_90 : memref<128xi32, #tpu.memory_space<hbm>>) dst(%dma_wait3A_88 : memref<128xi32, #tpu.memory_space<vmem>>)
      %while3A_91 = arith.constant 0 : i32
      scf.yield %while3A_91 : i32
    }
    %barrier3A = arith.constant 0 : index
    tpu.barrier barrier_id(%barrier3A)
    %while3A_50 = arith.constant 0 : i32
    %while3A_51 = arith.constant 0 : i32
    %while3A_52 = arith.subi %add3A_4, %while3A_50 : i32
    %while3A_53 = arith.addi %while3A_50, %while3A_52 : i32
    %while3A_54 = arith.constant 1 : i32
    %while3A_55 = arith.divsi %while3A_52, %while3A_54 : i32
    %while3A_56 = arith.muli %while3A_55, %while3A_54 : i32
    %while3A_57 = arith.addi %while3A_50, %while3A_56 : i32
    %while3A_58 = arith.constant 1 : i32
    %while3A_59 = scf.for %while3A_79 = %while3A_50 to %while3A_57 step %while3A_58 iter_args(%while3A_80 = %while3A_51) -> (i32)  : i32 {
      %dma_start3A = arith.constant 0 : i32
      %dma_start3A_81 = tpu.memref_slice %arg5[%while3A_79, %dma_start3A] : memref<79x128xi32, #tpu.memory_space<vmem>> -> memref<1x128xi32, #tpu.memory_space<vmem>>
      %dma_start3A_82 = tpu.memref_squeeze %dma_start3A_81 : memref<1x128xi32, #tpu.memory_space<vmem>> -> memref<128xi32, #tpu.memory_space<vmem>>
      %dma_start3A_83 = arith.constant 0 : i32
      %dma_start3A_84 = tpu.memref_slice %arg4[%dma_start3A_83] : memref<10240xf32, #tpu.memory_space<vmem_shared>> -> memref<10240xf32, #tpu.memory_space<vmem_shared>>
      tpu.enqueue_indirect_dma source(%arg6 : memref<128xf32, #tpu.memory_space<vmem>>) target(%dma_start3A_84 : memref<10240xf32, #tpu.memory_space<vmem_shared>>) offsets(%dma_start3A_82 : memref<128xi32, #tpu.memory_space<vmem>>) semaphore(%arg9 : memref<!tpu.dma_semaphore, #tpu.memory_space<semaphore_mem>>) {add = true}
      %while3A_85 = arith.constant 0 : i32
      scf.yield %while3A_85 : i32
    }
    %while3A_60 = arith.constant 1 : i32
    %while3A_61 = scf.for %while3A_79 = %while3A_57 to %while3A_53 step %while3A_60 iter_args(%while3A_80 = %while3A_59) -> (i32)  : i32 {
      %dma_start3A = arith.constant 0 : i32
      %dma_start3A_81 = tpu.memref_slice %arg5[%while3A_79, %dma_start3A] : memref<79x128xi32, #tpu.memory_space<vmem>> -> memref<1x128xi32, #tpu.memory_space<vmem>>
      %dma_start3A_82 = tpu.memref_squeeze %dma_start3A_81 : memref<1x128xi32, #tpu.memory_space<vmem>> -> memref<128xi32, #tpu.memory_space<vmem>>
      %dma_start3A_83 = arith.constant 0 : i32
      %dma_start3A_84 = tpu.memref_slice %arg4[%dma_start3A_83] : memref<10240xf32, #tpu.memory_space<vmem_shared>> -> memref<10240xf32, #tpu.memory_space<vmem_shared>>
      tpu.enqueue_indirect_dma source(%arg6 : memref<128xf32, #tpu.memory_space<vmem>>) target(%dma_start3A_84 : memref<10240xf32, #tpu.memory_space<vmem_shared>>) offsets(%dma_start3A_82 : memref<128xi32, #tpu.memory_space<vmem>>) semaphore(%arg9 : memref<!tpu.dma_semaphore, #tpu.memory_space<semaphore_mem>>) {add = true}
      %while3A_85 = arith.constant 0 : i32
      scf.yield %while3A_85 : i32
    }
    %while3A_62 = arith.constant 0 : i32
    %while3A_63 = arith.constant 0 : i32
    %while3A_64 = arith.subi %add3A_4, %while3A_62 : i32
    %while3A_65 = arith.addi %while3A_62, %while3A_64 : i32
    %while3A_66 = arith.constant 1 : i32
    %while3A_67 = arith.divsi %while3A_64, %while3A_66 : i32
    %while3A_68 = arith.muli %while3A_67, %while3A_66 : i32
    %while3A_69 = arith.addi %while3A_62, %while3A_68 : i32
    %while3A_70 = arith.constant 1 : i32
    %while3A_71 = scf.for %while3A_79 = %while3A_62 to %while3A_69 step %while3A_70 iter_args(%while3A_80 = %while3A_63) -> (i32)  : i32 {
      %dma_wait3A = arith.constant 0 : i32
      %dma_wait3A_81 = arith.constant 0 : i32
      %dma_wait3A_82 = tpu.memref_slice %arg5[%dma_wait3A, %dma_wait3A_81] : memref<79x128xi32, #tpu.memory_space<vmem>> -> memref<1x128xi32, #tpu.memory_space<vmem>>
      %dma_wait3A_83 = tpu.memref_squeeze %dma_wait3A_82 : memref<1x128xi32, #tpu.memory_space<vmem>> -> memref<128xi32, #tpu.memory_space<vmem>>
      %dma_wait3A_84 = arith.constant 0 : i32
      %dma_wait3A_85 = tpu.memref_slice %arg4[%dma_wait3A_84] : memref<10240xf32, #tpu.memory_space<vmem_shared>> -> memref<10240xf32, #tpu.memory_space<vmem_shared>>
      tpu.wait_indirect_dma semaphore(%arg9 : memref<!tpu.dma_semaphore, #tpu.memory_space<semaphore_mem>>) src(%arg6 : memref<128xf32, #tpu.memory_space<vmem>>) dst(%dma_wait3A_85 : memref<10240xf32, #tpu.memory_space<vmem_shared>>)
      %while3A_86 = arith.constant 0 : i32
      scf.yield %while3A_86 : i32
    }
    %while3A_72 = arith.constant 1 : i32
    %while3A_73 = scf.for %while3A_79 = %while3A_69 to %while3A_65 step %while3A_72 iter_args(%while3A_80 = %while3A_71) -> (i32)  : i32 {
      %dma_wait3A = arith.constant 0 : i32
      %dma_wait3A_81 = arith.constant 0 : i32
      %dma_wait3A_82 = tpu.memref_slice %arg5[%dma_wait3A, %dma_wait3A_81] : memref<79x128xi32, #tpu.memory_space<vmem>> -> memref<1x128xi32, #tpu.memory_space<vmem>>
      %dma_wait3A_83 = tpu.memref_squeeze %dma_wait3A_82 : memref<1x128xi32, #tpu.memory_space<vmem>> -> memref<128xi32, #tpu.memory_space<vmem>>
      %dma_wait3A_84 = arith.constant 0 : i32
      %dma_wait3A_85 = tpu.memref_slice %arg4[%dma_wait3A_84] : memref<10240xf32, #tpu.memory_space<vmem_shared>> -> memref<10240xf32, #tpu.memory_space<vmem_shared>>
      tpu.wait_indirect_dma semaphore(%arg9 : memref<!tpu.dma_semaphore, #tpu.memory_space<semaphore_mem>>) src(%arg6 : memref<128xf32, #tpu.memory_space<vmem>>) dst(%dma_wait3A_85 : memref<10240xf32, #tpu.memory_space<vmem_shared>>)
      %while3A_86 = arith.constant 0 : i32
      scf.yield %while3A_86 : i32
    }
    %barrier3A_74 = arith.constant 0 : index
    tpu.barrier barrier_id(%barrier3A_74)
    %mul3A_75 = arith.constant 640 : i32
    %mul3A_76 = arith.muli %arg1, %mul3A_75 : i32
    %mul3A_77 = arith.constant 640 : i32
    %mul3A_78 = arith.muli %arg1, %mul3A_77 : i32
    "tpu.region"() ({
      %run_scoped3A = tpu.sem_alloc : memref<!tpu.dma_semaphore, #tpu.memory_space<semaphore_mem>>
      %dma_start3A = tpu.memref_slice %arg3[%arg0, %mul3A_78] : memref<2x10240xf32, #tpu.memory_space<hbm>> -> memref<1x640xf32, #tpu.memory_space<hbm>>
      %dma_start3A_79 = tpu.memref_squeeze %dma_start3A : memref<1x640xf32, #tpu.memory_space<hbm>> -> memref<640xf32, #tpu.memory_space<hbm>>
      %dma_start3A_80 = tpu.memref_slice %arg4[%mul3A_76] : memref<10240xf32, #tpu.memory_space<vmem_shared>> -> memref<640xf32, #tpu.memory_space<vmem_shared>>
      tpu.enqueue_dma source(%dma_start3A_80 : memref<640xf32, #tpu.memory_space<vmem_shared>>) target(%dma_start3A_79 : memref<640xf32, #tpu.memory_space<hbm>>) target_semaphore(%run_scoped3A : memref<!tpu.dma_semaphore, #tpu.memory_space<semaphore_mem>>)
      %dma_wait3A = tpu.memref_slice %arg3[%arg0, %mul3A_78] : memref<2x10240xf32, #tpu.memory_space<hbm>> -> memref<1x640xf32, #tpu.memory_space<hbm>>
      %dma_wait3A_81 = tpu.memref_squeeze %dma_wait3A : memref<1x640xf32, #tpu.memory_space<hbm>> -> memref<640xf32, #tpu.memory_space<hbm>>
      %dma_wait3A_82 = tpu.memref_slice %arg4[%mul3A_76] : memref<10240xf32, #tpu.memory_space<vmem_shared>> -> memref<640xf32, #tpu.memory_space<vmem_shared>>
      tpu.wait_dma2 semaphore(%run_scoped3A : memref<!tpu.dma_semaphore, #tpu.memory_space<semaphore_mem>>) src(%dma_wait3A_82 : memref<640xf32, #tpu.memory_space<vmem_shared>>) dst(%dma_wait3A_81 : memref<640xf32, #tpu.memory_space<hbm>>)
      tpu.yield
    }) : () -> ()
    return
  }
}

#map = affine_map<(d0, d1) -> (0)>
#map1 = affine_map<(d0, d1) -> (0, 0)>
#map2 = affine_map<(d0, d1) -> (0, 0, 0)>
module attributes {stable_mosaic.version = 14 : i64} {
  func.func @_agg_body(%arg0: i32, %arg1: i32, %arg2: memref<320000xi32, #tpu.memory_space<hbm>>, %arg3: memref<320000xi32, #tpu.memory_space<hbm>>, %arg4: memref<10240x128xf32, #tpu.memory_space<hbm>>, %arg5: memref<2x10008x128xf32, #tpu.memory_space<hbm>>, %arg6: memref<10008x128xf32, #tpu.memory_space<vmem_shared>>, %arg7: memref<10x64xi32, #tpu.memory_space<vmem>>, %arg8: memref<10x64xi32, #tpu.memory_space<vmem>>, %arg9: memref<5x64x128xf32, #tpu.memory_space<vmem>>, %arg10: memref<10x!tpu.dma_semaphore, #tpu.memory_space<semaphore_mem>>, %arg11: memref<10x!tpu.dma_semaphore, #tpu.memory_space<semaphore_mem>>, %arg12: memref<5x!tpu.dma_semaphore, #tpu.memory_space<semaphore_mem>>, %arg13: memref<5x!tpu.dma_semaphore, #tpu.memory_space<semaphore_mem>>) attributes {dimension_semantics = [#tpu.dimension_semantics<core_parallel>, #tpu.dimension_semantics<subcore_parallel>], iteration_bounds = array<i64: 2, 16>, scalar_prefetch = 0 : i64, scratch_operands = 8 : i64, tpu.core_type = #tpu.core_type<sc_vector_subcore>, window_params = [{transform_indices = #map}, {transform_indices = #map}, {transform_indices = #map1}, {transform_indices = #map2}]} {
    %eq3A = arith.constant 0 : i32
    %eq3A_0 = arith.cmpi eq, %arg0, %eq3A : i32
    %lt3A = arith.constant 8 : i32
    %lt3A_1 = arith.cmpi slt, %arg1, %lt3A : i32
    %jit3A = arith.constant 1 : i32
    %jit3A_2 = arith.constant 0 : i32
    %select_n3A = arith.select %lt3A_1, %jit3A, %jit3A_2 : i32
    %add3A = arith.constant 162 : i32
    %add3A_3 = arith.addi %add3A, %select_n3A : i32
    %lt3A_4 = arith.constant 0 : i32
    %lt3A_5 = arith.cmpi slt, %arg1, %lt3A_4 : i32
    %jit3A_6 = arith.constant 1 : i32
    %jit3A_7 = arith.constant 0 : i32
    %select_n3A_8 = arith.select %lt3A_5, %jit3A_6, %jit3A_7 : i32
    %add3A_9 = arith.constant 150 : i32
    %add3A_10 = arith.addi %add3A_9, %select_n3A_8 : i32
    %select_n3A_11 = arith.select %eq3A_0, %add3A_3, %add3A_10 : i32
    %eq3A_12 = arith.constant 0 : i32
    %eq3A_13 = arith.cmpi eq, %arg0, %eq3A_12 : i32
    %mul3A = arith.constant 162 : i32
    %mul3A_14 = arith.muli %arg1, %mul3A : i32
    %min3A = arith.constant 8 : i32
    %min3A_15 = arith.minsi %arg1, %min3A : i32
    %add3A_16 = arith.addi %mul3A_14, %min3A_15 : i32
    %mul3A_17 = arith.constant 150 : i32
    %mul3A_18 = arith.muli %arg1, %mul3A_17 : i32
    %add3A_19 = arith.constant 2600 : i32
    %add3A_20 = arith.addi %add3A_19, %mul3A_18 : i32
    %min3A_21 = arith.constant 0 : i32
    %min3A_22 = arith.minsi %arg1, %min3A_21 : i32
    %add3A_23 = arith.addi %add3A_20, %min3A_22 : i32
    %select_n3A_24 = arith.select %eq3A_13, %add3A_16, %add3A_23 : i32
    %broadcast_in_dim3A = arith.constant 0.000000e+00 : f32
    %broadcast_in_dim3A_25 = vector.broadcast %broadcast_in_dim3A : f32 to vector<16xf32>
    %scan3A = arith.constant 0 : i32
    %scan3A_26 = arith.constant 0 : i32
    %scan3A_27 = arith.constant 0 : i32
    %scan3A_28 = arith.constant 64 : i32
    %scan3A_29 = arith.addi %scan3A_27, %scan3A_28 : i32
    %scan3A_30 = arith.constant 1 : i32
    %scan3A_31 = scf.for %scan3A_413 = %scan3A_27 to %scan3A_29 step %scan3A_30 iter_args(%scan3A_414 = %scan3A_26) -> (i32)  : i32 {
      %swap3A = arith.constant 0 : i32
      %swap3A_415 = arith.constant 0 : i32
      %swap3A_416 = tpu.memref_slice %arg9[%scan3A, %swap3A, %swap3A_415] : memref<5x64x128xf32, #tpu.memory_space<vmem>> -> memref<1x64x128xf32, #tpu.memory_space<vmem>>
      %swap3A_417 = tpu.memref_squeeze %swap3A_416 : memref<1x64x128xf32, #tpu.memory_space<vmem>> -> memref<64x128xf32, #tpu.memory_space<vmem>>
      %swap3A_418 = arith.index_cast %scan3A_413 : i32 to index
      %swap3A_419 = arith.constant 0 : index
      %swap3A_420 = tpu.vector_load %swap3A_417[%swap3A_418, %swap3A_419] {strides = array<i32>} : memref<64x128xf32, #tpu.memory_space<vmem>>, vector<1x16xf32>,
      %swap3A_421 = vector.shape_cast %swap3A_420 : vector<1x16xf32> to vector<16xf32>
      %swap3A_422 = vector.shape_cast %broadcast_in_dim3A_25 : vector<16xf32> to vector<1x16xf32>
      tpu.vector_store %swap3A_417[%swap3A_418, %swap3A_419], %swap3A_422 {strides = array<i32>} : memref<64x128xf32, #tpu.memory_space<vmem>>, vector<1x16xf32>,
      %swap3A_423 = arith.constant 0 : i32
      %swap3A_424 = arith.constant 0 : i32
      %swap3A_425 = tpu.memref_slice %arg9[%scan3A, %swap3A_423, %swap3A_424] : memref<5x64x128xf32, #tpu.memory_space<vmem>> -> memref<1x64x128xf32, #tpu.memory_space<vmem>>
      %swap3A_426 = tpu.memref_squeeze %swap3A_425 : memref<1x64x128xf32, #tpu.memory_space<vmem>> -> memref<64x128xf32, #tpu.memory_space<vmem>>
      %swap3A_427 = arith.index_cast %scan3A_413 : i32 to index
      %swap3A_428 = arith.constant 16 : index
      %swap3A_429 = tpu.vector_load %swap3A_426[%swap3A_427, %swap3A_428] {strides = array<i32>} : memref<64x128xf32, #tpu.memory_space<vmem>>, vector<1x16xf32>,
      %swap3A_430 = vector.shape_cast %swap3A_429 : vector<1x16xf32> to vector<16xf32>
      %swap3A_431 = vector.shape_cast %broadcast_in_dim3A_25 : vector<16xf32> to vector<1x16xf32>
      tpu.vector_store %swap3A_426[%swap3A_427, %swap3A_428], %swap3A_431 {strides = array<i32>} : memref<64x128xf32, #tpu.memory_space<vmem>>, vector<1x16xf32>,
      %swap3A_432 = arith.constant 0 : i32
      %swap3A_433 = arith.constant 0 : i32
      %swap3A_434 = tpu.memref_slice %arg9[%scan3A, %swap3A_432, %swap3A_433] : memref<5x64x128xf32, #tpu.memory_space<vmem>> -> memref<1x64x128xf32, #tpu.memory_space<vmem>>
      %swap3A_435 = tpu.memref_squeeze %swap3A_434 : memref<1x64x128xf32, #tpu.memory_space<vmem>> -> memref<64x128xf32, #tpu.memory_space<vmem>>
      %swap3A_436 = arith.index_cast %scan3A_413 : i32 to index
      %swap3A_437 = arith.constant 32 : index
      %swap3A_438 = tpu.vector_load %swap3A_435[%swap3A_436, %swap3A_437] {strides = array<i32>} : memref<64x128xf32, #tpu.memory_space<vmem>>, vector<1x16xf32>,
      %swap3A_439 = vector.shape_cast %swap3A_438 : vector<1x16xf32> to vector<16xf32>
      %swap3A_440 = vector.shape_cast %broadcast_in_dim3A_25 : vector<16xf32> to vector<1x16xf32>
      tpu.vector_store %swap3A_435[%swap3A_436, %swap3A_437], %swap3A_440 {strides = array<i32>} : memref<64x128xf32, #tpu.memory_space<vmem>>, vector<1x16xf32>,
      %swap3A_441 = arith.constant 0 : i32
      %swap3A_442 = arith.constant 0 : i32
      %swap3A_443 = tpu.memref_slice %arg9[%scan3A, %swap3A_441, %swap3A_442] : memref<5x64x128xf32, #tpu.memory_space<vmem>> -> memref<1x64x128xf32, #tpu.memory_space<vmem>>
      %swap3A_444 = tpu.memref_squeeze %swap3A_443 : memref<1x64x128xf32, #tpu.memory_space<vmem>> -> memref<64x128xf32, #tpu.memory_space<vmem>>
      %swap3A_445 = arith.index_cast %scan3A_413 : i32 to index
      %swap3A_446 = arith.constant 48 : index
      %swap3A_447 = tpu.vector_load %swap3A_444[%swap3A_445, %swap3A_446] {strides = array<i32>} : memref<64x128xf32, #tpu.memory_space<vmem>>, vector<1x16xf32>,
      %swap3A_448 = vector.shape_cast %swap3A_447 : vector<1x16xf32> to vector<16xf32>
      %swap3A_449 = vector.shape_cast %broadcast_in_dim3A_25 : vector<16xf32> to vector<1x16xf32>
      tpu.vector_store %swap3A_444[%swap3A_445, %swap3A_446], %swap3A_449 {strides = array<i32>} : memref<64x128xf32, #tpu.memory_space<vmem>>, vector<1x16xf32>,
      %swap3A_450 = arith.constant 0 : i32
      %swap3A_451 = arith.constant 0 : i32
      %swap3A_452 = tpu.memref_slice %arg9[%scan3A, %swap3A_450, %swap3A_451] : memref<5x64x128xf32, #tpu.memory_space<vmem>> -> memref<1x64x128xf32, #tpu.memory_space<vmem>>
      %swap3A_453 = tpu.memref_squeeze %swap3A_452 : memref<1x64x128xf32, #tpu.memory_space<vmem>> -> memref<64x128xf32, #tpu.memory_space<vmem>>
      %swap3A_454 = arith.index_cast %scan3A_413 : i32 to index
      %swap3A_455 = arith.constant 64 : index
      %swap3A_456 = tpu.vector_load %swap3A_453[%swap3A_454, %swap3A_455] {strides = array<i32>} : memref<64x128xf32, #tpu.memory_space<vmem>>, vector<1x16xf32>,
      %swap3A_457 = vector.shape_cast %swap3A_456 : vector<1x16xf32> to vector<16xf32>
      %swap3A_458 = vector.shape_cast %broadcast_in_dim3A_25 : vector<16xf32> to vector<1x16xf32>
      tpu.vector_store %swap3A_453[%swap3A_454, %swap3A_455], %swap3A_458 {strides = array<i32>} : memref<64x128xf32, #tpu.memory_space<vmem>>, vector<1x16xf32>,
      %swap3A_459 = arith.constant 0 : i32
      %swap3A_460 = arith.constant 0 : i32
      %swap3A_461 = tpu.memref_slice %arg9[%scan3A, %swap3A_459, %swap3A_460] : memref<5x64x128xf32, #tpu.memory_space<vmem>> -> memref<1x64x128xf32, #tpu.memory_space<vmem>>
      %swap3A_462 = tpu.memref_squeeze %swap3A_461 : memref<1x64x128xf32, #tpu.memory_space<vmem>> -> memref<64x128xf32, #tpu.memory_space<vmem>>
      %swap3A_463 = arith.index_cast %scan3A_413 : i32 to index
      %swap3A_464 = arith.constant 80 : index
      %swap3A_465 = tpu.vector_load %swap3A_462[%swap3A_463, %swap3A_464] {strides = array<i32>} : memref<64x128xf32, #tpu.memory_space<vmem>>, vector<1x16xf32>,
      %swap3A_466 = vector.shape_cast %swap3A_465 : vector<1x16xf32> to vector<16xf32>
      %swap3A_467 = vector.shape_cast %broadcast_in_dim3A_25 : vector<16xf32> to vector<1x16xf32>
      tpu.vector_store %swap3A_462[%swap3A_463, %swap3A_464], %swap3A_467 {strides = array<i32>} : memref<64x128xf32, #tpu.memory_space<vmem>>, vector<1x16xf32>,
      %swap3A_468 = arith.constant 0 : i32
      %swap3A_469 = arith.constant 0 : i32
      %swap3A_470 = tpu.memref_slice %arg9[%scan3A, %swap3A_468, %swap3A_469] : memref<5x64x128xf32, #tpu.memory_space<vmem>> -> memref<1x64x128xf32, #tpu.memory_space<vmem>>
      %swap3A_471 = tpu.memref_squeeze %swap3A_470 : memref<1x64x128xf32, #tpu.memory_space<vmem>> -> memref<64x128xf32, #tpu.memory_space<vmem>>
      %swap3A_472 = arith.index_cast %scan3A_413 : i32 to index
      %swap3A_473 = arith.constant 96 : index
      %swap3A_474 = tpu.vector_load %swap3A_471[%swap3A_472, %swap3A_473] {strides = array<i32>} : memref<64x128xf32, #tpu.memory_space<vmem>>, vector<1x16xf32>,
      %swap3A_475 = vector.shape_cast %swap3A_474 : vector<1x16xf32> to vector<16xf32>
      %swap3A_476 = vector.shape_cast %broadcast_in_dim3A_25 : vector<16xf32> to vector<1x16xf32>
      tpu.vector_store %swap3A_471[%swap3A_472, %swap3A_473], %swap3A_476 {strides = array<i32>} : memref<64x128xf32, #tpu.memory_space<vmem>>, vector<1x16xf32>,
      %swap3A_477 = arith.constant 0 : i32
      %swap3A_478 = arith.constant 0 : i32
      %swap3A_479 = tpu.memref_slice %arg9[%scan3A, %swap3A_477, %swap3A_478] : memref<5x64x128xf32, #tpu.memory_space<vmem>> -> memref<1x64x128xf32, #tpu.memory_space<vmem>>
      %swap3A_480 = tpu.memref_squeeze %swap3A_479 : memref<1x64x128xf32, #tpu.memory_space<vmem>> -> memref<64x128xf32, #tpu.memory_space<vmem>>
      %swap3A_481 = arith.index_cast %scan3A_413 : i32 to index
      %swap3A_482 = arith.constant 112 : index
      %swap3A_483 = tpu.vector_load %swap3A_480[%swap3A_481, %swap3A_482] {strides = array<i32>} : memref<64x128xf32, #tpu.memory_space<vmem>>, vector<1x16xf32>,
      %swap3A_484 = vector.shape_cast %swap3A_483 : vector<1x16xf32> to vector<16xf32>
      %swap3A_485 = vector.shape_cast %broadcast_in_dim3A_25 : vector<16xf32> to vector<1x16xf32>
      tpu.vector_store %swap3A_480[%swap3A_481, %swap3A_482], %swap3A_485 {strides = array<i32>} : memref<64x128xf32, #tpu.memory_space<vmem>>, vector<1x16xf32>,
      %scan3A_486 = arith.constant 0 : i32
      scf.yield %scan3A_486 : i32
    }
    %scan3A_32 = arith.constant 64 : i32
    %mul3A_33 = arith.constant 632 : i32
    %mul3A_34 = arith.muli %arg1, %mul3A_33 : i32
    %lt3A_35 = arith.constant 15 : i32
    %lt3A_36 = arith.cmpi slt, %arg1, %lt3A_35 : i32
    %convert_element_type3A = arith.extui %lt3A_36 : i1 to i32
    %cond3A = arith.constant 0 : i32
    %cond3A_37 = arith.cmpi ne, %convert_element_type3A, %cond3A : i32
    scf.if %cond3A_37 {
      %add3A_413 = arith.constant 0 : i32
      %add3A_414 = arith.addi %mul3A_34, %add3A_413 : i32
      %run_scoped3A = arith.constant 0 : i32
      "tpu.region"() ({
        %run_scoped3A_442 = tpu.sem_alloc : memref<!tpu.dma_semaphore, #tpu.memory_space<semaphore_mem>>
        %dma_start3A_443 = arith.constant 0 : i32
        %dma_start3A_444 = arith.constant 0 : i32
        %dma_start3A_445 = tpu.memref_slice %arg9[%run_scoped3A, %dma_start3A_443, %dma_start3A_444] : memref<5x64x128xf32, #tpu.memory_space<vmem>> -> memref<1x64x128xf32, #tpu.memory_space<vmem>>
        %dma_start3A_446 = tpu.memref_squeeze %dma_start3A_445 : memref<1x64x128xf32, #tpu.memory_space<vmem>> -> memref<64x128xf32, #tpu.memory_space<vmem>>
        %dma_start3A_447 = arith.constant 0 : i32
        %dma_start3A_448 = tpu.memref_slice %arg6[%add3A_414, %dma_start3A_447] : memref<10008x128xf32, #tpu.memory_space<vmem_shared>> -> memref<64x128xf32, #tpu.memory_space<vmem_shared>>
        %dma_start3A_449 = arith.constant 0 : i32
        %dma_start3A_450 = tpu.memref_slice %arg6[%add3A_414, %dma_start3A_449] : memref<10008x128xf32, #tpu.memory_space<vmem_shared>> -> memref<64x128xf32, #tpu.memory_space<vmem_shared>>
        %dma_start3A_451 = arith.constant 0 : i32
        %dma_start3A_452 = arith.constant 0 : i32
        %dma_start3A_453 = tpu.memref_slice %arg9[%run_scoped3A, %dma_start3A_451, %dma_start3A_452] : memref<5x64x128xf32, #tpu.memory_space<vmem>> -> memref<1x64x128xf32, #tpu.memory_space<vmem>>
        %dma_start3A_454 = tpu.memref_squeeze %dma_start3A_453 : memref<1x64x128xf32, #tpu.memory_space<vmem>> -> memref<64x128xf32, #tpu.memory_space<vmem>>
        tpu.enqueue_dma source(%dma_start3A_454 : memref<64x128xf32, #tpu.memory_space<vmem>>) target(%dma_start3A_450 : memref<64x128xf32, #tpu.memory_space<vmem_shared>>) target_semaphore(%run_scoped3A_442 : memref<!tpu.dma_semaphore, #tpu.memory_space<semaphore_mem>>)
        %dma_wait3A_455 = arith.constant 0 : i32
        %dma_wait3A_456 = arith.constant 0 : i32
        %dma_wait3A_457 = tpu.memref_slice %arg9[%run_scoped3A, %dma_wait3A_455, %dma_wait3A_456] : memref<5x64x128xf32, #tpu.memory_space<vmem>> -> memref<1x64x128xf32, #tpu.memory_space<vmem>>
        %dma_wait3A_458 = tpu.memref_squeeze %dma_wait3A_457 : memref<1x64x128xf32, #tpu.memory_space<vmem>> -> memref<64x128xf32, #tpu.memory_space<vmem>>
        %dma_wait3A_459 = arith.constant 0 : i32
        %dma_wait3A_460 = tpu.memref_slice %arg6[%add3A_414, %dma_wait3A_459] : memref<10008x128xf32, #tpu.memory_space<vmem_shared>> -> memref<64x128xf32, #tpu.memory_space<vmem_shared>>
        %dma_wait3A_461 = arith.constant 0 : i32
        %dma_wait3A_462 = tpu.memref_slice %arg6[%add3A_414, %dma_wait3A_461] : memref<10008x128xf32, #tpu.memory_space<vmem_shared>> -> memref<64x128xf32, #tpu.memory_space<vmem_shared>>
        %dma_wait3A_463 = arith.constant 0 : i32
        %dma_wait3A_464 = arith.constant 0 : i32
        %dma_wait3A_465 = tpu.memref_slice %arg9[%run_scoped3A, %dma_wait3A_463, %dma_wait3A_464] : memref<5x64x128xf32, #tpu.memory_space<vmem>> -> memref<1x64x128xf32, #tpu.memory_space<vmem>>
        %dma_wait3A_466 = tpu.memref_squeeze %dma_wait3A_465 : memref<1x64x128xf32, #tpu.memory_space<vmem>> -> memref<64x128xf32, #tpu.memory_space<vmem>>
        tpu.wait_dma2 semaphore(%run_scoped3A_442 : memref<!tpu.dma_semaphore, #tpu.memory_space<semaphore_mem>>) src(%dma_wait3A_466 : memref<64x128xf32, #tpu.memory_space<vmem>>) dst(%dma_wait3A_462 : memref<64x128xf32, #tpu.memory_space<vmem_shared>>)
        tpu.yield
      }) : () -> ()
      %add3A_415 = arith.constant 64 : i32
      %add3A_416 = arith.addi %mul3A_34, %add3A_415 : i32
      %run_scoped3A_417 = arith.constant 0 : i32
      "tpu.region"() ({
        %run_scoped3A_442 = tpu.sem_alloc : memref<!tpu.dma_semaphore, #tpu.memory_space<semaphore_mem>>
        %dma_start3A_443 = arith.constant 0 : i32
        %dma_start3A_444 = arith.constant 0 : i32
        %dma_start3A_445 = tpu.memref_slice %arg9[%run_scoped3A_417, %dma_start3A_443, %dma_start3A_444] : memref<5x64x128xf32, #tpu.memory_space<vmem>> -> memref<1x64x128xf32, #tpu.memory_space<vmem>>
        %dma_start3A_446 = tpu.memref_squeeze %dma_start3A_445 : memref<1x64x128xf32, #tpu.memory_space<vmem>> -> memref<64x128xf32, #tpu.memory_space<vmem>>
        %dma_start3A_447 = arith.constant 0 : i32
        %dma_start3A_448 = tpu.memref_slice %arg6[%add3A_416, %dma_start3A_447] : memref<10008x128xf32, #tpu.memory_space<vmem_shared>> -> memref<64x128xf32, #tpu.memory_space<vmem_shared>>
        %dma_start3A_449 = arith.constant 0 : i32
        %dma_start3A_450 = tpu.memref_slice %arg6[%add3A_416, %dma_start3A_449] : memref<10008x128xf32, #tpu.memory_space<vmem_shared>> -> memref<64x128xf32, #tpu.memory_space<vmem_shared>>
        %dma_start3A_451 = arith.constant 0 : i32
        %dma_start3A_452 = arith.constant 0 : i32
        %dma_start3A_453 = tpu.memref_slice %arg9[%run_scoped3A_417, %dma_start3A_451, %dma_start3A_452] : memref<5x64x128xf32, #tpu.memory_space<vmem>> -> memref<1x64x128xf32, #tpu.memory_space<vmem>>
        %dma_start3A_454 = tpu.memref_squeeze %dma_start3A_453 : memref<1x64x128xf32, #tpu.memory_space<vmem>> -> memref<64x128xf32, #tpu.memory_space<vmem>>
        tpu.enqueue_dma source(%dma_start3A_454 : memref<64x128xf32, #tpu.memory_space<vmem>>) target(%dma_start3A_450 : memref<64x128xf32, #tpu.memory_space<vmem_shared>>) target_semaphore(%run_scoped3A_442 : memref<!tpu.dma_semaphore, #tpu.memory_space<semaphore_mem>>)
        %dma_wait3A_455 = arith.constant 0 : i32
        %dma_wait3A_456 = arith.constant 0 : i32
        %dma_wait3A_457 = tpu.memref_slice %arg9[%run_scoped3A_417, %dma_wait3A_455, %dma_wait3A_456] : memref<5x64x128xf32, #tpu.memory_space<vmem>> -> memref<1x64x128xf32, #tpu.memory_space<vmem>>
        %dma_wait3A_458 = tpu.memref_squeeze %dma_wait3A_457 : memref<1x64x128xf32, #tpu.memory_space<vmem>> -> memref<64x128xf32, #tpu.memory_space<vmem>>
        %dma_wait3A_459 = arith.constant 0 : i32
        %dma_wait3A_460 = tpu.memref_slice %arg6[%add3A_416, %dma_wait3A_459] : memref<10008x128xf32, #tpu.memory_space<vmem_shared>> -> memref<64x128xf32, #tpu.memory_space<vmem_shared>>
        %dma_wait3A_461 = arith.constant 0 : i32
        %dma_wait3A_462 = tpu.memref_slice %arg6[%add3A_416, %dma_wait3A_461] : memref<10008x128xf32, #tpu.memory_space<vmem_shared>> -> memref<64x128xf32, #tpu.memory_space<vmem_shared>>
        %dma_wait3A_463 = arith.constant 0 : i32
        %dma_wait3A_464 = arith.constant 0 : i32
        %dma_wait3A_465 = tpu.memref_slice %arg9[%run_scoped3A_417, %dma_wait3A_463, %dma_wait3A_464] : memref<5x64x128xf32, #tpu.memory_space<vmem>> -> memref<1x64x128xf32, #tpu.memory_space<vmem>>
        %dma_wait3A_466 = tpu.memref_squeeze %dma_wait3A_465 : memref<1x64x128xf32, #tpu.memory_space<vmem>> -> memref<64x128xf32, #tpu.memory_space<vmem>>
        tpu.wait_dma2 semaphore(%run_scoped3A_442 : memref<!tpu.dma_semaphore, #tpu.memory_space<semaphore_mem>>) src(%dma_wait3A_466 : memref<64x128xf32, #tpu.memory_space<vmem>>) dst(%dma_wait3A_462 : memref<64x128xf32, #tpu.memory_space<vmem_shared>>)
        tpu.yield
      }) : () -> ()
      %add3A_418 = arith.constant 128 : i32
      %add3A_419 = arith.addi %mul3A_34, %add3A_418 : i32
      %run_scoped3A_420 = arith.constant 0 : i32
      "tpu.region"() ({
        %run_scoped3A_442 = tpu.sem_alloc : memref<!tpu.dma_semaphore, #tpu.memory_space<semaphore_mem>>
        %dma_start3A_443 = arith.constant 0 : i32
        %dma_start3A_444 = arith.constant 0 : i32
        %dma_start3A_445 = tpu.memref_slice %arg9[%run_scoped3A_420, %dma_start3A_443, %dma_start3A_444] : memref<5x64x128xf32, #tpu.memory_space<vmem>> -> memref<1x64x128xf32, #tpu.memory_space<vmem>>
        %dma_start3A_446 = tpu.memref_squeeze %dma_start3A_445 : memref<1x64x128xf32, #tpu.memory_space<vmem>> -> memref<64x128xf32, #tpu.memory_space<vmem>>
        %dma_start3A_447 = arith.constant 0 : i32
        %dma_start3A_448 = tpu.memref_slice %arg6[%add3A_419, %dma_start3A_447] : memref<10008x128xf32, #tpu.memory_space<vmem_shared>> -> memref<64x128xf32, #tpu.memory_space<vmem_shared>>
        %dma_start3A_449 = arith.constant 0 : i32
        %dma_start3A_450 = tpu.memref_slice %arg6[%add3A_419, %dma_start3A_449] : memref<10008x128xf32, #tpu.memory_space<vmem_shared>> -> memref<64x128xf32, #tpu.memory_space<vmem_shared>>
        %dma_start3A_451 = arith.constant 0 : i32
        %dma_start3A_452 = arith.constant 0 : i32
        %dma_start3A_453 = tpu.memref_slice %arg9[%run_scoped3A_420, %dma_start3A_451, %dma_start3A_452] : memref<5x64x128xf32, #tpu.memory_space<vmem>> -> memref<1x64x128xf32, #tpu.memory_space<vmem>>
        %dma_start3A_454 = tpu.memref_squeeze %dma_start3A_453 : memref<1x64x128xf32, #tpu.memory_space<vmem>> -> memref<64x128xf32, #tpu.memory_space<vmem>>
        tpu.enqueue_dma source(%dma_start3A_454 : memref<64x128xf32, #tpu.memory_space<vmem>>) target(%dma_start3A_450 : memref<64x128xf32, #tpu.memory_space<vmem_shared>>) target_semaphore(%run_scoped3A_442 : memref<!tpu.dma_semaphore, #tpu.memory_space<semaphore_mem>>)
        %dma_wait3A_455 = arith.constant 0 : i32
        %dma_wait3A_456 = arith.constant 0 : i32
        %dma_wait3A_457 = tpu.memref_slice %arg9[%run_scoped3A_420, %dma_wait3A_455, %dma_wait3A_456] : memref<5x64x128xf32, #tpu.memory_space<vmem>> -> memref<1x64x128xf32, #tpu.memory_space<vmem>>
        %dma_wait3A_458 = tpu.memref_squeeze %dma_wait3A_457 : memref<1x64x128xf32, #tpu.memory_space<vmem>> -> memref<64x128xf32, #tpu.memory_space<vmem>>
        %dma_wait3A_459 = arith.constant 0 : i32
        %dma_wait3A_460 = tpu.memref_slice %arg6[%add3A_419, %dma_wait3A_459] : memref<10008x128xf32, #tpu.memory_space<vmem_shared>> -> memref<64x128xf32, #tpu.memory_space<vmem_shared>>
        %dma_wait3A_461 = arith.constant 0 : i32
        %dma_wait3A_462 = tpu.memref_slice %arg6[%add3A_419, %dma_wait3A_461] : memref<10008x128xf32, #tpu.memory_space<vmem_shared>> -> memref<64x128xf32, #tpu.memory_space<vmem_shared>>
        %dma_wait3A_463 = arith.constant 0 : i32
        %dma_wait3A_464 = arith.constant 0 : i32
        %dma_wait3A_465 = tpu.memref_slice %arg9[%run_scoped3A_420, %dma_wait3A_463, %dma_wait3A_464] : memref<5x64x128xf32, #tpu.memory_space<vmem>> -> memref<1x64x128xf32, #tpu.memory_space<vmem>>
        %dma_wait3A_466 = tpu.memref_squeeze %dma_wait3A_465 : memref<1x64x128xf32, #tpu.memory_space<vmem>> -> memref<64x128xf32, #tpu.memory_space<vmem>>
        tpu.wait_dma2 semaphore(%run_scoped3A_442 : memref<!tpu.dma_semaphore, #tpu.memory_space<semaphore_mem>>) src(%dma_wait3A_466 : memref<64x128xf32, #tpu.memory_space<vmem>>) dst(%dma_wait3A_462 : memref<64x128xf32, #tpu.memory_space<vmem_shared>>)
        tpu.yield
      }) : () -> ()
      %add3A_421 = arith.constant 192 : i32
      %add3A_422 = arith.addi %mul3A_34, %add3A_421 : i32
      %run_scoped3A_423 = arith.constant 0 : i32
      "tpu.region"() ({
        %run_scoped3A_442 = tpu.sem_alloc : memref<!tpu.dma_semaphore, #tpu.memory_space<semaphore_mem>>
        %dma_start3A_443 = arith.constant 0 : i32
        %dma_start3A_444 = arith.constant 0 : i32
        %dma_start3A_445 = tpu.memref_slice %arg9[%run_scoped3A_423, %dma_start3A_443, %dma_start3A_444] : memref<5x64x128xf32, #tpu.memory_space<vmem>> -> memref<1x64x128xf32, #tpu.memory_space<vmem>>
        %dma_start3A_446 = tpu.memref_squeeze %dma_start3A_445 : memref<1x64x128xf32, #tpu.memory_space<vmem>> -> memref<64x128xf32, #tpu.memory_space<vmem>>
        %dma_start3A_447 = arith.constant 0 : i32
        %dma_start3A_448 = tpu.memref_slice %arg6[%add3A_422, %dma_start3A_447] : memref<10008x128xf32, #tpu.memory_space<vmem_shared>> -> memref<64x128xf32, #tpu.memory_space<vmem_shared>>
        %dma_start3A_449 = arith.constant 0 : i32
        %dma_start3A_450 = tpu.memref_slice %arg6[%add3A_422, %dma_start3A_449] : memref<10008x128xf32, #tpu.memory_space<vmem_shared>> -> memref<64x128xf32, #tpu.memory_space<vmem_shared>>
        %dma_start3A_451 = arith.constant 0 : i32
        %dma_start3A_452 = arith.constant 0 : i32
        %dma_start3A_453 = tpu.memref_slice %arg9[%run_scoped3A_423, %dma_start3A_451, %dma_start3A_452] : memref<5x64x128xf32, #tpu.memory_space<vmem>> -> memref<1x64x128xf32, #tpu.memory_space<vmem>>
        %dma_start3A_454 = tpu.memref_squeeze %dma_start3A_453 : memref<1x64x128xf32, #tpu.memory_space<vmem>> -> memref<64x128xf32, #tpu.memory_space<vmem>>
        tpu.enqueue_dma source(%dma_start3A_454 : memref<64x128xf32, #tpu.memory_space<vmem>>) target(%dma_start3A_450 : memref<64x128xf32, #tpu.memory_space<vmem_shared>>) target_semaphore(%run_scoped3A_442 : memref<!tpu.dma_semaphore, #tpu.memory_space<semaphore_mem>>)
        %dma_wait3A_455 = arith.constant 0 : i32
        %dma_wait3A_456 = arith.constant 0 : i32
        %dma_wait3A_457 = tpu.memref_slice %arg9[%run_scoped3A_423, %dma_wait3A_455, %dma_wait3A_456] : memref<5x64x128xf32, #tpu.memory_space<vmem>> -> memref<1x64x128xf32, #tpu.memory_space<vmem>>
        %dma_wait3A_458 = tpu.memref_squeeze %dma_wait3A_457 : memref<1x64x128xf32, #tpu.memory_space<vmem>> -> memref<64x128xf32, #tpu.memory_space<vmem>>
        %dma_wait3A_459 = arith.constant 0 : i32
        %dma_wait3A_460 = tpu.memref_slice %arg6[%add3A_422, %dma_wait3A_459] : memref<10008x128xf32, #tpu.memory_space<vmem_shared>> -> memref<64x128xf32, #tpu.memory_space<vmem_shared>>
        %dma_wait3A_461 = arith.constant 0 : i32
        %dma_wait3A_462 = tpu.memref_slice %arg6[%add3A_422, %dma_wait3A_461] : memref<10008x128xf32, #tpu.memory_space<vmem_shared>> -> memref<64x128xf32, #tpu.memory_space<vmem_shared>>
        %dma_wait3A_463 = arith.constant 0 : i32
        %dma_wait3A_464 = arith.constant 0 : i32
        %dma_wait3A_465 = tpu.memref_slice %arg9[%run_scoped3A_423, %dma_wait3A_463, %dma_wait3A_464] : memref<5x64x128xf32, #tpu.memory_space<vmem>> -> memref<1x64x128xf32, #tpu.memory_space<vmem>>
        %dma_wait3A_466 = tpu.memref_squeeze %dma_wait3A_465 : memref<1x64x128xf32, #tpu.memory_space<vmem>> -> memref<64x128xf32, #tpu.memory_space<vmem>>
        tpu.wait_dma2 semaphore(%run_scoped3A_442 : memref<!tpu.dma_semaphore, #tpu.memory_space<semaphore_mem>>) src(%dma_wait3A_466 : memref<64x128xf32, #tpu.memory_space<vmem>>) dst(%dma_wait3A_462 : memref<64x128xf32, #tpu.memory_space<vmem_shared>>)
        tpu.yield
      }) : () -> ()
      %add3A_424 = arith.constant 256 : i32
      %add3A_425 = arith.addi %mul3A_34, %add3A_424 : i32
      %run_scoped3A_426 = arith.constant 0 : i32
      "tpu.region"() ({
        %run_scoped3A_442 = tpu.sem_alloc : memref<!tpu.dma_semaphore, #tpu.memory_space<semaphore_mem>>
        %dma_start3A_443 = arith.constant 0 : i32
        %dma_start3A_444 = arith.constant 0 : i32
        %dma_start3A_445 = tpu.memref_slice %arg9[%run_scoped3A_426, %dma_start3A_443, %dma_start3A_444] : memref<5x64x128xf32, #tpu.memory_space<vmem>> -> memref<1x64x128xf32, #tpu.memory_space<vmem>>
        %dma_start3A_446 = tpu.memref_squeeze %dma_start3A_445 : memref<1x64x128xf32, #tpu.memory_space<vmem>> -> memref<64x128xf32, #tpu.memory_space<vmem>>
        %dma_start3A_447 = arith.constant 0 : i32
        %dma_start3A_448 = tpu.memref_slice %arg6[%add3A_425, %dma_start3A_447] : memref<10008x128xf32, #tpu.memory_space<vmem_shared>> -> memref<64x128xf32, #tpu.memory_space<vmem_shared>>
        %dma_start3A_449 = arith.constant 0 : i32
        %dma_start3A_450 = tpu.memref_slice %arg6[%add3A_425, %dma_start3A_449] : memref<10008x128xf32, #tpu.memory_space<vmem_shared>> -> memref<64x128xf32, #tpu.memory_space<vmem_shared>>
        %dma_start3A_451 = arith.constant 0 : i32
        %dma_start3A_452 = arith.constant 0 : i32
        %dma_start3A_453 = tpu.memref_slice %arg9[%run_scoped3A_426, %dma_start3A_451, %dma_start3A_452] : memref<5x64x128xf32, #tpu.memory_space<vmem>> -> memref<1x64x128xf32, #tpu.memory_space<vmem>>
        %dma_start3A_454 = tpu.memref_squeeze %dma_start3A_453 : memref<1x64x128xf32, #tpu.memory_space<vmem>> -> memref<64x128xf32, #tpu.memory_space<vmem>>
        tpu.enqueue_dma source(%dma_start3A_454 : memref<64x128xf32, #tpu.memory_space<vmem>>) target(%dma_start3A_450 : memref<64x128xf32, #tpu.memory_space<vmem_shared>>) target_semaphore(%run_scoped3A_442 : memref<!tpu.dma_semaphore, #tpu.memory_space<semaphore_mem>>)
        %dma_wait3A_455 = arith.constant 0 : i32
        %dma_wait3A_456 = arith.constant 0 : i32
        %dma_wait3A_457 = tpu.memref_slice %arg9[%run_scoped3A_426, %dma_wait3A_455, %dma_wait3A_456] : memref<5x64x128xf32, #tpu.memory_space<vmem>> -> memref<1x64x128xf32, #tpu.memory_space<vmem>>
        %dma_wait3A_458 = tpu.memref_squeeze %dma_wait3A_457 : memref<1x64x128xf32, #tpu.memory_space<vmem>> -> memref<64x128xf32, #tpu.memory_space<vmem>>
        %dma_wait3A_459 = arith.constant 0 : i32
        %dma_wait3A_460 = tpu.memref_slice %arg6[%add3A_425, %dma_wait3A_459] : memref<10008x128xf32, #tpu.memory_space<vmem_shared>> -> memref<64x128xf32, #tpu.memory_space<vmem_shared>>
        %dma_wait3A_461 = arith.constant 0 : i32
        %dma_wait3A_462 = tpu.memref_slice %arg6[%add3A_425, %dma_wait3A_461] : memref<10008x128xf32, #tpu.memory_space<vmem_shared>> -> memref<64x128xf32, #tpu.memory_space<vmem_shared>>
        %dma_wait3A_463 = arith.constant 0 : i32
        %dma_wait3A_464 = arith.constant 0 : i32
        %dma_wait3A_465 = tpu.memref_slice %arg9[%run_scoped3A_426, %dma_wait3A_463, %dma_wait3A_464] : memref<5x64x128xf32, #tpu.memory_space<vmem>> -> memref<1x64x128xf32, #tpu.memory_space<vmem>>
        %dma_wait3A_466 = tpu.memref_squeeze %dma_wait3A_465 : memref<1x64x128xf32, #tpu.memory_space<vmem>> -> memref<64x128xf32, #tpu.memory_space<vmem>>
        tpu.wait_dma2 semaphore(%run_scoped3A_442 : memref<!tpu.dma_semaphore, #tpu.memory_space<semaphore_mem>>) src(%dma_wait3A_466 : memref<64x128xf32, #tpu.memory_space<vmem>>) dst(%dma_wait3A_462 : memref<64x128xf32, #tpu.memory_space<vmem_shared>>)
        tpu.yield
      }) : () -> ()
      %add3A_427 = arith.constant 320 : i32
      %add3A_428 = arith.addi %mul3A_34, %add3A_427 : i32
      %run_scoped3A_429 = arith.constant 0 : i32
      "tpu.region"() ({
        %run_scoped3A_442 = tpu.sem_alloc : memref<!tpu.dma_semaphore, #tpu.memory_space<semaphore_mem>>
        %dma_start3A_443 = arith.constant 0 : i32
        %dma_start3A_444 = arith.constant 0 : i32
        %dma_start3A_445 = tpu.memref_slice %arg9[%run_scoped3A_429, %dma_start3A_443, %dma_start3A_444] : memref<5x64x128xf32, #tpu.memory_space<vmem>> -> memref<1x64x128xf32, #tpu.memory_space<vmem>>
        %dma_start3A_446 = tpu.memref_squeeze %dma_start3A_445 : memref<1x64x128xf32, #tpu.memory_space<vmem>> -> memref<64x128xf32, #tpu.memory_space<vmem>>
        %dma_start3A_447 = arith.constant 0 : i32
        %dma_start3A_448 = tpu.memref_slice %arg6[%add3A_428, %dma_start3A_447] : memref<10008x128xf32, #tpu.memory_space<vmem_shared>> -> memref<64x128xf32, #tpu.memory_space<vmem_shared>>
        %dma_start3A_449 = arith.constant 0 : i32
        %dma_start3A_450 = tpu.memref_slice %arg6[%add3A_428, %dma_start3A_449] : memref<10008x128xf32, #tpu.memory_space<vmem_shared>> -> memref<64x128xf32, #tpu.memory_space<vmem_shared>>
        %dma_start3A_451 = arith.constant 0 : i32
        %dma_start3A_452 = arith.constant 0 : i32
        %dma_start3A_453 = tpu.memref_slice %arg9[%run_scoped3A_429, %dma_start3A_451, %dma_start3A_452] : memref<5x64x128xf32, #tpu.memory_space<vmem>> -> memref<1x64x128xf32, #tpu.memory_space<vmem>>
        %dma_start3A_454 = tpu.memref_squeeze %dma_start3A_453 : memref<1x64x128xf32, #tpu.memory_space<vmem>> -> memref<64x128xf32, #tpu.memory_space<vmem>>
        tpu.enqueue_dma source(%dma_start3A_454 : memref<64x128xf32, #tpu.memory_space<vmem>>) target(%dma_start3A_450 : memref<64x128xf32, #tpu.memory_space<vmem_shared>>) target_semaphore(%run_scoped3A_442 : memref<!tpu.dma_semaphore, #tpu.memory_space<semaphore_mem>>)
        %dma_wait3A_455 = arith.constant 0 : i32
        %dma_wait3A_456 = arith.constant 0 : i32
        %dma_wait3A_457 = tpu.memref_slice %arg9[%run_scoped3A_429, %dma_wait3A_455, %dma_wait3A_456] : memref<5x64x128xf32, #tpu.memory_space<vmem>> -> memref<1x64x128xf32, #tpu.memory_space<vmem>>
        %dma_wait3A_458 = tpu.memref_squeeze %dma_wait3A_457 : memref<1x64x128xf32, #tpu.memory_space<vmem>> -> memref<64x128xf32, #tpu.memory_space<vmem>>
        %dma_wait3A_459 = arith.constant 0 : i32
        %dma_wait3A_460 = tpu.memref_slice %arg6[%add3A_428, %dma_wait3A_459] : memref<10008x128xf32, #tpu.memory_space<vmem_shared>> -> memref<64x128xf32, #tpu.memory_space<vmem_shared>>
        %dma_wait3A_461 = arith.constant 0 : i32
        %dma_wait3A_462 = tpu.memref_slice %arg6[%add3A_428, %dma_wait3A_461] : memref<10008x128xf32, #tpu.memory_space<vmem_shared>> -> memref<64x128xf32, #tpu.memory_space<vmem_shared>>
        %dma_wait3A_463 = arith.constant 0 : i32
        %dma_wait3A_464 = arith.constant 0 : i32
        %dma_wait3A_465 = tpu.memref_slice %arg9[%run_scoped3A_429, %dma_wait3A_463, %dma_wait3A_464] : memref<5x64x128xf32, #tpu.memory_space<vmem>> -> memref<1x64x128xf32, #tpu.memory_space<vmem>>
        %dma_wait3A_466 = tpu.memref_squeeze %dma_wait3A_465 : memref<1x64x128xf32, #tpu.memory_space<vmem>> -> memref<64x128xf32, #tpu.memory_space<vmem>>
        tpu.wait_dma2 semaphore(%run_scoped3A_442 : memref<!tpu.dma_semaphore, #tpu.memory_space<semaphore_mem>>) src(%dma_wait3A_466 : memref<64x128xf32, #tpu.memory_space<vmem>>) dst(%dma_wait3A_462 : memref<64x128xf32, #tpu.memory_space<vmem_shared>>)
        tpu.yield
      }) : () -> ()
      %add3A_430 = arith.constant 384 : i32
      %add3A_431 = arith.addi %mul3A_34, %add3A_430 : i32
      %run_scoped3A_432 = arith.constant 0 : i32
      "tpu.region"() ({
        %run_scoped3A_442 = tpu.sem_alloc : memref<!tpu.dma_semaphore, #tpu.memory_space<semaphore_mem>>
        %dma_start3A_443 = arith.constant 0 : i32
        %dma_start3A_444 = arith.constant 0 : i32
        %dma_start3A_445 = tpu.memref_slice %arg9[%run_scoped3A_432, %dma_start3A_443, %dma_start3A_444] : memref<5x64x128xf32, #tpu.memory_space<vmem>> -> memref<1x64x128xf32, #tpu.memory_space<vmem>>
        %dma_start3A_446 = tpu.memref_squeeze %dma_start3A_445 : memref<1x64x128xf32, #tpu.memory_space<vmem>> -> memref<64x128xf32, #tpu.memory_space<vmem>>
        %dma_start3A_447 = arith.constant 0 : i32
        %dma_start3A_448 = tpu.memref_slice %arg6[%add3A_431, %dma_start3A_447] : memref<10008x128xf32, #tpu.memory_space<vmem_shared>> -> memref<64x128xf32, #tpu.memory_space<vmem_shared>>
        %dma_start3A_449 = arith.constant 0 : i32
        %dma_start3A_450 = tpu.memref_slice %arg6[%add3A_431, %dma_start3A_449] : memref<10008x128xf32, #tpu.memory_space<vmem_shared>> -> memref<64x128xf32, #tpu.memory_space<vmem_shared>>
        %dma_start3A_451 = arith.constant 0 : i32
        %dma_start3A_452 = arith.constant 0 : i32
        %dma_start3A_453 = tpu.memref_slice %arg9[%run_scoped3A_432, %dma_start3A_451, %dma_start3A_452] : memref<5x64x128xf32, #tpu.memory_space<vmem>> -> memref<1x64x128xf32, #tpu.memory_space<vmem>>
        %dma_start3A_454 = tpu.memref_squeeze %dma_start3A_453 : memref<1x64x128xf32, #tpu.memory_space<vmem>> -> memref<64x128xf32, #tpu.memory_space<vmem>>
        tpu.enqueue_dma source(%dma_start3A_454 : memref<64x128xf32, #tpu.memory_space<vmem>>) target(%dma_start3A_450 : memref<64x128xf32, #tpu.memory_space<vmem_shared>>) target_semaphore(%run_scoped3A_442 : memref<!tpu.dma_semaphore, #tpu.memory_space<semaphore_mem>>)
        %dma_wait3A_455 = arith.constant 0 : i32
        %dma_wait3A_456 = arith.constant 0 : i32
        %dma_wait3A_457 = tpu.memref_slice %arg9[%run_scoped3A_432, %dma_wait3A_455, %dma_wait3A_456] : memref<5x64x128xf32, #tpu.memory_space<vmem>> -> memref<1x64x128xf32, #tpu.memory_space<vmem>>
        %dma_wait3A_458 = tpu.memref_squeeze %dma_wait3A_457 : memref<1x64x128xf32, #tpu.memory_space<vmem>> -> memref<64x128xf32, #tpu.memory_space<vmem>>
        %dma_wait3A_459 = arith.constant 0 : i32
        %dma_wait3A_460 = tpu.memref_slice %arg6[%add3A_431, %dma_wait3A_459] : memref<10008x128xf32, #tpu.memory_space<vmem_shared>> -> memref<64x128xf32, #tpu.memory_space<vmem_shared>>
        %dma_wait3A_461 = arith.constant 0 : i32
        %dma_wait3A_462 = tpu.memref_slice %arg6[%add3A_431, %dma_wait3A_461] : memref<10008x128xf32, #tpu.memory_space<vmem_shared>> -> memref<64x128xf32, #tpu.memory_space<vmem_shared>>
        %dma_wait3A_463 = arith.constant 0 : i32
        %dma_wait3A_464 = arith.constant 0 : i32
        %dma_wait3A_465 = tpu.memref_slice %arg9[%run_scoped3A_432, %dma_wait3A_463, %dma_wait3A_464] : memref<5x64x128xf32, #tpu.memory_space<vmem>> -> memref<1x64x128xf32, #tpu.memory_space<vmem>>
        %dma_wait3A_466 = tpu.memref_squeeze %dma_wait3A_465 : memref<1x64x128xf32, #tpu.memory_space<vmem>> -> memref<64x128xf32, #tpu.memory_space<vmem>>
        tpu.wait_dma2 semaphore(%run_scoped3A_442 : memref<!tpu.dma_semaphore, #tpu.memory_space<semaphore_mem>>) src(%dma_wait3A_466 : memref<64x128xf32, #tpu.memory_space<vmem>>) dst(%dma_wait3A_462 : memref<64x128xf32, #tpu.memory_space<vmem_shared>>)
        tpu.yield
      }) : () -> ()
      %add3A_433 = arith.constant 448 : i32
      %add3A_434 = arith.addi %mul3A_34, %add3A_433 : i32
      %run_scoped3A_435 = arith.constant 0 : i32
      "tpu.region"() ({
        %run_scoped3A_442 = tpu.sem_alloc : memref<!tpu.dma_semaphore, #tpu.memory_space<semaphore_mem>>
        %dma_start3A_443 = arith.constant 0 : i32
        %dma_start3A_444 = arith.constant 0 : i32
        %dma_start3A_445 = tpu.memref_slice %arg9[%run_scoped3A_435, %dma_start3A_443, %dma_start3A_444] : memref<5x64x128xf32, #tpu.memory_space<vmem>> -> memref<1x64x128xf32, #tpu.memory_space<vmem>>
        %dma_start3A_446 = tpu.memref_squeeze %dma_start3A_445 : memref<1x64x128xf32, #tpu.memory_space<vmem>> -> memref<64x128xf32, #tpu.memory_space<vmem>>
        %dma_start3A_447 = arith.constant 0 : i32
        %dma_start3A_448 = tpu.memref_slice %arg6[%add3A_434, %dma_start3A_447] : memref<10008x128xf32, #tpu.memory_space<vmem_shared>> -> memref<64x128xf32, #tpu.memory_space<vmem_shared>>
        %dma_start3A_449 = arith.constant 0 : i32
        %dma_start3A_450 = tpu.memref_slice %arg6[%add3A_434, %dma_start3A_449] : memref<10008x128xf32, #tpu.memory_space<vmem_shared>> -> memref<64x128xf32, #tpu.memory_space<vmem_shared>>
        %dma_start3A_451 = arith.constant 0 : i32
        %dma_start3A_452 = arith.constant 0 : i32
        %dma_start3A_453 = tpu.memref_slice %arg9[%run_scoped3A_435, %dma_start3A_451, %dma_start3A_452] : memref<5x64x128xf32, #tpu.memory_space<vmem>> -> memref<1x64x128xf32, #tpu.memory_space<vmem>>
        %dma_start3A_454 = tpu.memref_squeeze %dma_start3A_453 : memref<1x64x128xf32, #tpu.memory_space<vmem>> -> memref<64x128xf32, #tpu.memory_space<vmem>>
        tpu.enqueue_dma source(%dma_start3A_454 : memref<64x128xf32, #tpu.memory_space<vmem>>) target(%dma_start3A_450 : memref<64x128xf32, #tpu.memory_space<vmem_shared>>) target_semaphore(%run_scoped3A_442 : memref<!tpu.dma_semaphore, #tpu.memory_space<semaphore_mem>>)
        %dma_wait3A_455 = arith.constant 0 : i32
        %dma_wait3A_456 = arith.constant 0 : i32
        %dma_wait3A_457 = tpu.memref_slice %arg9[%run_scoped3A_435, %dma_wait3A_455, %dma_wait3A_456] : memref<5x64x128xf32, #tpu.memory_space<vmem>> -> memref<1x64x128xf32, #tpu.memory_space<vmem>>
        %dma_wait3A_458 = tpu.memref_squeeze %dma_wait3A_457 : memref<1x64x128xf32, #tpu.memory_space<vmem>> -> memref<64x128xf32, #tpu.memory_space<vmem>>
        %dma_wait3A_459 = arith.constant 0 : i32
        %dma_wait3A_460 = tpu.memref_slice %arg6[%add3A_434, %dma_wait3A_459] : memref<10008x128xf32, #tpu.memory_space<vmem_shared>> -> memref<64x128xf32, #tpu.memory_space<vmem_shared>>
        %dma_wait3A_461 = arith.constant 0 : i32
        %dma_wait3A_462 = tpu.memref_slice %arg6[%add3A_434, %dma_wait3A_461] : memref<10008x128xf32, #tpu.memory_space<vmem_shared>> -> memref<64x128xf32, #tpu.memory_space<vmem_shared>>
        %dma_wait3A_463 = arith.constant 0 : i32
        %dma_wait3A_464 = arith.constant 0 : i32
        %dma_wait3A_465 = tpu.memref_slice %arg9[%run_scoped3A_435, %dma_wait3A_463, %dma_wait3A_464] : memref<5x64x128xf32, #tpu.memory_space<vmem>> -> memref<1x64x128xf32, #tpu.memory_space<vmem>>
        %dma_wait3A_466 = tpu.memref_squeeze %dma_wait3A_465 : memref<1x64x128xf32, #tpu.memory_space<vmem>> -> memref<64x128xf32, #tpu.memory_space<vmem>>
        tpu.wait_dma2 semaphore(%run_scoped3A_442 : memref<!tpu.dma_semaphore, #tpu.memory_space<semaphore_mem>>) src(%dma_wait3A_466 : memref<64x128xf32, #tpu.memory_space<vmem>>) dst(%dma_wait3A_462 : memref<64x128xf32, #tpu.memory_space<vmem_shared>>)
        tpu.yield
      }) : () -> ()
      %add3A_436 = arith.constant 512 : i32
      %add3A_437 = arith.addi %mul3A_34, %add3A_436 : i32
      %run_scoped3A_438 = arith.constant 0 : i32
      "tpu.region"() ({
        %run_scoped3A_442 = tpu.sem_alloc : memref<!tpu.dma_semaphore, #tpu.memory_space<semaphore_mem>>
        %dma_start3A_443 = arith.constant 0 : i32
        %dma_start3A_444 = arith.constant 0 : i32
        %dma_start3A_445 = tpu.memref_slice %arg9[%run_scoped3A_438, %dma_start3A_443, %dma_start3A_444] : memref<5x64x128xf32, #tpu.memory_space<vmem>> -> memref<1x64x128xf32, #tpu.memory_space<vmem>>
        %dma_start3A_446 = tpu.memref_squeeze %dma_start3A_445 : memref<1x64x128xf32, #tpu.memory_space<vmem>> -> memref<64x128xf32, #tpu.memory_space<vmem>>
        %dma_start3A_447 = arith.constant 0 : i32
        %dma_start3A_448 = tpu.memref_slice %arg6[%add3A_437, %dma_start3A_447] : memref<10008x128xf32, #tpu.memory_space<vmem_shared>> -> memref<64x128xf32, #tpu.memory_space<vmem_shared>>
        %dma_start3A_449 = arith.constant 0 : i32
        %dma_start3A_450 = tpu.memref_slice %arg6[%add3A_437, %dma_start3A_449] : memref<10008x128xf32, #tpu.memory_space<vmem_shared>> -> memref<64x128xf32, #tpu.memory_space<vmem_shared>>
        %dma_start3A_451 = arith.constant 0 : i32
        %dma_start3A_452 = arith.constant 0 : i32
        %dma_start3A_453 = tpu.memref_slice %arg9[%run_scoped3A_438, %dma_start3A_451, %dma_start3A_452] : memref<5x64x128xf32, #tpu.memory_space<vmem>> -> memref<1x64x128xf32, #tpu.memory_space<vmem>>
        %dma_start3A_454 = tpu.memref_squeeze %dma_start3A_453 : memref<1x64x128xf32, #tpu.memory_space<vmem>> -> memref<64x128xf32, #tpu.memory_space<vmem>>
        tpu.enqueue_dma source(%dma_start3A_454 : memref<64x128xf32, #tpu.memory_space<vmem>>) target(%dma_start3A_450 : memref<64x128xf32, #tpu.memory_space<vmem_shared>>) target_semaphore(%run_scoped3A_442 : memref<!tpu.dma_semaphore, #tpu.memory_space<semaphore_mem>>)
        %dma_wait3A_455 = arith.constant 0 : i32
        %dma_wait3A_456 = arith.constant 0 : i32
        %dma_wait3A_457 = tpu.memref_slice %arg9[%run_scoped3A_438, %dma_wait3A_455, %dma_wait3A_456] : memref<5x64x128xf32, #tpu.memory_space<vmem>> -> memref<1x64x128xf32, #tpu.memory_space<vmem>>
        %dma_wait3A_458 = tpu.memref_squeeze %dma_wait3A_457 : memref<1x64x128xf32, #tpu.memory_space<vmem>> -> memref<64x128xf32, #tpu.memory_space<vmem>>
        %dma_wait3A_459 = arith.constant 0 : i32
        %dma_wait3A_460 = tpu.memref_slice %arg6[%add3A_437, %dma_wait3A_459] : memref<10008x128xf32, #tpu.memory_space<vmem_shared>> -> memref<64x128xf32, #tpu.memory_space<vmem_shared>>
        %dma_wait3A_461 = arith.constant 0 : i32
        %dma_wait3A_462 = tpu.memref_slice %arg6[%add3A_437, %dma_wait3A_461] : memref<10008x128xf32, #tpu.memory_space<vmem_shared>> -> memref<64x128xf32, #tpu.memory_space<vmem_shared>>
        %dma_wait3A_463 = arith.constant 0 : i32
        %dma_wait3A_464 = arith.constant 0 : i32
        %dma_wait3A_465 = tpu.memref_slice %arg9[%run_scoped3A_438, %dma_wait3A_463, %dma_wait3A_464] : memref<5x64x128xf32, #tpu.memory_space<vmem>> -> memref<1x64x128xf32, #tpu.memory_space<vmem>>
        %dma_wait3A_466 = tpu.memref_squeeze %dma_wait3A_465 : memref<1x64x128xf32, #tpu.memory_space<vmem>> -> memref<64x128xf32, #tpu.memory_space<vmem>>
        tpu.wait_dma2 semaphore(%run_scoped3A_442 : memref<!tpu.dma_semaphore, #tpu.memory_space<semaphore_mem>>) src(%dma_wait3A_466 : memref<64x128xf32, #tpu.memory_space<vmem>>) dst(%dma_wait3A_462 : memref<64x128xf32, #tpu.memory_space<vmem_shared>>)
        tpu.yield
      }) : () -> ()
      %add3A_439 = arith.constant 576 : i32
      %add3A_440 = arith.addi %mul3A_34, %add3A_439 : i32
      %run_scoped3A_441 = arith.constant 0 : i32
      "tpu.region"() ({
        %run_scoped3A_442 = tpu.sem_alloc : memref<!tpu.dma_semaphore, #tpu.memory_space<semaphore_mem>>
        %dma_start3A_443 = arith.constant 0 : i32
        %dma_start3A_444 = arith.constant 0 : i32
        %dma_start3A_445 = tpu.memref_slice %arg9[%run_scoped3A_441, %dma_start3A_443, %dma_start3A_444] : memref<5x64x128xf32, #tpu.memory_space<vmem>> -> memref<1x64x128xf32, #tpu.memory_space<vmem>>
        %dma_start3A_446 = tpu.memref_squeeze %dma_start3A_445 : memref<1x64x128xf32, #tpu.memory_space<vmem>> -> memref<64x128xf32, #tpu.memory_space<vmem>>
        %dma_start3A_447 = arith.constant 0 : i32
        %dma_start3A_448 = arith.constant 0 : i32
        %dma_start3A_449 = tpu.memref_slice %dma_start3A_446[%dma_start3A_447, %dma_start3A_448] : memref<64x128xf32, #tpu.memory_space<vmem>> -> memref<56x128xf32, #tpu.memory_space<vmem>>
        %dma_start3A_450 = arith.constant 0 : i32
        %dma_start3A_451 = tpu.memref_slice %arg6[%add3A_440, %dma_start3A_450] : memref<10008x128xf32, #tpu.memory_space<vmem_shared>> -> memref<56x128xf32, #tpu.memory_space<vmem_shared>>
        %dma_start3A_452 = arith.constant 0 : i32
        %dma_start3A_453 = tpu.memref_slice %arg6[%add3A_440, %dma_start3A_452] : memref<10008x128xf32, #tpu.memory_space<vmem_shared>> -> memref<56x128xf32, #tpu.memory_space<vmem_shared>>
        %dma_start3A_454 = arith.constant 0 : i32
        %dma_start3A_455 = arith.constant 0 : i32
        %dma_start3A_456 = tpu.memref_slice %arg9[%run_scoped3A_441, %dma_start3A_454, %dma_start3A_455] : memref<5x64x128xf32, #tpu.memory_space<vmem>> -> memref<1x64x128xf32, #tpu.memory_space<vmem>>
        %dma_start3A_457 = tpu.memref_squeeze %dma_start3A_456 : memref<1x64x128xf32, #tpu.memory_space<vmem>> -> memref<64x128xf32, #tpu.memory_space<vmem>>
        %dma_start3A_458 = arith.constant 0 : i32
        %dma_start3A_459 = arith.constant 0 : i32
        %dma_start3A_460 = tpu.memref_slice %dma_start3A_457[%dma_start3A_458, %dma_start3A_459] : memref<64x128xf32, #tpu.memory_space<vmem>> -> memref<56x128xf32, #tpu.memory_space<vmem>>
        tpu.enqueue_dma source(%dma_start3A_460 : memref<56x128xf32, #tpu.memory_space<vmem>>) target(%dma_start3A_453 : memref<56x128xf32, #tpu.memory_space<vmem_shared>>) target_semaphore(%run_scoped3A_442 : memref<!tpu.dma_semaphore, #tpu.memory_space<semaphore_mem>>)
        %dma_wait3A_461 = arith.constant 0 : i32
        %dma_wait3A_462 = arith.constant 0 : i32
        %dma_wait3A_463 = tpu.memref_slice %arg9[%run_scoped3A_441, %dma_wait3A_461, %dma_wait3A_462] : memref<5x64x128xf32, #tpu.memory_space<vmem>> -> memref<1x64x128xf32, #tpu.memory_space<vmem>>
        %dma_wait3A_464 = tpu.memref_squeeze %dma_wait3A_463 : memref<1x64x128xf32, #tpu.memory_space<vmem>> -> memref<64x128xf32, #tpu.memory_space<vmem>>
        %dma_wait3A_465 = arith.constant 0 : i32
        %dma_wait3A_466 = arith.constant 0 : i32
        %dma_wait3A_467 = tpu.memref_slice %dma_wait3A_464[%dma_wait3A_465, %dma_wait3A_466] : memref<64x128xf32, #tpu.memory_space<vmem>> -> memref<56x128xf32, #tpu.memory_space<vmem>>
        %dma_wait3A_468 = arith.constant 0 : i32
        %dma_wait3A_469 = tpu.memref_slice %arg6[%add3A_440, %dma_wait3A_468] : memref<10008x128xf32, #tpu.memory_space<vmem_shared>> -> memref<56x128xf32, #tpu.memory_space<vmem_shared>>
        %dma_wait3A_470 = arith.constant 0 : i32
        %dma_wait3A_471 = tpu.memref_slice %arg6[%add3A_440, %dma_wait3A_470] : memref<10008x128xf32, #tpu.memory_space<vmem_shared>> -> memref<56x128xf32, #tpu.memory_space<vmem_shared>>
        %dma_wait3A_472 = arith.constant 0 : i32
        %dma_wait3A_473 = arith.constant 0 : i32
        %dma_wait3A_474 = tpu.memref_slice %arg9[%run_scoped3A_441, %dma_wait3A_472, %dma_wait3A_473] : memref<5x64x128xf32, #tpu.memory_space<vmem>> -> memref<1x64x128xf32, #tpu.memory_space<vmem>>
        %dma_wait3A_475 = tpu.memref_squeeze %dma_wait3A_474 : memref<1x64x128xf32, #tpu.memory_space<vmem>> -> memref<64x128xf32, #tpu.memory_space<vmem>>
        %dma_wait3A_476 = arith.constant 0 : i32
        %dma_wait3A_477 = arith.constant 0 : i32
        %dma_wait3A_478 = tpu.memref_slice %dma_wait3A_475[%dma_wait3A_476, %dma_wait3A_477] : memref<64x128xf32, #tpu.memory_space<vmem>> -> memref<56x128xf32, #tpu.memory_space<vmem>>
        tpu.wait_dma2 semaphore(%run_scoped3A_442 : memref<!tpu.dma_semaphore, #tpu.memory_space<semaphore_mem>>) src(%dma_wait3A_478 : memref<56x128xf32, #tpu.memory_space<vmem>>) dst(%dma_wait3A_471 : memref<56x128xf32, #tpu.memory_space<vmem_shared>>)
        tpu.yield
      }) : () -> ()
    } else {
    }
    %eq3A_38 = arith.constant 15 : i32
    %eq3A_39 = arith.cmpi eq, %arg1, %eq3A_38 : i32
    %convert_element_type3A_40 = arith.extui %eq3A_39 : i1 to i32
    %cond3A_41 = arith.constant 0 : i32
    %cond3A_42 = arith.cmpi ne, %convert_element_type3A_40, %cond3A_41 : i32
    scf.if %cond3A_42 {
      %add3A_413 = arith.constant 0 : i32
      %add3A_414 = arith.addi %mul3A_34, %add3A_413 : i32
      %run_scoped3A = arith.constant 0 : i32
      "tpu.region"() ({
        %run_scoped3A_439 = tpu.sem_alloc : memref<!tpu.dma_semaphore, #tpu.memory_space<semaphore_mem>>
        %dma_start3A_440 = arith.constant 0 : i32
        %dma_start3A_441 = arith.constant 0 : i32
        %dma_start3A_442 = tpu.memref_slice %arg9[%run_scoped3A, %dma_start3A_440, %dma_start3A_441] : memref<5x64x128xf32, #tpu.memory_space<vmem>> -> memref<1x64x128xf32, #tpu.memory_space<vmem>>
        %dma_start3A_443 = tpu.memref_squeeze %dma_start3A_442 : memref<1x64x128xf32, #tpu.memory_space<vmem>> -> memref<64x128xf32, #tpu.memory_space<vmem>>
        %dma_start3A_444 = arith.constant 0 : i32
        %dma_start3A_445 = tpu.memref_slice %arg6[%add3A_414, %dma_start3A_444] : memref<10008x128xf32, #tpu.memory_space<vmem_shared>> -> memref<64x128xf32, #tpu.memory_space<vmem_shared>>
        %dma_start3A_446 = arith.constant 0 : i32
        %dma_start3A_447 = tpu.memref_slice %arg6[%add3A_414, %dma_start3A_446] : memref<10008x128xf32, #tpu.memory_space<vmem_shared>> -> memref<64x128xf32, #tpu.memory_space<vmem_shared>>
        %dma_start3A_448 = arith.constant 0 : i32
        %dma_start3A_449 = arith.constant 0 : i32
        %dma_start3A_450 = tpu.memref_slice %arg9[%run_scoped3A, %dma_start3A_448, %dma_start3A_449] : memref<5x64x128xf32, #tpu.memory_space<vmem>> -> memref<1x64x128xf32, #tpu.memory_space<vmem>>
        %dma_start3A_451 = tpu.memref_squeeze %dma_start3A_450 : memref<1x64x128xf32, #tpu.memory_space<vmem>> -> memref<64x128xf32, #tpu.memory_space<vmem>>
        tpu.enqueue_dma source(%dma_start3A_451 : memref<64x128xf32, #tpu.memory_space<vmem>>) target(%dma_start3A_447 : memref<64x128xf32, #tpu.memory_space<vmem_shared>>) target_semaphore(%run_scoped3A_439 : memref<!tpu.dma_semaphore, #tpu.memory_space<semaphore_mem>>)
        %dma_wait3A_452 = arith.constant 0 : i32
        %dma_wait3A_453 = arith.constant 0 : i32
        %dma_wait3A_454 = tpu.memref_slice %arg9[%run_scoped3A, %dma_wait3A_452, %dma_wait3A_453] : memref<5x64x128xf32, #tpu.memory_space<vmem>> -> memref<1x64x128xf32, #tpu.memory_space<vmem>>
        %dma_wait3A_455 = tpu.memref_squeeze %dma_wait3A_454 : memref<1x64x128xf32, #tpu.memory_space<vmem>> -> memref<64x128xf32, #tpu.memory_space<vmem>>
        %dma_wait3A_456 = arith.constant 0 : i32
        %dma_wait3A_457 = tpu.memref_slice %arg6[%add3A_414, %dma_wait3A_456] : memref<10008x128xf32, #tpu.memory_space<vmem_shared>> -> memref<64x128xf32, #tpu.memory_space<vmem_shared>>
        %dma_wait3A_458 = arith.constant 0 : i32
        %dma_wait3A_459 = tpu.memref_slice %arg6[%add3A_414, %dma_wait3A_458] : memref<10008x128xf32, #tpu.memory_space<vmem_shared>> -> memref<64x128xf32, #tpu.memory_space<vmem_shared>>
        %dma_wait3A_460 = arith.constant 0 : i32
        %dma_wait3A_461 = arith.constant 0 : i32
        %dma_wait3A_462 = tpu.memref_slice %arg9[%run_scoped3A, %dma_wait3A_460, %dma_wait3A_461] : memref<5x64x128xf32, #tpu.memory_space<vmem>> -> memref<1x64x128xf32, #tpu.memory_space<vmem>>
        %dma_wait3A_463 = tpu.memref_squeeze %dma_wait3A_462 : memref<1x64x128xf32, #tpu.memory_space<vmem>> -> memref<64x128xf32, #tpu.memory_space<vmem>>
        tpu.wait_dma2 semaphore(%run_scoped3A_439 : memref<!tpu.dma_semaphore, #tpu.memory_space<semaphore_mem>>) src(%dma_wait3A_463 : memref<64x128xf32, #tpu.memory_space<vmem>>) dst(%dma_wait3A_459 : memref<64x128xf32, #tpu.memory_space<vmem_shared>>)
        tpu.yield
      }) : () -> ()
      %add3A_415 = arith.constant 64 : i32
      %add3A_416 = arith.addi %mul3A_34, %add3A_415 : i32
      %run_scoped3A_417 = arith.constant 0 : i32
      "tpu.region"() ({
        %run_scoped3A_439 = tpu.sem_alloc : memref<!tpu.dma_semaphore, #tpu.memory_space<semaphore_mem>>
        %dma_start3A_440 = arith.constant 0 : i32
        %dma_start3A_441 = arith.constant 0 : i32
        %dma_start3A_442 = tpu.memref_slice %arg9[%run_scoped3A_417, %dma_start3A_440, %dma_start3A_441] : memref<5x64x128xf32, #tpu.memory_space<vmem>> -> memref<1x64x128xf32, #tpu.memory_space<vmem>>
        %dma_start3A_443 = tpu.memref_squeeze %dma_start3A_442 : memref<1x64x128xf32, #tpu.memory_space<vmem>> -> memref<64x128xf32, #tpu.memory_space<vmem>>
        %dma_start3A_444 = arith.constant 0 : i32
        %dma_start3A_445 = tpu.memref_slice %arg6[%add3A_416, %dma_start3A_444] : memref<10008x128xf32, #tpu.memory_space<vmem_shared>> -> memref<64x128xf32, #tpu.memory_space<vmem_shared>>
        %dma_start3A_446 = arith.constant 0 : i32
        %dma_start3A_447 = tpu.memref_slice %arg6[%add3A_416, %dma_start3A_446] : memref<10008x128xf32, #tpu.memory_space<vmem_shared>> -> memref<64x128xf32, #tpu.memory_space<vmem_shared>>
        %dma_start3A_448 = arith.constant 0 : i32
        %dma_start3A_449 = arith.constant 0 : i32
        %dma_start3A_450 = tpu.memref_slice %arg9[%run_scoped3A_417, %dma_start3A_448, %dma_start3A_449] : memref<5x64x128xf32, #tpu.memory_space<vmem>> -> memref<1x64x128xf32, #tpu.memory_space<vmem>>
        %dma_start3A_451 = tpu.memref_squeeze %dma_start3A_450 : memref<1x64x128xf32, #tpu.memory_space<vmem>> -> memref<64x128xf32, #tpu.memory_space<vmem>>
        tpu.enqueue_dma source(%dma_start3A_451 : memref<64x128xf32, #tpu.memory_space<vmem>>) target(%dma_start3A_447 : memref<64x128xf32, #tpu.memory_space<vmem_shared>>) target_semaphore(%run_scoped3A_439 : memref<!tpu.dma_semaphore, #tpu.memory_space<semaphore_mem>>)
        %dma_wait3A_452 = arith.constant 0 : i32
        %dma_wait3A_453 = arith.constant 0 : i32
        %dma_wait3A_454 = tpu.memref_slice %arg9[%run_scoped3A_417, %dma_wait3A_452, %dma_wait3A_453] : memref<5x64x128xf32, #tpu.memory_space<vmem>> -> memref<1x64x128xf32, #tpu.memory_space<vmem>>
        %dma_wait3A_455 = tpu.memref_squeeze %dma_wait3A_454 : memref<1x64x128xf32, #tpu.memory_space<vmem>> -> memref<64x128xf32, #tpu.memory_space<vmem>>
        %dma_wait3A_456 = arith.constant 0 : i32
        %dma_wait3A_457 = tpu.memref_slice %arg6[%add3A_416, %dma_wait3A_456] : memref<10008x128xf32, #tpu.memory_space<vmem_shared>> -> memref<64x128xf32, #tpu.memory_space<vmem_shared>>
        %dma_wait3A_458 = arith.constant 0 : i32
        %dma_wait3A_459 = tpu.memref_slice %arg6[%add3A_416, %dma_wait3A_458] : memref<10008x128xf32, #tpu.memory_space<vmem_shared>> -> memref<64x128xf32, #tpu.memory_space<vmem_shared>>
        %dma_wait3A_460 = arith.constant 0 : i32
        %dma_wait3A_461 = arith.constant 0 : i32
        %dma_wait3A_462 = tpu.memref_slice %arg9[%run_scoped3A_417, %dma_wait3A_460, %dma_wait3A_461] : memref<5x64x128xf32, #tpu.memory_space<vmem>> -> memref<1x64x128xf32, #tpu.memory_space<vmem>>
        %dma_wait3A_463 = tpu.memref_squeeze %dma_wait3A_462 : memref<1x64x128xf32, #tpu.memory_space<vmem>> -> memref<64x128xf32, #tpu.memory_space<vmem>>
        tpu.wait_dma2 semaphore(%run_scoped3A_439 : memref<!tpu.dma_semaphore, #tpu.memory_space<semaphore_mem>>) src(%dma_wait3A_463 : memref<64x128xf32, #tpu.memory_space<vmem>>) dst(%dma_wait3A_459 : memref<64x128xf32, #tpu.memory_space<vmem_shared>>)
        tpu.yield
      }) : () -> ()
      %add3A_418 = arith.constant 128 : i32
      %add3A_419 = arith.addi %mul3A_34, %add3A_418 : i32
      %run_scoped3A_420 = arith.constant 0 : i32
      "tpu.region"() ({
        %run_scoped3A_439 = tpu.sem_alloc : memref<!tpu.dma_semaphore, #tpu.memory_space<semaphore_mem>>
        %dma_start3A_440 = arith.constant 0 : i32
        %dma_start3A_441 = arith.constant 0 : i32
        %dma_start3A_442 = tpu.memref_slice %arg9[%run_scoped3A_420, %dma_start3A_440, %dma_start3A_441] : memref<5x64x128xf32, #tpu.memory_space<vmem>> -> memref<1x64x128xf32, #tpu.memory_space<vmem>>
        %dma_start3A_443 = tpu.memref_squeeze %dma_start3A_442 : memref<1x64x128xf32, #tpu.memory_space<vmem>> -> memref<64x128xf32, #tpu.memory_space<vmem>>
        %dma_start3A_444 = arith.constant 0 : i32
        %dma_start3A_445 = tpu.memref_slice %arg6[%add3A_419, %dma_start3A_444] : memref<10008x128xf32, #tpu.memory_space<vmem_shared>> -> memref<64x128xf32, #tpu.memory_space<vmem_shared>>
        %dma_start3A_446 = arith.constant 0 : i32
        %dma_start3A_447 = tpu.memref_slice %arg6[%add3A_419, %dma_start3A_446] : memref<10008x128xf32, #tpu.memory_space<vmem_shared>> -> memref<64x128xf32, #tpu.memory_space<vmem_shared>>
        %dma_start3A_448 = arith.constant 0 : i32
        %dma_start3A_449 = arith.constant 0 : i32
        %dma_start3A_450 = tpu.memref_slice %arg9[%run_scoped3A_420, %dma_start3A_448, %dma_start3A_449] : memref<5x64x128xf32, #tpu.memory_space<vmem>> -> memref<1x64x128xf32, #tpu.memory_space<vmem>>
        %dma_start3A_451 = tpu.memref_squeeze %dma_start3A_450 : memref<1x64x128xf32, #tpu.memory_space<vmem>> -> memref<64x128xf32, #tpu.memory_space<vmem>>
        tpu.enqueue_dma source(%dma_start3A_451 : memref<64x128xf32, #tpu.memory_space<vmem>>) target(%dma_start3A_447 : memref<64x128xf32, #tpu.memory_space<vmem_shared>>) target_semaphore(%run_scoped3A_439 : memref<!tpu.dma_semaphore, #tpu.memory_space<semaphore_mem>>)
        %dma_wait3A_452 = arith.constant 0 : i32
        %dma_wait3A_453 = arith.constant 0 : i32
        %dma_wait3A_454 = tpu.memref_slice %arg9[%run_scoped3A_420, %dma_wait3A_452, %dma_wait3A_453] : memref<5x64x128xf32, #tpu.memory_space<vmem>> -> memref<1x64x128xf32, #tpu.memory_space<vmem>>
        %dma_wait3A_455 = tpu.memref_squeeze %dma_wait3A_454 : memref<1x64x128xf32, #tpu.memory_space<vmem>> -> memref<64x128xf32, #tpu.memory_space<vmem>>
        %dma_wait3A_456 = arith.constant 0 : i32
        %dma_wait3A_457 = tpu.memref_slice %arg6[%add3A_419, %dma_wait3A_456] : memref<10008x128xf32, #tpu.memory_space<vmem_shared>> -> memref<64x128xf32, #tpu.memory_space<vmem_shared>>
        %dma_wait3A_458 = arith.constant 0 : i32
        %dma_wait3A_459 = tpu.memref_slice %arg6[%add3A_419, %dma_wait3A_458] : memref<10008x128xf32, #tpu.memory_space<vmem_shared>> -> memref<64x128xf32, #tpu.memory_space<vmem_shared>>
        %dma_wait3A_460 = arith.constant 0 : i32
        %dma_wait3A_461 = arith.constant 0 : i32
        %dma_wait3A_462 = tpu.memref_slice %arg9[%run_scoped3A_420, %dma_wait3A_460, %dma_wait3A_461] : memref<5x64x128xf32, #tpu.memory_space<vmem>> -> memref<1x64x128xf32, #tpu.memory_space<vmem>>
        %dma_wait3A_463 = tpu.memref_squeeze %dma_wait3A_462 : memref<1x64x128xf32, #tpu.memory_space<vmem>> -> memref<64x128xf32, #tpu.memory_space<vmem>>
        tpu.wait_dma2 semaphore(%run_scoped3A_439 : memref<!tpu.dma_semaphore, #tpu.memory_space<semaphore_mem>>) src(%dma_wait3A_463 : memref<64x128xf32, #tpu.memory_space<vmem>>) dst(%dma_wait3A_459 : memref<64x128xf32, #tpu.memory_space<vmem_shared>>)
        tpu.yield
      }) : () -> ()
      %add3A_421 = arith.constant 192 : i32
      %add3A_422 = arith.addi %mul3A_34, %add3A_421 : i32
      %run_scoped3A_423 = arith.constant 0 : i32
      "tpu.region"() ({
        %run_scoped3A_439 = tpu.sem_alloc : memref<!tpu.dma_semaphore, #tpu.memory_space<semaphore_mem>>
        %dma_start3A_440 = arith.constant 0 : i32
        %dma_start3A_441 = arith.constant 0 : i32
        %dma_start3A_442 = tpu.memref_slice %arg9[%run_scoped3A_423, %dma_start3A_440, %dma_start3A_441] : memref<5x64x128xf32, #tpu.memory_space<vmem>> -> memref<1x64x128xf32, #tpu.memory_space<vmem>>
        %dma_start3A_443 = tpu.memref_squeeze %dma_start3A_442 : memref<1x64x128xf32, #tpu.memory_space<vmem>> -> memref<64x128xf32, #tpu.memory_space<vmem>>
        %dma_start3A_444 = arith.constant 0 : i32
        %dma_start3A_445 = tpu.memref_slice %arg6[%add3A_422, %dma_start3A_444] : memref<10008x128xf32, #tpu.memory_space<vmem_shared>> -> memref<64x128xf32, #tpu.memory_space<vmem_shared>>
        %dma_start3A_446 = arith.constant 0 : i32
        %dma_start3A_447 = tpu.memref_slice %arg6[%add3A_422, %dma_start3A_446] : memref<10008x128xf32, #tpu.memory_space<vmem_shared>> -> memref<64x128xf32, #tpu.memory_space<vmem_shared>>
        %dma_start3A_448 = arith.constant 0 : i32
        %dma_start3A_449 = arith.constant 0 : i32
        %dma_start3A_450 = tpu.memref_slice %arg9[%run_scoped3A_423, %dma_start3A_448, %dma_start3A_449] : memref<5x64x128xf32, #tpu.memory_space<vmem>> -> memref<1x64x128xf32, #tpu.memory_space<vmem>>
        %dma_start3A_451 = tpu.memref_squeeze %dma_start3A_450 : memref<1x64x128xf32, #tpu.memory_space<vmem>> -> memref<64x128xf32, #tpu.memory_space<vmem>>
        tpu.enqueue_dma source(%dma_start3A_451 : memref<64x128xf32, #tpu.memory_space<vmem>>) target(%dma_start3A_447 : memref<64x128xf32, #tpu.memory_space<vmem_shared>>) target_semaphore(%run_scoped3A_439 : memref<!tpu.dma_semaphore, #tpu.memory_space<semaphore_mem>>)
        %dma_wait3A_452 = arith.constant 0 : i32
        %dma_wait3A_453 = arith.constant 0 : i32
        %dma_wait3A_454 = tpu.memref_slice %arg9[%run_scoped3A_423, %dma_wait3A_452, %dma_wait3A_453] : memref<5x64x128xf32, #tpu.memory_space<vmem>> -> memref<1x64x128xf32, #tpu.memory_space<vmem>>
        %dma_wait3A_455 = tpu.memref_squeeze %dma_wait3A_454 : memref<1x64x128xf32, #tpu.memory_space<vmem>> -> memref<64x128xf32, #tpu.memory_space<vmem>>
        %dma_wait3A_456 = arith.constant 0 : i32
        %dma_wait3A_457 = tpu.memref_slice %arg6[%add3A_422, %dma_wait3A_456] : memref<10008x128xf32, #tpu.memory_space<vmem_shared>> -> memref<64x128xf32, #tpu.memory_space<vmem_shared>>
        %dma_wait3A_458 = arith.constant 0 : i32
        %dma_wait3A_459 = tpu.memref_slice %arg6[%add3A_422, %dma_wait3A_458] : memref<10008x128xf32, #tpu.memory_space<vmem_shared>> -> memref<64x128xf32, #tpu.memory_space<vmem_shared>>
        %dma_wait3A_460 = arith.constant 0 : i32
        %dma_wait3A_461 = arith.constant 0 : i32
        %dma_wait3A_462 = tpu.memref_slice %arg9[%run_scoped3A_423, %dma_wait3A_460, %dma_wait3A_461] : memref<5x64x128xf32, #tpu.memory_space<vmem>> -> memref<1x64x128xf32, #tpu.memory_space<vmem>>
        %dma_wait3A_463 = tpu.memref_squeeze %dma_wait3A_462 : memref<1x64x128xf32, #tpu.memory_space<vmem>> -> memref<64x128xf32, #tpu.memory_space<vmem>>
        tpu.wait_dma2 semaphore(%run_scoped3A_439 : memref<!tpu.dma_semaphore, #tpu.memory_space<semaphore_mem>>) src(%dma_wait3A_463 : memref<64x128xf32, #tpu.memory_space<vmem>>) dst(%dma_wait3A_459 : memref<64x128xf32, #tpu.memory_space<vmem_shared>>)
        tpu.yield
      }) : () -> ()
      %add3A_424 = arith.constant 256 : i32
      %add3A_425 = arith.addi %mul3A_34, %add3A_424 : i32
      %run_scoped3A_426 = arith.constant 0 : i32
      "tpu.region"() ({
        %run_scoped3A_439 = tpu.sem_alloc : memref<!tpu.dma_semaphore, #tpu.memory_space<semaphore_mem>>
        %dma_start3A_440 = arith.constant 0 : i32
        %dma_start3A_441 = arith.constant 0 : i32
        %dma_start3A_442 = tpu.memref_slice %arg9[%run_scoped3A_426, %dma_start3A_440, %dma_start3A_441] : memref<5x64x128xf32, #tpu.memory_space<vmem>> -> memref<1x64x128xf32, #tpu.memory_space<vmem>>
        %dma_start3A_443 = tpu.memref_squeeze %dma_start3A_442 : memref<1x64x128xf32, #tpu.memory_space<vmem>> -> memref<64x128xf32, #tpu.memory_space<vmem>>
        %dma_start3A_444 = arith.constant 0 : i32
        %dma_start3A_445 = tpu.memref_slice %arg6[%add3A_425, %dma_start3A_444] : memref<10008x128xf32, #tpu.memory_space<vmem_shared>> -> memref<64x128xf32, #tpu.memory_space<vmem_shared>>
        %dma_start3A_446 = arith.constant 0 : i32
        %dma_start3A_447 = tpu.memref_slice %arg6[%add3A_425, %dma_start3A_446] : memref<10008x128xf32, #tpu.memory_space<vmem_shared>> -> memref<64x128xf32, #tpu.memory_space<vmem_shared>>
        %dma_start3A_448 = arith.constant 0 : i32
        %dma_start3A_449 = arith.constant 0 : i32
        %dma_start3A_450 = tpu.memref_slice %arg9[%run_scoped3A_426, %dma_start3A_448, %dma_start3A_449] : memref<5x64x128xf32, #tpu.memory_space<vmem>> -> memref<1x64x128xf32, #tpu.memory_space<vmem>>
        %dma_start3A_451 = tpu.memref_squeeze %dma_start3A_450 : memref<1x64x128xf32, #tpu.memory_space<vmem>> -> memref<64x128xf32, #tpu.memory_space<vmem>>
        tpu.enqueue_dma source(%dma_start3A_451 : memref<64x128xf32, #tpu.memory_space<vmem>>) target(%dma_start3A_447 : memref<64x128xf32, #tpu.memory_space<vmem_shared>>) target_semaphore(%run_scoped3A_439 : memref<!tpu.dma_semaphore, #tpu.memory_space<semaphore_mem>>)
        %dma_wait3A_452 = arith.constant 0 : i32
        %dma_wait3A_453 = arith.constant 0 : i32
        %dma_wait3A_454 = tpu.memref_slice %arg9[%run_scoped3A_426, %dma_wait3A_452, %dma_wait3A_453] : memref<5x64x128xf32, #tpu.memory_space<vmem>> -> memref<1x64x128xf32, #tpu.memory_space<vmem>>
        %dma_wait3A_455 = tpu.memref_squeeze %dma_wait3A_454 : memref<1x64x128xf32, #tpu.memory_space<vmem>> -> memref<64x128xf32, #tpu.memory_space<vmem>>
        %dma_wait3A_456 = arith.constant 0 : i32
        %dma_wait3A_457 = tpu.memref_slice %arg6[%add3A_425, %dma_wait3A_456] : memref<10008x128xf32, #tpu.memory_space<vmem_shared>> -> memref<64x128xf32, #tpu.memory_space<vmem_shared>>
        %dma_wait3A_458 = arith.constant 0 : i32
        %dma_wait3A_459 = tpu.memref_slice %arg6[%add3A_425, %dma_wait3A_458] : memref<10008x128xf32, #tpu.memory_space<vmem_shared>> -> memref<64x128xf32, #tpu.memory_space<vmem_shared>>
        %dma_wait3A_460 = arith.constant 0 : i32
        %dma_wait3A_461 = arith.constant 0 : i32
        %dma_wait3A_462 = tpu.memref_slice %arg9[%run_scoped3A_426, %dma_wait3A_460, %dma_wait3A_461] : memref<5x64x128xf32, #tpu.memory_space<vmem>> -> memref<1x64x128xf32, #tpu.memory_space<vmem>>
        %dma_wait3A_463 = tpu.memref_squeeze %dma_wait3A_462 : memref<1x64x128xf32, #tpu.memory_space<vmem>> -> memref<64x128xf32, #tpu.memory_space<vmem>>
        tpu.wait_dma2 semaphore(%run_scoped3A_439 : memref<!tpu.dma_semaphore, #tpu.memory_space<semaphore_mem>>) src(%dma_wait3A_463 : memref<64x128xf32, #tpu.memory_space<vmem>>) dst(%dma_wait3A_459 : memref<64x128xf32, #tpu.memory_space<vmem_shared>>)
        tpu.yield
      }) : () -> ()
      %add3A_427 = arith.constant 320 : i32
      %add3A_428 = arith.addi %mul3A_34, %add3A_427 : i32
      %run_scoped3A_429 = arith.constant 0 : i32
      "tpu.region"() ({
        %run_scoped3A_439 = tpu.sem_alloc : memref<!tpu.dma_semaphore, #tpu.memory_space<semaphore_mem>>
        %dma_start3A_440 = arith.constant 0 : i32
        %dma_start3A_441 = arith.constant 0 : i32
        %dma_start3A_442 = tpu.memref_slice %arg9[%run_scoped3A_429, %dma_start3A_440, %dma_start3A_441] : memref<5x64x128xf32, #tpu.memory_space<vmem>> -> memref<1x64x128xf32, #tpu.memory_space<vmem>>
        %dma_start3A_443 = tpu.memref_squeeze %dma_start3A_442 : memref<1x64x128xf32, #tpu.memory_space<vmem>> -> memref<64x128xf32, #tpu.memory_space<vmem>>
        %dma_start3A_444 = arith.constant 0 : i32
        %dma_start3A_445 = tpu.memref_slice %arg6[%add3A_428, %dma_start3A_444] : memref<10008x128xf32, #tpu.memory_space<vmem_shared>> -> memref<64x128xf32, #tpu.memory_space<vmem_shared>>
        %dma_start3A_446 = arith.constant 0 : i32
        %dma_start3A_447 = tpu.memref_slice %arg6[%add3A_428, %dma_start3A_446] : memref<10008x128xf32, #tpu.memory_space<vmem_shared>> -> memref<64x128xf32, #tpu.memory_space<vmem_shared>>
        %dma_start3A_448 = arith.constant 0 : i32
        %dma_start3A_449 = arith.constant 0 : i32
        %dma_start3A_450 = tpu.memref_slice %arg9[%run_scoped3A_429, %dma_start3A_448, %dma_start3A_449] : memref<5x64x128xf32, #tpu.memory_space<vmem>> -> memref<1x64x128xf32, #tpu.memory_space<vmem>>
        %dma_start3A_451 = tpu.memref_squeeze %dma_start3A_450 : memref<1x64x128xf32, #tpu.memory_space<vmem>> -> memref<64x128xf32, #tpu.memory_space<vmem>>
        tpu.enqueue_dma source(%dma_start3A_451 : memref<64x128xf32, #tpu.memory_space<vmem>>) target(%dma_start3A_447 : memref<64x128xf32, #tpu.memory_space<vmem_shared>>) target_semaphore(%run_scoped3A_439 : memref<!tpu.dma_semaphore, #tpu.memory_space<semaphore_mem>>)
        %dma_wait3A_452 = arith.constant 0 : i32
        %dma_wait3A_453 = arith.constant 0 : i32
        %dma_wait3A_454 = tpu.memref_slice %arg9[%run_scoped3A_429, %dma_wait3A_452, %dma_wait3A_453] : memref<5x64x128xf32, #tpu.memory_space<vmem>> -> memref<1x64x128xf32, #tpu.memory_space<vmem>>
        %dma_wait3A_455 = tpu.memref_squeeze %dma_wait3A_454 : memref<1x64x128xf32, #tpu.memory_space<vmem>> -> memref<64x128xf32, #tpu.memory_space<vmem>>
        %dma_wait3A_456 = arith.constant 0 : i32
        %dma_wait3A_457 = tpu.memref_slice %arg6[%add3A_428, %dma_wait3A_456] : memref<10008x128xf32, #tpu.memory_space<vmem_shared>> -> memref<64x128xf32, #tpu.memory_space<vmem_shared>>
        %dma_wait3A_458 = arith.constant 0 : i32
        %dma_wait3A_459 = tpu.memref_slice %arg6[%add3A_428, %dma_wait3A_458] : memref<10008x128xf32, #tpu.memory_space<vmem_shared>> -> memref<64x128xf32, #tpu.memory_space<vmem_shared>>
        %dma_wait3A_460 = arith.constant 0 : i32
        %dma_wait3A_461 = arith.constant 0 : i32
        %dma_wait3A_462 = tpu.memref_slice %arg9[%run_scoped3A_429, %dma_wait3A_460, %dma_wait3A_461] : memref<5x64x128xf32, #tpu.memory_space<vmem>> -> memref<1x64x128xf32, #tpu.memory_space<vmem>>
        %dma_wait3A_463 = tpu.memref_squeeze %dma_wait3A_462 : memref<1x64x128xf32, #tpu.memory_space<vmem>> -> memref<64x128xf32, #tpu.memory_space<vmem>>
        tpu.wait_dma2 semaphore(%run_scoped3A_439 : memref<!tpu.dma_semaphore, #tpu.memory_space<semaphore_mem>>) src(%dma_wait3A_463 : memref<64x128xf32, #tpu.memory_space<vmem>>) dst(%dma_wait3A_459 : memref<64x128xf32, #tpu.memory_space<vmem_shared>>)
        tpu.yield
      }) : () -> ()
      %add3A_430 = arith.constant 384 : i32
      %add3A_431 = arith.addi %mul3A_34, %add3A_430 : i32
      %run_scoped3A_432 = arith.constant 0 : i32
      "tpu.region"() ({
        %run_scoped3A_439 = tpu.sem_alloc : memref<!tpu.dma_semaphore, #tpu.memory_space<semaphore_mem>>
        %dma_start3A_440 = arith.constant 0 : i32
        %dma_start3A_441 = arith.constant 0 : i32
        %dma_start3A_442 = tpu.memref_slice %arg9[%run_scoped3A_432, %dma_start3A_440, %dma_start3A_441] : memref<5x64x128xf32, #tpu.memory_space<vmem>> -> memref<1x64x128xf32, #tpu.memory_space<vmem>>
        %dma_start3A_443 = tpu.memref_squeeze %dma_start3A_442 : memref<1x64x128xf32, #tpu.memory_space<vmem>> -> memref<64x128xf32, #tpu.memory_space<vmem>>
        %dma_start3A_444 = arith.constant 0 : i32
        %dma_start3A_445 = tpu.memref_slice %arg6[%add3A_431, %dma_start3A_444] : memref<10008x128xf32, #tpu.memory_space<vmem_shared>> -> memref<64x128xf32, #tpu.memory_space<vmem_shared>>
        %dma_start3A_446 = arith.constant 0 : i32
        %dma_start3A_447 = tpu.memref_slice %arg6[%add3A_431, %dma_start3A_446] : memref<10008x128xf32, #tpu.memory_space<vmem_shared>> -> memref<64x128xf32, #tpu.memory_space<vmem_shared>>
        %dma_start3A_448 = arith.constant 0 : i32
        %dma_start3A_449 = arith.constant 0 : i32
        %dma_start3A_450 = tpu.memref_slice %arg9[%run_scoped3A_432, %dma_start3A_448, %dma_start3A_449] : memref<5x64x128xf32, #tpu.memory_space<vmem>> -> memref<1x64x128xf32, #tpu.memory_space<vmem>>
        %dma_start3A_451 = tpu.memref_squeeze %dma_start3A_450 : memref<1x64x128xf32, #tpu.memory_space<vmem>> -> memref<64x128xf32, #tpu.memory_space<vmem>>
        tpu.enqueue_dma source(%dma_start3A_451 : memref<64x128xf32, #tpu.memory_space<vmem>>) target(%dma_start3A_447 : memref<64x128xf32, #tpu.memory_space<vmem_shared>>) target_semaphore(%run_scoped3A_439 : memref<!tpu.dma_semaphore, #tpu.memory_space<semaphore_mem>>)
        %dma_wait3A_452 = arith.constant 0 : i32
        %dma_wait3A_453 = arith.constant 0 : i32
        %dma_wait3A_454 = tpu.memref_slice %arg9[%run_scoped3A_432, %dma_wait3A_452, %dma_wait3A_453] : memref<5x64x128xf32, #tpu.memory_space<vmem>> -> memref<1x64x128xf32, #tpu.memory_space<vmem>>
        %dma_wait3A_455 = tpu.memref_squeeze %dma_wait3A_454 : memref<1x64x128xf32, #tpu.memory_space<vmem>> -> memref<64x128xf32, #tpu.memory_space<vmem>>
        %dma_wait3A_456 = arith.constant 0 : i32
        %dma_wait3A_457 = tpu.memref_slice %arg6[%add3A_431, %dma_wait3A_456] : memref<10008x128xf32, #tpu.memory_space<vmem_shared>> -> memref<64x128xf32, #tpu.memory_space<vmem_shared>>
        %dma_wait3A_458 = arith.constant 0 : i32
        %dma_wait3A_459 = tpu.memref_slice %arg6[%add3A_431, %dma_wait3A_458] : memref<10008x128xf32, #tpu.memory_space<vmem_shared>> -> memref<64x128xf32, #tpu.memory_space<vmem_shared>>
        %dma_wait3A_460 = arith.constant 0 : i32
        %dma_wait3A_461 = arith.constant 0 : i32
        %dma_wait3A_462 = tpu.memref_slice %arg9[%run_scoped3A_432, %dma_wait3A_460, %dma_wait3A_461] : memref<5x64x128xf32, #tpu.memory_space<vmem>> -> memref<1x64x128xf32, #tpu.memory_space<vmem>>
        %dma_wait3A_463 = tpu.memref_squeeze %dma_wait3A_462 : memref<1x64x128xf32, #tpu.memory_space<vmem>> -> memref<64x128xf32, #tpu.memory_space<vmem>>
        tpu.wait_dma2 semaphore(%run_scoped3A_439 : memref<!tpu.dma_semaphore, #tpu.memory_space<semaphore_mem>>) src(%dma_wait3A_463 : memref<64x128xf32, #tpu.memory_space<vmem>>) dst(%dma_wait3A_459 : memref<64x128xf32, #tpu.memory_space<vmem_shared>>)
        tpu.yield
      }) : () -> ()
      %add3A_433 = arith.constant 448 : i32
      %add3A_434 = arith.addi %mul3A_34, %add3A_433 : i32
      %run_scoped3A_435 = arith.constant 0 : i32
      "tpu.region"() ({
        %run_scoped3A_439 = tpu.sem_alloc : memref<!tpu.dma_semaphore, #tpu.memory_space<semaphore_mem>>
        %dma_start3A_440 = arith.constant 0 : i32
        %dma_start3A_441 = arith.constant 0 : i32
        %dma_start3A_442 = tpu.memref_slice %arg9[%run_scoped3A_435, %dma_start3A_440, %dma_start3A_441] : memref<5x64x128xf32, #tpu.memory_space<vmem>> -> memref<1x64x128xf32, #tpu.memory_space<vmem>>
        %dma_start3A_443 = tpu.memref_squeeze %dma_start3A_442 : memref<1x64x128xf32, #tpu.memory_space<vmem>> -> memref<64x128xf32, #tpu.memory_space<vmem>>
        %dma_start3A_444 = arith.constant 0 : i32
        %dma_start3A_445 = tpu.memref_slice %arg6[%add3A_434, %dma_start3A_444] : memref<10008x128xf32, #tpu.memory_space<vmem_shared>> -> memref<64x128xf32, #tpu.memory_space<vmem_shared>>
        %dma_start3A_446 = arith.constant 0 : i32
        %dma_start3A_447 = tpu.memref_slice %arg6[%add3A_434, %dma_start3A_446] : memref<10008x128xf32, #tpu.memory_space<vmem_shared>> -> memref<64x128xf32, #tpu.memory_space<vmem_shared>>
        %dma_start3A_448 = arith.constant 0 : i32
        %dma_start3A_449 = arith.constant 0 : i32
        %dma_start3A_450 = tpu.memref_slice %arg9[%run_scoped3A_435, %dma_start3A_448, %dma_start3A_449] : memref<5x64x128xf32, #tpu.memory_space<vmem>> -> memref<1x64x128xf32, #tpu.memory_space<vmem>>
        %dma_start3A_451 = tpu.memref_squeeze %dma_start3A_450 : memref<1x64x128xf32, #tpu.memory_space<vmem>> -> memref<64x128xf32, #tpu.memory_space<vmem>>
        tpu.enqueue_dma source(%dma_start3A_451 : memref<64x128xf32, #tpu.memory_space<vmem>>) target(%dma_start3A_447 : memref<64x128xf32, #tpu.memory_space<vmem_shared>>) target_semaphore(%run_scoped3A_439 : memref<!tpu.dma_semaphore, #tpu.memory_space<semaphore_mem>>)
        %dma_wait3A_452 = arith.constant 0 : i32
        %dma_wait3A_453 = arith.constant 0 : i32
        %dma_wait3A_454 = tpu.memref_slice %arg9[%run_scoped3A_435, %dma_wait3A_452, %dma_wait3A_453] : memref<5x64x128xf32, #tpu.memory_space<vmem>> -> memref<1x64x128xf32, #tpu.memory_space<vmem>>
        %dma_wait3A_455 = tpu.memref_squeeze %dma_wait3A_454 : memref<1x64x128xf32, #tpu.memory_space<vmem>> -> memref<64x128xf32, #tpu.memory_space<vmem>>
        %dma_wait3A_456 = arith.constant 0 : i32
        %dma_wait3A_457 = tpu.memref_slice %arg6[%add3A_434, %dma_wait3A_456] : memref<10008x128xf32, #tpu.memory_space<vmem_shared>> -> memref<64x128xf32, #tpu.memory_space<vmem_shared>>
        %dma_wait3A_458 = arith.constant 0 : i32
        %dma_wait3A_459 = tpu.memref_slice %arg6[%add3A_434, %dma_wait3A_458] : memref<10008x128xf32, #tpu.memory_space<vmem_shared>> -> memref<64x128xf32, #tpu.memory_space<vmem_shared>>
        %dma_wait3A_460 = arith.constant 0 : i32
        %dma_wait3A_461 = arith.constant 0 : i32
        %dma_wait3A_462 = tpu.memref_slice %arg9[%run_scoped3A_435, %dma_wait3A_460, %dma_wait3A_461] : memref<5x64x128xf32, #tpu.memory_space<vmem>> -> memref<1x64x128xf32, #tpu.memory_space<vmem>>
        %dma_wait3A_463 = tpu.memref_squeeze %dma_wait3A_462 : memref<1x64x128xf32, #tpu.memory_space<vmem>> -> memref<64x128xf32, #tpu.memory_space<vmem>>
        tpu.wait_dma2 semaphore(%run_scoped3A_439 : memref<!tpu.dma_semaphore, #tpu.memory_space<semaphore_mem>>) src(%dma_wait3A_463 : memref<64x128xf32, #tpu.memory_space<vmem>>) dst(%dma_wait3A_459 : memref<64x128xf32, #tpu.memory_space<vmem_shared>>)
        tpu.yield
      }) : () -> ()
      %add3A_436 = arith.constant 512 : i32
      %add3A_437 = arith.addi %mul3A_34, %add3A_436 : i32
      %run_scoped3A_438 = arith.constant 0 : i32
      "tpu.region"() ({
        %run_scoped3A_439 = tpu.sem_alloc : memref<!tpu.dma_semaphore, #tpu.memory_space<semaphore_mem>>
        %dma_start3A_440 = arith.constant 0 : i32
        %dma_start3A_441 = arith.constant 0 : i32
        %dma_start3A_442 = tpu.memref_slice %arg9[%run_scoped3A_438, %dma_start3A_440, %dma_start3A_441] : memref<5x64x128xf32, #tpu.memory_space<vmem>> -> memref<1x64x128xf32, #tpu.memory_space<vmem>>
        %dma_start3A_443 = tpu.memref_squeeze %dma_start3A_442 : memref<1x64x128xf32, #tpu.memory_space<vmem>> -> memref<64x128xf32, #tpu.memory_space<vmem>>
        %dma_start3A_444 = arith.constant 0 : i32
        %dma_start3A_445 = arith.constant 0 : i32
        %dma_start3A_446 = tpu.memref_slice %dma_start3A_443[%dma_start3A_444, %dma_start3A_445] : memref<64x128xf32, #tpu.memory_space<vmem>> -> memref<16x128xf32, #tpu.memory_space<vmem>>
        %dma_start3A_447 = arith.constant 0 : i32
        %dma_start3A_448 = tpu.memref_slice %arg6[%add3A_437, %dma_start3A_447] : memref<10008x128xf32, #tpu.memory_space<vmem_shared>> -> memref<16x128xf32, #tpu.memory_space<vmem_shared>>
        %dma_start3A_449 = arith.constant 0 : i32
        %dma_start3A_450 = tpu.memref_slice %arg6[%add3A_437, %dma_start3A_449] : memref<10008x128xf32, #tpu.memory_space<vmem_shared>> -> memref<16x128xf32, #tpu.memory_space<vmem_shared>>
        %dma_start3A_451 = arith.constant 0 : i32
        %dma_start3A_452 = arith.constant 0 : i32
        %dma_start3A_453 = tpu.memref_slice %arg9[%run_scoped3A_438, %dma_start3A_451, %dma_start3A_452] : memref<5x64x128xf32, #tpu.memory_space<vmem>> -> memref<1x64x128xf32, #tpu.memory_space<vmem>>
        %dma_start3A_454 = tpu.memref_squeeze %dma_start3A_453 : memref<1x64x128xf32, #tpu.memory_space<vmem>> -> memref<64x128xf32, #tpu.memory_space<vmem>>
        %dma_start3A_455 = arith.constant 0 : i32
        %dma_start3A_456 = arith.constant 0 : i32
        %dma_start3A_457 = tpu.memref_slice %dma_start3A_454[%dma_start3A_455, %dma_start3A_456] : memref<64x128xf32, #tpu.memory_space<vmem>> -> memref<16x128xf32, #tpu.memory_space<vmem>>
        tpu.enqueue_dma source(%dma_start3A_457 : memref<16x128xf32, #tpu.memory_space<vmem>>) target(%dma_start3A_450 : memref<16x128xf32, #tpu.memory_space<vmem_shared>>) target_semaphore(%run_scoped3A_439 : memref<!tpu.dma_semaphore, #tpu.memory_space<semaphore_mem>>)
        %dma_wait3A_458 = arith.constant 0 : i32
        %dma_wait3A_459 = arith.constant 0 : i32
        %dma_wait3A_460 = tpu.memref_slice %arg9[%run_scoped3A_438, %dma_wait3A_458, %dma_wait3A_459] : memref<5x64x128xf32, #tpu.memory_space<vmem>> -> memref<1x64x128xf32, #tpu.memory_space<vmem>>
        %dma_wait3A_461 = tpu.memref_squeeze %dma_wait3A_460 : memref<1x64x128xf32, #tpu.memory_space<vmem>> -> memref<64x128xf32, #tpu.memory_space<vmem>>
        %dma_wait3A_462 = arith.constant 0 : i32
        %dma_wait3A_463 = arith.constant 0 : i32
        %dma_wait3A_464 = tpu.memref_slice %dma_wait3A_461[%dma_wait3A_462, %dma_wait3A_463] : memref<64x128xf32, #tpu.memory_space<vmem>> -> memref<16x128xf32, #tpu.memory_space<vmem>>
        %dma_wait3A_465 = arith.constant 0 : i32
        %dma_wait3A_466 = tpu.memref_slice %arg6[%add3A_437, %dma_wait3A_465] : memref<10008x128xf32, #tpu.memory_space<vmem_shared>> -> memref<16x128xf32, #tpu.memory_space<vmem_shared>>
        %dma_wait3A_467 = arith.constant 0 : i32
        %dma_wait3A_468 = tpu.memref_slice %arg6[%add3A_437, %dma_wait3A_467] : memref<10008x128xf32, #tpu.memory_space<vmem_shared>> -> memref<16x128xf32, #tpu.memory_space<vmem_shared>>
        %dma_wait3A_469 = arith.constant 0 : i32
        %dma_wait3A_470 = arith.constant 0 : i32
        %dma_wait3A_471 = tpu.memref_slice %arg9[%run_scoped3A_438, %dma_wait3A_469, %dma_wait3A_470] : memref<5x64x128xf32, #tpu.memory_space<vmem>> -> memref<1x64x128xf32, #tpu.memory_space<vmem>>
        %dma_wait3A_472 = tpu.memref_squeeze %dma_wait3A_471 : memref<1x64x128xf32, #tpu.memory_space<vmem>> -> memref<64x128xf32, #tpu.memory_space<vmem>>
        %dma_wait3A_473 = arith.constant 0 : i32
        %dma_wait3A_474 = arith.constant 0 : i32
        %dma_wait3A_475 = tpu.memref_slice %dma_wait3A_472[%dma_wait3A_473, %dma_wait3A_474] : memref<64x128xf32, #tpu.memory_space<vmem>> -> memref<16x128xf32, #tpu.memory_space<vmem>>
        tpu.wait_dma2 semaphore(%run_scoped3A_439 : memref<!tpu.dma_semaphore, #tpu.memory_space<semaphore_mem>>) src(%dma_wait3A_475 : memref<16x128xf32, #tpu.memory_space<vmem>>) dst(%dma_wait3A_468 : memref<16x128xf32, #tpu.memory_space<vmem_shared>>)
        tpu.yield
      }) : () -> ()
    } else {
    }
    %barrier3A = arith.constant 0 : index
    tpu.barrier barrier_id(%barrier3A)
    %add3A_43 = arith.constant 0 : i32
    %add3A_44 = arith.addi %select_n3A_24, %add3A_43 : i32
    %mul3A_45 = arith.constant 64 : i32
    %mul3A_46 = arith.muli %add3A_44, %mul3A_45 : i32
    %dma_start3A = arith.constant 0 : i32
    %dma_start3A_47 = arith.constant 0 : i32
    %dma_start3A_48 = arith.constant 0 : i32
    %dma_start3A_49 = tpu.memref_slice %arg7[%dma_start3A, %dma_start3A_48] : memref<10x64xi32, #tpu.memory_space<vmem>> -> memref<1x64xi32, #tpu.memory_space<vmem>>
    %dma_start3A_50 = tpu.memref_squeeze %dma_start3A_49 : memref<1x64xi32, #tpu.memory_space<vmem>> -> memref<64xi32, #tpu.memory_space<vmem>>
    %dma_start3A_51 = tpu.memref_slice %arg2[%mul3A_46] : memref<320000xi32, #tpu.memory_space<hbm>> -> memref<64xi32, #tpu.memory_space<hbm>>
    %dma_start3A_52 = tpu.memref_slice %arg10[%dma_start3A_47] : memref<10x!tpu.dma_semaphore, #tpu.memory_space<semaphore_mem>> -> memref<1x!tpu.dma_semaphore, #tpu.memory_space<semaphore_mem>>
    %dma_start3A_53 = tpu.memref_squeeze %dma_start3A_52 : memref<1x!tpu.dma_semaphore, #tpu.memory_space<semaphore_mem>> -> memref<!tpu.dma_semaphore, #tpu.memory_space<semaphore_mem>>
    %dma_start3A_54 = arith.constant 0 : i32
    %dma_start3A_55 = tpu.memref_slice %arg7[%dma_start3A, %dma_start3A_54] : memref<10x64xi32, #tpu.memory_space<vmem>> -> memref<1x64xi32, #tpu.memory_space<vmem>>
    %dma_start3A_56 = tpu.memref_squeeze %dma_start3A_55 : memref<1x64xi32, #tpu.memory_space<vmem>> -> memref<64xi32, #tpu.memory_space<vmem>>
    %dma_start3A_57 = tpu.memref_slice %arg2[%mul3A_46] : memref<320000xi32, #tpu.memory_space<hbm>> -> memref<64xi32, #tpu.memory_space<hbm>>
    tpu.enqueue_dma source(%dma_start3A_57 : memref<64xi32, #tpu.memory_space<hbm>>) target(%dma_start3A_56 : memref<64xi32, #tpu.memory_space<vmem>>) target_semaphore(%dma_start3A_53 : memref<!tpu.dma_semaphore, #tpu.memory_space<semaphore_mem>>)
    %add3A_58 = arith.constant 0 : i32
    %add3A_59 = arith.addi %select_n3A_24, %add3A_58 : i32
    %mul3A_60 = arith.constant 64 : i32
    %mul3A_61 = arith.muli %add3A_59, %mul3A_60 : i32
    %dma_start3A_62 = arith.constant 0 : i32
    %dma_start3A_63 = arith.constant 0 : i32
    %dma_start3A_64 = arith.constant 0 : i32
    %dma_start3A_65 = tpu.memref_slice %arg8[%dma_start3A_62, %dma_start3A_64] : memref<10x64xi32, #tpu.memory_space<vmem>> -> memref<1x64xi32, #tpu.memory_space<vmem>>
    %dma_start3A_66 = tpu.memref_squeeze %dma_start3A_65 : memref<1x64xi32, #tpu.memory_space<vmem>> -> memref<64xi32, #tpu.memory_space<vmem>>
    %dma_start3A_67 = tpu.memref_slice %arg3[%mul3A_61] : memref<320000xi32, #tpu.memory_space<hbm>> -> memref<64xi32, #tpu.memory_space<hbm>>
    %dma_start3A_68 = tpu.memref_slice %arg11[%dma_start3A_63] : memref<10x!tpu.dma_semaphore, #tpu.memory_space<semaphore_mem>> -> memref<1x!tpu.dma_semaphore, #tpu.memory_space<semaphore_mem>>
    %dma_start3A_69 = tpu.memref_squeeze %dma_start3A_68 : memref<1x!tpu.dma_semaphore, #tpu.memory_space<semaphore_mem>> -> memref<!tpu.dma_semaphore, #tpu.memory_space<semaphore_mem>>
    %dma_start3A_70 = arith.constant 0 : i32
    %dma_start3A_71 = tpu.memref_slice %arg8[%dma_start3A_62, %dma_start3A_70] : memref<10x64xi32, #tpu.memory_space<vmem>> -> memref<1x64xi32, #tpu.memory_space<vmem>>
    %dma_start3A_72 = tpu.memref_squeeze %dma_start3A_71 : memref<1x64xi32, #tpu.memory_space<vmem>> -> memref<64xi32, #tpu.memory_space<vmem>>
    %dma_start3A_73 = tpu.memref_slice %arg3[%mul3A_61] : memref<320000xi32, #tpu.memory_space<hbm>> -> memref<64xi32, #tpu.memory_space<hbm>>
    tpu.enqueue_dma source(%dma_start3A_73 : memref<64xi32, #tpu.memory_space<hbm>>) target(%dma_start3A_72 : memref<64xi32, #tpu.memory_space<vmem>>) target_semaphore(%dma_start3A_69 : memref<!tpu.dma_semaphore, #tpu.memory_space<semaphore_mem>>)
    %add3A_74 = arith.constant 1 : i32
    %add3A_75 = arith.addi %select_n3A_24, %add3A_74 : i32
    %mul3A_76 = arith.constant 64 : i32
    %mul3A_77 = arith.muli %add3A_75, %mul3A_76 : i32
    %dma_start3A_78 = arith.constant 1 : i32
    %dma_start3A_79 = arith.constant 1 : i32
    %dma_start3A_80 = arith.constant 0 : i32
    %dma_start3A_81 = tpu.memref_slice %arg7[%dma_start3A_78, %dma_start3A_80] : memref<10x64xi32, #tpu.memory_space<vmem>> -> memref<1x64xi32, #tpu.memory_space<vmem>>
    %dma_start3A_82 = tpu.memref_squeeze %dma_start3A_81 : memref<1x64xi32, #tpu.memory_space<vmem>> -> memref<64xi32, #tpu.memory_space<vmem>>
    %dma_start3A_83 = tpu.memref_slice %arg2[%mul3A_77] : memref<320000xi32, #tpu.memory_space<hbm>> -> memref<64xi32, #tpu.memory_space<hbm>>
    %dma_start3A_84 = tpu.memref_slice %arg10[%dma_start3A_79] : memref<10x!tpu.dma_semaphore, #tpu.memory_space<semaphore_mem>> -> memref<1x!tpu.dma_semaphore, #tpu.memory_space<semaphore_mem>>
    %dma_start3A_85 = tpu.memref_squeeze %dma_start3A_84 : memref<1x!tpu.dma_semaphore, #tpu.memory_space<semaphore_mem>> -> memref<!tpu.dma_semaphore, #tpu.memory_space<semaphore_mem>>
    %dma_start3A_86 = arith.constant 0 : i32
    %dma_start3A_87 = tpu.memref_slice %arg7[%dma_start3A_78, %dma_start3A_86] : memref<10x64xi32, #tpu.memory_space<vmem>> -> memref<1x64xi32, #tpu.memory_space<vmem>>
    %dma_start3A_88 = tpu.memref_squeeze %dma_start3A_87 : memref<1x64xi32, #tpu.memory_space<vmem>> -> memref<64xi32, #tpu.memory_space<vmem>>
    %dma_start3A_89 = tpu.memref_slice %arg2[%mul3A_77] : memref<320000xi32, #tpu.memory_space<hbm>> -> memref<64xi32, #tpu.memory_space<hbm>>
    tpu.enqueue_dma source(%dma_start3A_89 : memref<64xi32, #tpu.memory_space<hbm>>) target(%dma_start3A_88 : memref<64xi32, #tpu.memory_space<vmem>>) target_semaphore(%dma_start3A_85 : memref<!tpu.dma_semaphore, #tpu.memory_space<semaphore_mem>>)
    %add3A_90 = arith.constant 1 : i32
    %add3A_91 = arith.addi %select_n3A_24, %add3A_90 : i32
    %mul3A_92 = arith.constant 64 : i32
    %mul3A_93 = arith.muli %add3A_91, %mul3A_92 : i32
    %dma_start3A_94 = arith.constant 1 : i32
    %dma_start3A_95 = arith.constant 1 : i32
    %dma_start3A_96 = arith.constant 0 : i32
    %dma_start3A_97 = tpu.memref_slice %arg8[%dma_start3A_94, %dma_start3A_96] : memref<10x64xi32, #tpu.memory_space<vmem>> -> memref<1x64xi32, #tpu.memory_space<vmem>>
    %dma_start3A_98 = tpu.memref_squeeze %dma_start3A_97 : memref<1x64xi32, #tpu.memory_space<vmem>> -> memref<64xi32, #tpu.memory_space<vmem>>
    %dma_start3A_99 = tpu.memref_slice %arg3[%mul3A_93] : memref<320000xi32, #tpu.memory_space<hbm>> -> memref<64xi32, #tpu.memory_space<hbm>>
    %dma_start3A_100 = tpu.memref_slice %arg11[%dma_start3A_95] : memref<10x!tpu.dma_semaphore, #tpu.memory_space<semaphore_mem>> -> memref<1x!tpu.dma_semaphore, #tpu.memory_space<semaphore_mem>>
    %dma_start3A_101 = tpu.memref_squeeze %dma_start3A_100 : memref<1x!tpu.dma_semaphore, #tpu.memory_space<semaphore_mem>> -> memref<!tpu.dma_semaphore, #tpu.memory_space<semaphore_mem>>
    %dma_start3A_102 = arith.constant 0 : i32
    %dma_start3A_103 = tpu.memref_slice %arg8[%dma_start3A_94, %dma_start3A_102] : memref<10x64xi32, #tpu.memory_space<vmem>> -> memref<1x64xi32, #tpu.memory_space<vmem>>
    %dma_start3A_104 = tpu.memref_squeeze %dma_start3A_103 : memref<1x64xi32, #tpu.memory_space<vmem>> -> memref<64xi32, #tpu.memory_space<vmem>>
    %dma_start3A_105 = tpu.memref_slice %arg3[%mul3A_93] : memref<320000xi32, #tpu.memory_space<hbm>> -> memref<64xi32, #tpu.memory_space<hbm>>
    tpu.enqueue_dma source(%dma_start3A_105 : memref<64xi32, #tpu.memory_space<hbm>>) target(%dma_start3A_104 : memref<64xi32, #tpu.memory_space<vmem>>) target_semaphore(%dma_start3A_101 : memref<!tpu.dma_semaphore, #tpu.memory_space<semaphore_mem>>)
    %add3A_106 = arith.constant 2 : i32
    %add3A_107 = arith.addi %select_n3A_24, %add3A_106 : i32
    %mul3A_108 = arith.constant 64 : i32
    %mul3A_109 = arith.muli %add3A_107, %mul3A_108 : i32
    %dma_start3A_110 = arith.constant 2 : i32
    %dma_start3A_111 = arith.constant 2 : i32
    %dma_start3A_112 = arith.constant 0 : i32
    %dma_start3A_113 = tpu.memref_slice %arg7[%dma_start3A_110, %dma_start3A_112] : memref<10x64xi32, #tpu.memory_space<vmem>> -> memref<1x64xi32, #tpu.memory_space<vmem>>
    %dma_start3A_114 = tpu.memref_squeeze %dma_start3A_113 : memref<1x64xi32, #tpu.memory_space<vmem>> -> memref<64xi32, #tpu.memory_space<vmem>>
    %dma_start3A_115 = tpu.memref_slice %arg2[%mul3A_109] : memref<320000xi32, #tpu.memory_space<hbm>> -> memref<64xi32, #tpu.memory_space<hbm>>
    %dma_start3A_116 = tpu.memref_slice %arg10[%dma_start3A_111] : memref<10x!tpu.dma_semaphore, #tpu.memory_space<semaphore_mem>> -> memref<1x!tpu.dma_semaphore, #tpu.memory_space<semaphore_mem>>
    %dma_start3A_117 = tpu.memref_squeeze %dma_start3A_116 : memref<1x!tpu.dma_semaphore, #tpu.memory_space<semaphore_mem>> -> memref<!tpu.dma_semaphore, #tpu.memory_space<semaphore_mem>>
    %dma_start3A_118 = arith.constant 0 : i32
    %dma_start3A_119 = tpu.memref_slice %arg7[%dma_start3A_110, %dma_start3A_118] : memref<10x64xi32, #tpu.memory_space<vmem>> -> memref<1x64xi32, #tpu.memory_space<vmem>>
    %dma_start3A_120 = tpu.memref_squeeze %dma_start3A_119 : memref<1x64xi32, #tpu.memory_space<vmem>> -> memref<64xi32, #tpu.memory_space<vmem>>
    %dma_start3A_121 = tpu.memref_slice %arg2[%mul3A_109] : memref<320000xi32, #tpu.memory_space<hbm>> -> memref<64xi32, #tpu.memory_space<hbm>>
    tpu.enqueue_dma source(%dma_start3A_121 : memref<64xi32, #tpu.memory_space<hbm>>) target(%dma_start3A_120 : memref<64xi32, #tpu.memory_space<vmem>>) target_semaphore(%dma_start3A_117 : memref<!tpu.dma_semaphore, #tpu.memory_space<semaphore_mem>>)
    %add3A_122 = arith.constant 2 : i32
    %add3A_123 = arith.addi %select_n3A_24, %add3A_122 : i32
    %mul3A_124 = arith.constant 64 : i32
    %mul3A_125 = arith.muli %add3A_123, %mul3A_124 : i32
    %dma_start3A_126 = arith.constant 2 : i32
    %dma_start3A_127 = arith.constant 2 : i32
    %dma_start3A_128 = arith.constant 0 : i32
    %dma_start3A_129 = tpu.memref_slice %arg8[%dma_start3A_126, %dma_start3A_128] : memref<10x64xi32, #tpu.memory_space<vmem>> -> memref<1x64xi32, #tpu.memory_space<vmem>>
    %dma_start3A_130 = tpu.memref_squeeze %dma_start3A_129 : memref<1x64xi32, #tpu.memory_space<vmem>> -> memref<64xi32, #tpu.memory_space<vmem>>
    %dma_start3A_131 = tpu.memref_slice %arg3[%mul3A_125] : memref<320000xi32, #tpu.memory_space<hbm>> -> memref<64xi32, #tpu.memory_space<hbm>>
    %dma_start3A_132 = tpu.memref_slice %arg11[%dma_start3A_127] : memref<10x!tpu.dma_semaphore, #tpu.memory_space<semaphore_mem>> -> memref<1x!tpu.dma_semaphore, #tpu.memory_space<semaphore_mem>>
    %dma_start3A_133 = tpu.memref_squeeze %dma_start3A_132 : memref<1x!tpu.dma_semaphore, #tpu.memory_space<semaphore_mem>> -> memref<!tpu.dma_semaphore, #tpu.memory_space<semaphore_mem>>
    %dma_start3A_134 = arith.constant 0 : i32
    %dma_start3A_135 = tpu.memref_slice %arg8[%dma_start3A_126, %dma_start3A_134] : memref<10x64xi32, #tpu.memory_space<vmem>> -> memref<1x64xi32, #tpu.memory_space<vmem>>
    %dma_start3A_136 = tpu.memref_squeeze %dma_start3A_135 : memref<1x64xi32, #tpu.memory_space<vmem>> -> memref<64xi32, #tpu.memory_space<vmem>>
    %dma_start3A_137 = tpu.memref_slice %arg3[%mul3A_125] : memref<320000xi32, #tpu.memory_space<hbm>> -> memref<64xi32, #tpu.memory_space<hbm>>
    tpu.enqueue_dma source(%dma_start3A_137 : memref<64xi32, #tpu.memory_space<hbm>>) target(%dma_start3A_136 : memref<64xi32, #tpu.memory_space<vmem>>) target_semaphore(%dma_start3A_133 : memref<!tpu.dma_semaphore, #tpu.memory_space<semaphore_mem>>)
    %add3A_138 = arith.constant 3 : i32
    %add3A_139 = arith.addi %select_n3A_24, %add3A_138 : i32
    %mul3A_140 = arith.constant 64 : i32
    %mul3A_141 = arith.muli %add3A_139, %mul3A_140 : i32
    %dma_start3A_142 = arith.constant 3 : i32
    %dma_start3A_143 = arith.constant 3 : i32
    %dma_start3A_144 = arith.constant 0 : i32
    %dma_start3A_145 = tpu.memref_slice %arg7[%dma_start3A_142, %dma_start3A_144] : memref<10x64xi32, #tpu.memory_space<vmem>> -> memref<1x64xi32, #tpu.memory_space<vmem>>
    %dma_start3A_146 = tpu.memref_squeeze %dma_start3A_145 : memref<1x64xi32, #tpu.memory_space<vmem>> -> memref<64xi32, #tpu.memory_space<vmem>>
    %dma_start3A_147 = tpu.memref_slice %arg2[%mul3A_141] : memref<320000xi32, #tpu.memory_space<hbm>> -> memref<64xi32, #tpu.memory_space<hbm>>
    %dma_start3A_148 = tpu.memref_slice %arg10[%dma_start3A_143] : memref<10x!tpu.dma_semaphore, #tpu.memory_space<semaphore_mem>> -> memref<1x!tpu.dma_semaphore, #tpu.memory_space<semaphore_mem>>
    %dma_start3A_149 = tpu.memref_squeeze %dma_start3A_148 : memref<1x!tpu.dma_semaphore, #tpu.memory_space<semaphore_mem>> -> memref<!tpu.dma_semaphore, #tpu.memory_space<semaphore_mem>>
    %dma_start3A_150 = arith.constant 0 : i32
    %dma_start3A_151 = tpu.memref_slice %arg7[%dma_start3A_142, %dma_start3A_150] : memref<10x64xi32, #tpu.memory_space<vmem>> -> memref<1x64xi32, #tpu.memory_space<vmem>>
    %dma_start3A_152 = tpu.memref_squeeze %dma_start3A_151 : memref<1x64xi32, #tpu.memory_space<vmem>> -> memref<64xi32, #tpu.memory_space<vmem>>
    %dma_start3A_153 = tpu.memref_slice %arg2[%mul3A_141] : memref<320000xi32, #tpu.memory_space<hbm>> -> memref<64xi32, #tpu.memory_space<hbm>>
    tpu.enqueue_dma source(%dma_start3A_153 : memref<64xi32, #tpu.memory_space<hbm>>) target(%dma_start3A_152 : memref<64xi32, #tpu.memory_space<vmem>>) target_semaphore(%dma_start3A_149 : memref<!tpu.dma_semaphore, #tpu.memory_space<semaphore_mem>>)
    %add3A_154 = arith.constant 3 : i32
    %add3A_155 = arith.addi %select_n3A_24, %add3A_154 : i32
    %mul3A_156 = arith.constant 64 : i32
    %mul3A_157 = arith.muli %add3A_155, %mul3A_156 : i32
    %dma_start3A_158 = arith.constant 3 : i32
    %dma_start3A_159 = arith.constant 3 : i32
    %dma_start3A_160 = arith.constant 0 : i32
    %dma_start3A_161 = tpu.memref_slice %arg8[%dma_start3A_158, %dma_start3A_160] : memref<10x64xi32, #tpu.memory_space<vmem>> -> memref<1x64xi32, #tpu.memory_space<vmem>>
    %dma_start3A_162 = tpu.memref_squeeze %dma_start3A_161 : memref<1x64xi32, #tpu.memory_space<vmem>> -> memref<64xi32, #tpu.memory_space<vmem>>
    %dma_start3A_163 = tpu.memref_slice %arg3[%mul3A_157] : memref<320000xi32, #tpu.memory_space<hbm>> -> memref<64xi32, #tpu.memory_space<hbm>>
    %dma_start3A_164 = tpu.memref_slice %arg11[%dma_start3A_159] : memref<10x!tpu.dma_semaphore, #tpu.memory_space<semaphore_mem>> -> memref<1x!tpu.dma_semaphore, #tpu.memory_space<semaphore_mem>>
    %dma_start3A_165 = tpu.memref_squeeze %dma_start3A_164 : memref<1x!tpu.dma_semaphore, #tpu.memory_space<semaphore_mem>> -> memref<!tpu.dma_semaphore, #tpu.memory_space<semaphore_mem>>
    %dma_start3A_166 = arith.constant 0 : i32
    %dma_start3A_167 = tpu.memref_slice %arg8[%dma_start3A_158, %dma_start3A_166] : memref<10x64xi32, #tpu.memory_space<vmem>> -> memref<1x64xi32, #tpu.memory_space<vmem>>
    %dma_start3A_168 = tpu.memref_squeeze %dma_start3A_167 : memref<1x64xi32, #tpu.memory_space<vmem>> -> memref<64xi32, #tpu.memory_space<vmem>>
    %dma_start3A_169 = tpu.memref_slice %arg3[%mul3A_157] : memref<320000xi32, #tpu.memory_space<hbm>> -> memref<64xi32, #tpu.memory_space<hbm>>
    tpu.enqueue_dma source(%dma_start3A_169 : memref<64xi32, #tpu.memory_space<hbm>>) target(%dma_start3A_168 : memref<64xi32, #tpu.memory_space<vmem>>) target_semaphore(%dma_start3A_165 : memref<!tpu.dma_semaphore, #tpu.memory_space<semaphore_mem>>)
    %add3A_170 = arith.constant 4 : i32
    %add3A_171 = arith.addi %select_n3A_24, %add3A_170 : i32
    %mul3A_172 = arith.constant 64 : i32
    %mul3A_173 = arith.muli %add3A_171, %mul3A_172 : i32
    %dma_start3A_174 = arith.constant 4 : i32
    %dma_start3A_175 = arith.constant 4 : i32
    %dma_start3A_176 = arith.constant 0 : i32
    %dma_start3A_177 = tpu.memref_slice %arg7[%dma_start3A_174, %dma_start3A_176] : memref<10x64xi32, #tpu.memory_space<vmem>> -> memref<1x64xi32, #tpu.memory_space<vmem>>
    %dma_start3A_178 = tpu.memref_squeeze %dma_start3A_177 : memref<1x64xi32, #tpu.memory_space<vmem>> -> memref<64xi32, #tpu.memory_space<vmem>>
    %dma_start3A_179 = tpu.memref_slice %arg2[%mul3A_173] : memref<320000xi32, #tpu.memory_space<hbm>> -> memref<64xi32, #tpu.memory_space<hbm>>
    %dma_start3A_180 = tpu.memref_slice %arg10[%dma_start3A_175] : memref<10x!tpu.dma_semaphore, #tpu.memory_space<semaphore_mem>> -> memref<1x!tpu.dma_semaphore, #tpu.memory_space<semaphore_mem>>
    %dma_start3A_181 = tpu.memref_squeeze %dma_start3A_180 : memref<1x!tpu.dma_semaphore, #tpu.memory_space<semaphore_mem>> -> memref<!tpu.dma_semaphore, #tpu.memory_space<semaphore_mem>>
    %dma_start3A_182 = arith.constant 0 : i32
    %dma_start3A_183 = tpu.memref_slice %arg7[%dma_start3A_174, %dma_start3A_182] : memref<10x64xi32, #tpu.memory_space<vmem>> -> memref<1x64xi32, #tpu.memory_space<vmem>>
    %dma_start3A_184 = tpu.memref_squeeze %dma_start3A_183 : memref<1x64xi32, #tpu.memory_space<vmem>> -> memref<64xi32, #tpu.memory_space<vmem>>
    %dma_start3A_185 = tpu.memref_slice %arg2[%mul3A_173] : memref<320000xi32, #tpu.memory_space<hbm>> -> memref<64xi32, #tpu.memory_space<hbm>>
    tpu.enqueue_dma source(%dma_start3A_185 : memref<64xi32, #tpu.memory_space<hbm>>) target(%dma_start3A_184 : memref<64xi32, #tpu.memory_space<vmem>>) target_semaphore(%dma_start3A_181 : memref<!tpu.dma_semaphore, #tpu.memory_space<semaphore_mem>>)
    %add3A_186 = arith.constant 4 : i32
    %add3A_187 = arith.addi %select_n3A_24, %add3A_186 : i32
    %mul3A_188 = arith.constant 64 : i32
    %mul3A_189 = arith.muli %add3A_187, %mul3A_188 : i32
    %dma_start3A_190 = arith.constant 4 : i32
    %dma_start3A_191 = arith.constant 4 : i32
    %dma_start3A_192 = arith.constant 0 : i32
    %dma_start3A_193 = tpu.memref_slice %arg8[%dma_start3A_190, %dma_start3A_192] : memref<10x64xi32, #tpu.memory_space<vmem>> -> memref<1x64xi32, #tpu.memory_space<vmem>>
    %dma_start3A_194 = tpu.memref_squeeze %dma_start3A_193 : memref<1x64xi32, #tpu.memory_space<vmem>> -> memref<64xi32, #tpu.memory_space<vmem>>
    %dma_start3A_195 = tpu.memref_slice %arg3[%mul3A_189] : memref<320000xi32, #tpu.memory_space<hbm>> -> memref<64xi32, #tpu.memory_space<hbm>>
    %dma_start3A_196 = tpu.memref_slice %arg11[%dma_start3A_191] : memref<10x!tpu.dma_semaphore, #tpu.memory_space<semaphore_mem>> -> memref<1x!tpu.dma_semaphore, #tpu.memory_space<semaphore_mem>>
    %dma_start3A_197 = tpu.memref_squeeze %dma_start3A_196 : memref<1x!tpu.dma_semaphore, #tpu.memory_space<semaphore_mem>> -> memref<!tpu.dma_semaphore, #tpu.memory_space<semaphore_mem>>
    %dma_start3A_198 = arith.constant 0 : i32
    %dma_start3A_199 = tpu.memref_slice %arg8[%dma_start3A_190, %dma_start3A_198] : memref<10x64xi32, #tpu.memory_space<vmem>> -> memref<1x64xi32, #tpu.memory_space<vmem>>
    %dma_start3A_200 = tpu.memref_squeeze %dma_start3A_199 : memref<1x64xi32, #tpu.memory_space<vmem>> -> memref<64xi32, #tpu.memory_space<vmem>>
    %dma_start3A_201 = tpu.memref_slice %arg3[%mul3A_189] : memref<320000xi32, #tpu.memory_space<hbm>> -> memref<64xi32, #tpu.memory_space<hbm>>
    tpu.enqueue_dma source(%dma_start3A_201 : memref<64xi32, #tpu.memory_space<hbm>>) target(%dma_start3A_200 : memref<64xi32, #tpu.memory_space<vmem>>) target_semaphore(%dma_start3A_197 : memref<!tpu.dma_semaphore, #tpu.memory_space<semaphore_mem>>)
    %add3A_202 = arith.constant 5 : i32
    %add3A_203 = arith.addi %select_n3A_24, %add3A_202 : i32
    %mul3A_204 = arith.constant 64 : i32
    %mul3A_205 = arith.muli %add3A_203, %mul3A_204 : i32
    %dma_start3A_206 = arith.constant 5 : i32
    %dma_start3A_207 = arith.constant 5 : i32
    %dma_start3A_208 = arith.constant 0 : i32
    %dma_start3A_209 = tpu.memref_slice %arg7[%dma_start3A_206, %dma_start3A_208] : memref<10x64xi32, #tpu.memory_space<vmem>> -> memref<1x64xi32, #tpu.memory_space<vmem>>
    %dma_start3A_210 = tpu.memref_squeeze %dma_start3A_209 : memref<1x64xi32, #tpu.memory_space<vmem>> -> memref<64xi32, #tpu.memory_space<vmem>>
    %dma_start3A_211 = tpu.memref_slice %arg2[%mul3A_205] : memref<320000xi32, #tpu.memory_space<hbm>> -> memref<64xi32, #tpu.memory_space<hbm>>
    %dma_start3A_212 = tpu.memref_slice %arg10[%dma_start3A_207] : memref<10x!tpu.dma_semaphore, #tpu.memory_space<semaphore_mem>> -> memref<1x!tpu.dma_semaphore, #tpu.memory_space<semaphore_mem>>
    %dma_start3A_213 = tpu.memref_squeeze %dma_start3A_212 : memref<1x!tpu.dma_semaphore, #tpu.memory_space<semaphore_mem>> -> memref<!tpu.dma_semaphore, #tpu.memory_space<semaphore_mem>>
    %dma_start3A_214 = arith.constant 0 : i32
    %dma_start3A_215 = tpu.memref_slice %arg7[%dma_start3A_206, %dma_start3A_214] : memref<10x64xi32, #tpu.memory_space<vmem>> -> memref<1x64xi32, #tpu.memory_space<vmem>>
    %dma_start3A_216 = tpu.memref_squeeze %dma_start3A_215 : memref<1x64xi32, #tpu.memory_space<vmem>> -> memref<64xi32, #tpu.memory_space<vmem>>
    %dma_start3A_217 = tpu.memref_slice %arg2[%mul3A_205] : memref<320000xi32, #tpu.memory_space<hbm>> -> memref<64xi32, #tpu.memory_space<hbm>>
    tpu.enqueue_dma source(%dma_start3A_217 : memref<64xi32, #tpu.memory_space<hbm>>) target(%dma_start3A_216 : memref<64xi32, #tpu.memory_space<vmem>>) target_semaphore(%dma_start3A_213 : memref<!tpu.dma_semaphore, #tpu.memory_space<semaphore_mem>>)
    %add3A_218 = arith.constant 5 : i32
    %add3A_219 = arith.addi %select_n3A_24, %add3A_218 : i32
    %mul3A_220 = arith.constant 64 : i32
    %mul3A_221 = arith.muli %add3A_219, %mul3A_220 : i32
    %dma_start3A_222 = arith.constant 5 : i32
    %dma_start3A_223 = arith.constant 5 : i32
    %dma_start3A_224 = arith.constant 0 : i32
    %dma_start3A_225 = tpu.memref_slice %arg8[%dma_start3A_222, %dma_start3A_224] : memref<10x64xi32, #tpu.memory_space<vmem>> -> memref<1x64xi32, #tpu.memory_space<vmem>>
    %dma_start3A_226 = tpu.memref_squeeze %dma_start3A_225 : memref<1x64xi32, #tpu.memory_space<vmem>> -> memref<64xi32, #tpu.memory_space<vmem>>
    %dma_start3A_227 = tpu.memref_slice %arg3[%mul3A_221] : memref<320000xi32, #tpu.memory_space<hbm>> -> memref<64xi32, #tpu.memory_space<hbm>>
    %dma_start3A_228 = tpu.memref_slice %arg11[%dma_start3A_223] : memref<10x!tpu.dma_semaphore, #tpu.memory_space<semaphore_mem>> -> memref<1x!tpu.dma_semaphore, #tpu.memory_space<semaphore_mem>>
    %dma_start3A_229 = tpu.memref_squeeze %dma_start3A_228 : memref<1x!tpu.dma_semaphore, #tpu.memory_space<semaphore_mem>> -> memref<!tpu.dma_semaphore, #tpu.memory_space<semaphore_mem>>
    %dma_start3A_230 = arith.constant 0 : i32
    %dma_start3A_231 = tpu.memref_slice %arg8[%dma_start3A_222, %dma_start3A_230] : memref<10x64xi32, #tpu.memory_space<vmem>> -> memref<1x64xi32, #tpu.memory_space<vmem>>
    %dma_start3A_232 = tpu.memref_squeeze %dma_start3A_231 : memref<1x64xi32, #tpu.memory_space<vmem>> -> memref<64xi32, #tpu.memory_space<vmem>>
    %dma_start3A_233 = tpu.memref_slice %arg3[%mul3A_221] : memref<320000xi32, #tpu.memory_space<hbm>> -> memref<64xi32, #tpu.memory_space<hbm>>
    tpu.enqueue_dma source(%dma_start3A_233 : memref<64xi32, #tpu.memory_space<hbm>>) target(%dma_start3A_232 : memref<64xi32, #tpu.memory_space<vmem>>) target_semaphore(%dma_start3A_229 : memref<!tpu.dma_semaphore, #tpu.memory_space<semaphore_mem>>)
    %add3A_234 = arith.constant 6 : i32
    %add3A_235 = arith.addi %select_n3A_24, %add3A_234 : i32
    %mul3A_236 = arith.constant 64 : i32
    %mul3A_237 = arith.muli %add3A_235, %mul3A_236 : i32
    %dma_start3A_238 = arith.constant 6 : i32
    %dma_start3A_239 = arith.constant 6 : i32
    %dma_start3A_240 = arith.constant 0 : i32
    %dma_start3A_241 = tpu.memref_slice %arg7[%dma_start3A_238, %dma_start3A_240] : memref<10x64xi32, #tpu.memory_space<vmem>> -> memref<1x64xi32, #tpu.memory_space<vmem>>
    %dma_start3A_242 = tpu.memref_squeeze %dma_start3A_241 : memref<1x64xi32, #tpu.memory_space<vmem>> -> memref<64xi32, #tpu.memory_space<vmem>>
    %dma_start3A_243 = tpu.memref_slice %arg2[%mul3A_237] : memref<320000xi32, #tpu.memory_space<hbm>> -> memref<64xi32, #tpu.memory_space<hbm>>
    %dma_start3A_244 = tpu.memref_slice %arg10[%dma_start3A_239] : memref<10x!tpu.dma_semaphore, #tpu.memory_space<semaphore_mem>> -> memref<1x!tpu.dma_semaphore, #tpu.memory_space<semaphore_mem>>
    %dma_start3A_245 = tpu.memref_squeeze %dma_start3A_244 : memref<1x!tpu.dma_semaphore, #tpu.memory_space<semaphore_mem>> -> memref<!tpu.dma_semaphore, #tpu.memory_space<semaphore_mem>>
    %dma_start3A_246 = arith.constant 0 : i32
    %dma_start3A_247 = tpu.memref_slice %arg7[%dma_start3A_238, %dma_start3A_246] : memref<10x64xi32, #tpu.memory_space<vmem>> -> memref<1x64xi32, #tpu.memory_space<vmem>>
    %dma_start3A_248 = tpu.memref_squeeze %dma_start3A_247 : memref<1x64xi32, #tpu.memory_space<vmem>> -> memref<64xi32, #tpu.memory_space<vmem>>
    %dma_start3A_249 = tpu.memref_slice %arg2[%mul3A_237] : memref<320000xi32, #tpu.memory_space<hbm>> -> memref<64xi32, #tpu.memory_space<hbm>>
    tpu.enqueue_dma source(%dma_start3A_249 : memref<64xi32, #tpu.memory_space<hbm>>) target(%dma_start3A_248 : memref<64xi32, #tpu.memory_space<vmem>>) target_semaphore(%dma_start3A_245 : memref<!tpu.dma_semaphore, #tpu.memory_space<semaphore_mem>>)
    %add3A_250 = arith.constant 6 : i32
    %add3A_251 = arith.addi %select_n3A_24, %add3A_250 : i32
    %mul3A_252 = arith.constant 64 : i32
    %mul3A_253 = arith.muli %add3A_251, %mul3A_252 : i32
    %dma_start3A_254 = arith.constant 6 : i32
    %dma_start3A_255 = arith.constant 6 : i32
    %dma_start3A_256 = arith.constant 0 : i32
    %dma_start3A_257 = tpu.memref_slice %arg8[%dma_start3A_254, %dma_start3A_256] : memref<10x64xi32, #tpu.memory_space<vmem>> -> memref<1x64xi32, #tpu.memory_space<vmem>>
    %dma_start3A_258 = tpu.memref_squeeze %dma_start3A_257 : memref<1x64xi32, #tpu.memory_space<vmem>> -> memref<64xi32, #tpu.memory_space<vmem>>
    %dma_start3A_259 = tpu.memref_slice %arg3[%mul3A_253] : memref<320000xi32, #tpu.memory_space<hbm>> -> memref<64xi32, #tpu.memory_space<hbm>>
    %dma_start3A_260 = tpu.memref_slice %arg11[%dma_start3A_255] : memref<10x!tpu.dma_semaphore, #tpu.memory_space<semaphore_mem>> -> memref<1x!tpu.dma_semaphore, #tpu.memory_space<semaphore_mem>>
    %dma_start3A_261 = tpu.memref_squeeze %dma_start3A_260 : memref<1x!tpu.dma_semaphore, #tpu.memory_space<semaphore_mem>> -> memref<!tpu.dma_semaphore, #tpu.memory_space<semaphore_mem>>
    %dma_start3A_262 = arith.constant 0 : i32
    %dma_start3A_263 = tpu.memref_slice %arg8[%dma_start3A_254, %dma_start3A_262] : memref<10x64xi32, #tpu.memory_space<vmem>> -> memref<1x64xi32, #tpu.memory_space<vmem>>
    %dma_start3A_264 = tpu.memref_squeeze %dma_start3A_263 : memref<1x64xi32, #tpu.memory_space<vmem>> -> memref<64xi32, #tpu.memory_space<vmem>>
    %dma_start3A_265 = tpu.memref_slice %arg3[%mul3A_253] : memref<320000xi32, #tpu.memory_space<hbm>> -> memref<64xi32, #tpu.memory_space<hbm>>
    tpu.enqueue_dma source(%dma_start3A_265 : memref<64xi32, #tpu.memory_space<hbm>>) target(%dma_start3A_264 : memref<64xi32, #tpu.memory_space<vmem>>) target_semaphore(%dma_start3A_261 : memref<!tpu.dma_semaphore, #tpu.memory_space<semaphore_mem>>)
    %add3A_266 = arith.constant 7 : i32
    %add3A_267 = arith.addi %select_n3A_24, %add3A_266 : i32
    %mul3A_268 = arith.constant 64 : i32
    %mul3A_269 = arith.muli %add3A_267, %mul3A_268 : i32
    %dma_start3A_270 = arith.constant 7 : i32
    %dma_start3A_271 = arith.constant 7 : i32
    %dma_start3A_272 = arith.constant 0 : i32
    %dma_start3A_273 = tpu.memref_slice %arg7[%dma_start3A_270, %dma_start3A_272] : memref<10x64xi32, #tpu.memory_space<vmem>> -> memref<1x64xi32, #tpu.memory_space<vmem>>
    %dma_start3A_274 = tpu.memref_squeeze %dma_start3A_273 : memref<1x64xi32, #tpu.memory_space<vmem>> -> memref<64xi32, #tpu.memory_space<vmem>>
    %dma_start3A_275 = tpu.memref_slice %arg2[%mul3A_269] : memref<320000xi32, #tpu.memory_space<hbm>> -> memref<64xi32, #tpu.memory_space<hbm>>
    %dma_start3A_276 = tpu.memref_slice %arg10[%dma_start3A_271] : memref<10x!tpu.dma_semaphore, #tpu.memory_space<semaphore_mem>> -> memref<1x!tpu.dma_semaphore, #tpu.memory_space<semaphore_mem>>
    %dma_start3A_277 = tpu.memref_squeeze %dma_start3A_276 : memref<1x!tpu.dma_semaphore, #tpu.memory_space<semaphore_mem>> -> memref<!tpu.dma_semaphore, #tpu.memory_space<semaphore_mem>>
    %dma_start3A_278 = arith.constant 0 : i32
    %dma_start3A_279 = tpu.memref_slice %arg7[%dma_start3A_270, %dma_start3A_278] : memref<10x64xi32, #tpu.memory_space<vmem>> -> memref<1x64xi32, #tpu.memory_space<vmem>>
    %dma_start3A_280 = tpu.memref_squeeze %dma_start3A_279 : memref<1x64xi32, #tpu.memory_space<vmem>> -> memref<64xi32, #tpu.memory_space<vmem>>
    %dma_start3A_281 = tpu.memref_slice %arg2[%mul3A_269] : memref<320000xi32, #tpu.memory_space<hbm>> -> memref<64xi32, #tpu.memory_space<hbm>>
    tpu.enqueue_dma source(%dma_start3A_281 : memref<64xi32, #tpu.memory_space<hbm>>) target(%dma_start3A_280 : memref<64xi32, #tpu.memory_space<vmem>>) target_semaphore(%dma_start3A_277 : memref<!tpu.dma_semaphore, #tpu.memory_space<semaphore_mem>>)
    %add3A_282 = arith.constant 7 : i32
    %add3A_283 = arith.addi %select_n3A_24, %add3A_282 : i32
    %mul3A_284 = arith.constant 64 : i32
    %mul3A_285 = arith.muli %add3A_283, %mul3A_284 : i32
    %dma_start3A_286 = arith.constant 7 : i32
    %dma_start3A_287 = arith.constant 7 : i32
    %dma_start3A_288 = arith.constant 0 : i32
    %dma_start3A_289 = tpu.memref_slice %arg8[%dma_start3A_286, %dma_start3A_288] : memref<10x64xi32, #tpu.memory_space<vmem>> -> memref<1x64xi32, #tpu.memory_space<vmem>>
    %dma_start3A_290 = tpu.memref_squeeze %dma_start3A_289 : memref<1x64xi32, #tpu.memory_space<vmem>> -> memref<64xi32, #tpu.memory_space<vmem>>
    %dma_start3A_291 = tpu.memref_slice %arg3[%mul3A_285] : memref<320000xi32, #tpu.memory_space<hbm>> -> memref<64xi32, #tpu.memory_space<hbm>>
    %dma_start3A_292 = tpu.memref_slice %arg11[%dma_start3A_287] : memref<10x!tpu.dma_semaphore, #tpu.memory_space<semaphore_mem>> -> memref<1x!tpu.dma_semaphore, #tpu.memory_space<semaphore_mem>>
    %dma_start3A_293 = tpu.memref_squeeze %dma_start3A_292 : memref<1x!tpu.dma_semaphore, #tpu.memory_space<semaphore_mem>> -> memref<!tpu.dma_semaphore, #tpu.memory_space<semaphore_mem>>
    %dma_start3A_294 = arith.constant 0 : i32
    %dma_start3A_295 = tpu.memref_slice %arg8[%dma_start3A_286, %dma_start3A_294] : memref<10x64xi32, #tpu.memory_space<vmem>> -> memref<1x64xi32, #tpu.memory_space<vmem>>
    %dma_start3A_296 = tpu.memref_squeeze %dma_start3A_295 : memref<1x64xi32, #tpu.memory_space<vmem>> -> memref<64xi32, #tpu.memory_space<vmem>>
    %dma_start3A_297 = tpu.memref_slice %arg3[%mul3A_285] : memref<320000xi32, #tpu.memory_space<hbm>> -> memref<64xi32, #tpu.memory_space<hbm>>
    tpu.enqueue_dma source(%dma_start3A_297 : memref<64xi32, #tpu.memory_space<hbm>>) target(%dma_start3A_296 : memref<64xi32, #tpu.memory_space<vmem>>) target_semaphore(%dma_start3A_293 : memref<!tpu.dma_semaphore, #tpu.memory_space<semaphore_mem>>)
    %dma_wait3A = arith.constant 0 : i32
    %dma_wait3A_298 = arith.constant 0 : i32
    %dma_wait3A_299 = arith.constant 0 : i32
    %dma_wait3A_300 = tpu.memref_slice %arg7[%dma_wait3A, %dma_wait3A_299] : memref<10x64xi32, #tpu.memory_space<vmem>> -> memref<1x64xi32, #tpu.memory_space<vmem>>
    %dma_wait3A_301 = tpu.memref_squeeze %dma_wait3A_300 : memref<1x64xi32, #tpu.memory_space<vmem>> -> memref<64xi32, #tpu.memory_space<vmem>>
    %dma_wait3A_302 = arith.constant 0 : i32
    %dma_wait3A_303 = tpu.memref_slice %arg2[%dma_wait3A_302] : memref<320000xi32, #tpu.memory_space<hbm>> -> memref<64xi32, #tpu.memory_space<hbm>>
    %dma_wait3A_304 = tpu.memref_slice %arg10[%dma_wait3A_298] : memref<10x!tpu.dma_semaphore, #tpu.memory_space<semaphore_mem>> -> memref<1x!tpu.dma_semaphore, #tpu.memory_space<semaphore_mem>>
    %dma_wait3A_305 = tpu.memref_squeeze %dma_wait3A_304 : memref<1x!tpu.dma_semaphore, #tpu.memory_space<semaphore_mem>> -> memref<!tpu.dma_semaphore, #tpu.memory_space<semaphore_mem>>
    %dma_wait3A_306 = arith.constant 0 : i32
    %dma_wait3A_307 = tpu.memref_slice %arg7[%dma_wait3A, %dma_wait3A_306] : memref<10x64xi32, #tpu.memory_space<vmem>> -> memref<1x64xi32, #tpu.memory_space<vmem>>
    %dma_wait3A_308 = tpu.memref_squeeze %dma_wait3A_307 : memref<1x64xi32, #tpu.memory_space<vmem>> -> memref<64xi32, #tpu.memory_space<vmem>>
    %dma_wait3A_309 = arith.constant 0 : i32
    %dma_wait3A_310 = tpu.memref_slice %arg2[%dma_wait3A_309] : memref<320000xi32, #tpu.memory_space<hbm>> -> memref<64xi32, #tpu.memory_space<hbm>>
    tpu.wait_dma2 semaphore(%dma_wait3A_305 : memref<!tpu.dma_semaphore, #tpu.memory_space<semaphore_mem>>) src(%dma_wait3A_310 : memref<64xi32, #tpu.memory_space<hbm>>) dst(%dma_wait3A_308 : memref<64xi32, #tpu.memory_space<vmem>>)
    %dma_start3A_311 = arith.constant 0 : i32
    %dma_start3A_312 = arith.constant 0 : i32
    %dma_start3A_313 = arith.constant 0 : i32
    %dma_start3A_314 = arith.constant 0 : i32
    %dma_start3A_315 = arith.constant 0 : i32
    %dma_start3A_316 = tpu.memref_slice %arg9[%dma_start3A_312, %dma_start3A_314, %dma_start3A_315] : memref<5x64x128xf32, #tpu.memory_space<vmem>> -> memref<1x64x128xf32, #tpu.memory_space<vmem>>
    %dma_start3A_317 = tpu.memref_squeeze %dma_start3A_316 : memref<1x64x128xf32, #tpu.memory_space<vmem>> -> memref<64x128xf32, #tpu.memory_space<vmem>>
    %dma_start3A_318 = arith.constant 0 : i32
    %dma_start3A_319 = tpu.memref_slice %arg7[%dma_start3A_311, %dma_start3A_318] : memref<10x64xi32, #tpu.memory_space<vmem>> -> memref<1x64xi32, #tpu.memory_space<vmem>>
    %dma_start3A_320 = tpu.memref_squeeze %dma_start3A_319 : memref<1x64xi32, #tpu.memory_space<vmem>> -> memref<64xi32, #tpu.memory_space<vmem>>
    %dma_start3A_321 = arith.constant 0 : i32
    %dma_start3A_322 = arith.constant 0 : i32
    %dma_start3A_323 = tpu.memref_slice %arg4[%dma_start3A_321, %dma_start3A_322] : memref<10240x128xf32, #tpu.memory_space<hbm>> -> memref<10240x128xf32, #tpu.memory_space<hbm>>
    %dma_start3A_324 = tpu.memref_slice %arg12[%dma_start3A_313] : memref<5x!tpu.dma_semaphore, #tpu.memory_space<semaphore_mem>> -> memref<1x!tpu.dma_semaphore, #tpu.memory_space<semaphore_mem>>
    %dma_start3A_325 = tpu.memref_squeeze %dma_start3A_324 : memref<1x!tpu.dma_semaphore, #tpu.memory_space<semaphore_mem>> -> memref<!tpu.dma_semaphore, #tpu.memory_space<semaphore_mem>>
    tpu.enqueue_indirect_dma source(%dma_start3A_323 : memref<10240x128xf32, #tpu.memory_space<hbm>>) target(%dma_start3A_317 : memref<64x128xf32, #tpu.memory_space<vmem>>) offsets(%dma_start3A_320 : memref<64xi32, #tpu.memory_space<vmem>>) semaphore(%dma_start3A_325 : memref<!tpu.dma_semaphore, #tpu.memory_space<semaphore_mem>>)
    %dma_wait3A_326 = arith.constant 1 : i32
    %dma_wait3A_327 = arith.constant 1 : i32
    %dma_wait3A_328 = arith.constant 0 : i32
    %dma_wait3A_329 = tpu.memref_slice %arg7[%dma_wait3A_326, %dma_wait3A_328] : memref<10x64xi32, #tpu.memory_space<vmem>> -> memref<1x64xi32, #tpu.memory_space<vmem>>
    %dma_wait3A_330 = tpu.memref_squeeze %dma_wait3A_329 : memref<1x64xi32, #tpu.memory_space<vmem>> -> memref<64xi32, #tpu.memory_space<vmem>>
    %dma_wait3A_331 = arith.constant 0 : i32
    %dma_wait3A_332 = tpu.memref_slice %arg2[%dma_wait3A_331] : memref<320000xi32, #tpu.memory_space<hbm>> -> memref<64xi32, #tpu.memory_space<hbm>>
    %dma_wait3A_333 = tpu.memref_slice %arg10[%dma_wait3A_327] : memref<10x!tpu.dma_semaphore, #tpu.memory_space<semaphore_mem>> -> memref<1x!tpu.dma_semaphore, #tpu.memory_space<semaphore_mem>>
    %dma_wait3A_334 = tpu.memref_squeeze %dma_wait3A_333 : memref<1x!tpu.dma_semaphore, #tpu.memory_space<semaphore_mem>> -> memref<!tpu.dma_semaphore, #tpu.memory_space<semaphore_mem>>
    %dma_wait3A_335 = arith.constant 0 : i32
    %dma_wait3A_336 = tpu.memref_slice %arg7[%dma_wait3A_326, %dma_wait3A_335] : memref<10x64xi32, #tpu.memory_space<vmem>> -> memref<1x64xi32, #tpu.memory_space<vmem>>
    %dma_wait3A_337 = tpu.memref_squeeze %dma_wait3A_336 : memref<1x64xi32, #tpu.memory_space<vmem>> -> memref<64xi32, #tpu.memory_space<vmem>>
    %dma_wait3A_338 = arith.constant 0 : i32
    %dma_wait3A_339 = tpu.memref_slice %arg2[%dma_wait3A_338] : memref<320000xi32, #tpu.memory_space<hbm>> -> memref<64xi32, #tpu.memory_space<hbm>>
    tpu.wait_dma2 semaphore(%dma_wait3A_334 : memref<!tpu.dma_semaphore, #tpu.memory_space<semaphore_mem>>) src(%dma_wait3A_339 : memref<64xi32, #tpu.memory_space<hbm>>) dst(%dma_wait3A_337 : memref<64xi32, #tpu.memory_space<vmem>>)
    %dma_start3A_340 = arith.constant 1 : i32
    %dma_start3A_341 = arith.constant 1 : i32
    %dma_start3A_342 = arith.constant 1 : i32
    %dma_start3A_343 = arith.constant 0 : i32
    %dma_start3A_344 = arith.constant 0 : i32
    %dma_start3A_345 = tpu.memref_slice %arg9[%dma_start3A_341, %dma_start3A_343, %dma_start3A_344] : memref<5x64x128xf32, #tpu.memory_space<vmem>> -> memref<1x64x128xf32, #tpu.memory_space<vmem>>
    %dma_start3A_346 = tpu.memref_squeeze %dma_start3A_345 : memref<1x64x128xf32, #tpu.memory_space<vmem>> -> memref<64x128xf32, #tpu.memory_space<vmem>>
    %dma_start3A_347 = arith.constant 0 : i32
    %dma_start3A_348 = tpu.memref_slice %arg7[%dma_start3A_340, %dma_start3A_347] : memref<10x64xi32, #tpu.memory_space<vmem>> -> memref<1x64xi32, #tpu.memory_space<vmem>>
    %dma_start3A_349 = tpu.memref_squeeze %dma_start3A_348 : memref<1x64xi32, #tpu.memory_space<vmem>> -> memref<64xi32, #tpu.memory_space<vmem>>
    %dma_start3A_350 = arith.constant 0 : i32
    %dma_start3A_351 = arith.constant 0 : i32
    %dma_start3A_352 = tpu.memref_slice %arg4[%dma_start3A_350, %dma_start3A_351] : memref<10240x128xf32, #tpu.memory_space<hbm>> -> memref<10240x128xf32, #tpu.memory_space<hbm>>
    %dma_start3A_353 = tpu.memref_slice %arg12[%dma_start3A_342] : memref<5x!tpu.dma_semaphore, #tpu.memory_space<semaphore_mem>> -> memref<1x!tpu.dma_semaphore, #tpu.memory_space<semaphore_mem>>
    %dma_start3A_354 = tpu.memref_squeeze %dma_start3A_353 : memref<1x!tpu.dma_semaphore, #tpu.memory_space<semaphore_mem>> -> memref<!tpu.dma_semaphore, #tpu.memory_space<semaphore_mem>>
    tpu.enqueue_indirect_dma source(%dma_start3A_352 : memref<10240x128xf32, #tpu.memory_space<hbm>>) target(%dma_start3A_346 : memref<64x128xf32, #tpu.memory_space<vmem>>) offsets(%dma_start3A_349 : memref<64xi32, #tpu.memory_space<vmem>>) semaphore(%dma_start3A_354 : memref<!tpu.dma_semaphore, #tpu.memory_space<semaphore_mem>>)
    %while3A = arith.constant 0 : i32
    %while3A_355 = arith.constant 0 : i32
    %while3A_356 = arith.subi %select_n3A_11, %while3A : i32
    %while3A_357 = arith.addi %while3A, %while3A_356 : i32
    %while3A_358 = arith.constant 1 : i32
    %while3A_359 = arith.divsi %while3A_356, %while3A_358 : i32
    %while3A_360 = arith.muli %while3A_359, %while3A_358 : i32
    %while3A_361 = arith.addi %while3A, %while3A_360 : i32
    %while3A_362 = arith.constant 1 : i32
    %while3A_363 = scf.for %while3A_413 = %while3A to %while3A_361 step %while3A_362 iter_args(%while3A_414 = %while3A_355) -> (i32)  : i32 {
      %rem3A_415 = arith.constant 5 : i32
      %rem3A_416 = arith.remsi %while3A_413, %rem3A_415 : i32
      %rem3A_417 = arith.constant 10 : i32
      %rem3A_418 = arith.remsi %while3A_413, %rem3A_417 : i32
      %dma_wait3A_419 = arith.constant 0 : i32
      %dma_wait3A_420 = arith.constant 0 : i32
      %dma_wait3A_421 = arith.constant 0 : i32
      %dma_wait3A_422 = tpu.memref_slice %arg9[%rem3A_416, %dma_wait3A_420, %dma_wait3A_421] : memref<5x64x128xf32, #tpu.memory_space<vmem>> -> memref<1x64x128xf32, #tpu.memory_space<vmem>>
      %dma_wait3A_423 = tpu.memref_squeeze %dma_wait3A_422 : memref<1x64x128xf32, #tpu.memory_space<vmem>> -> memref<64x128xf32, #tpu.memory_space<vmem>>
      %dma_wait3A_424 = arith.constant 0 : i32
      %dma_wait3A_425 = tpu.memref_slice %arg7[%dma_wait3A_419, %dma_wait3A_424] : memref<10x64xi32, #tpu.memory_space<vmem>> -> memref<1x64xi32, #tpu.memory_space<vmem>>
      %dma_wait3A_426 = tpu.memref_squeeze %dma_wait3A_425 : memref<1x64xi32, #tpu.memory_space<vmem>> -> memref<64xi32, #tpu.memory_space<vmem>>
      %dma_wait3A_427 = arith.constant 0 : i32
      %dma_wait3A_428 = arith.constant 0 : i32
      %dma_wait3A_429 = tpu.memref_slice %arg4[%dma_wait3A_427, %dma_wait3A_428] : memref<10240x128xf32, #tpu.memory_space<hbm>> -> memref<10240x128xf32, #tpu.memory_space<hbm>>
      %dma_wait3A_430 = tpu.memref_slice %arg12[%rem3A_416] : memref<5x!tpu.dma_semaphore, #tpu.memory_space<semaphore_mem>> -> memref<1x!tpu.dma_semaphore, #tpu.memory_space<semaphore_mem>>
      %dma_wait3A_431 = tpu.memref_squeeze %dma_wait3A_430 : memref<1x!tpu.dma_semaphore, #tpu.memory_space<semaphore_mem>> -> memref<!tpu.dma_semaphore, #tpu.memory_space<semaphore_mem>>
      tpu.wait_indirect_dma semaphore(%dma_wait3A_431 : memref<!tpu.dma_semaphore, #tpu.memory_space<semaphore_mem>>) src(%dma_wait3A_429 : memref<10240x128xf32, #tpu.memory_space<hbm>>) dst(%dma_wait3A_423 : memref<64x128xf32, #tpu.memory_space<vmem>>)
      %dma_wait3A_432 = arith.constant 0 : i32
      %dma_wait3A_433 = tpu.memref_slice %arg8[%rem3A_418, %dma_wait3A_432] : memref<10x64xi32, #tpu.memory_space<vmem>> -> memref<1x64xi32, #tpu.memory_space<vmem>>
      %dma_wait3A_434 = tpu.memref_squeeze %dma_wait3A_433 : memref<1x64xi32, #tpu.memory_space<vmem>> -> memref<64xi32, #tpu.memory_space<vmem>>
      %dma_wait3A_435 = arith.constant 0 : i32
      %dma_wait3A_436 = tpu.memref_slice %arg3[%dma_wait3A_435] : memref<320000xi32, #tpu.memory_space<hbm>> -> memref<64xi32, #tpu.memory_space<hbm>>
      %dma_wait3A_437 = tpu.memref_slice %arg11[%rem3A_418] : memref<10x!tpu.dma_semaphore, #tpu.memory_space<semaphore_mem>> -> memref<1x!tpu.dma_semaphore, #tpu.memory_space<semaphore_mem>>
      %dma_wait3A_438 = tpu.memref_squeeze %dma_wait3A_437 : memref<1x!tpu.dma_semaphore, #tpu.memory_space<semaphore_mem>> -> memref<!tpu.dma_semaphore, #tpu.memory_space<semaphore_mem>>
      %dma_wait3A_439 = arith.constant 0 : i32
      %dma_wait3A_440 = tpu.memref_slice %arg8[%rem3A_418, %dma_wait3A_439] : memref<10x64xi32, #tpu.memory_space<vmem>> -> memref<1x64xi32, #tpu.memory_space<vmem>>
      %dma_wait3A_441 = tpu.memref_squeeze %dma_wait3A_440 : memref<1x64xi32, #tpu.memory_space<vmem>> -> memref<64xi32, #tpu.memory_space<vmem>>
      %dma_wait3A_442 = arith.constant 0 : i32
      %dma_wait3A_443 = tpu.memref_slice %arg3[%dma_wait3A_442] : memref<320000xi32, #tpu.memory_space<hbm>> -> memref<64xi32, #tpu.memory_space<hbm>>
      tpu.wait_dma2 semaphore(%dma_wait3A_438 : memref<!tpu.dma_semaphore, #tpu.memory_space<semaphore_mem>>) src(%dma_wait3A_443 : memref<64xi32, #tpu.memory_space<hbm>>) dst(%dma_wait3A_441 : memref<64xi32, #tpu.memory_space<vmem>>)
      %dma_start3A_444 = arith.constant 0 : i32
      %dma_start3A_445 = arith.constant 0 : i32
      %dma_start3A_446 = tpu.memref_slice %arg9[%rem3A_416, %dma_start3A_444, %dma_start3A_445] : memref<5x64x128xf32, #tpu.memory_space<vmem>> -> memref<1x64x128xf32, #tpu.memory_space<vmem>>
      %dma_start3A_447 = tpu.memref_squeeze %dma_start3A_446 : memref<1x64x128xf32, #tpu.memory_space<vmem>> -> memref<64x128xf32, #tpu.memory_space<vmem>>
      %dma_start3A_448 = arith.constant 0 : i32
      %dma_start3A_449 = tpu.memref_slice %arg8[%rem3A_418, %dma_start3A_448] : memref<10x64xi32, #tpu.memory_space<vmem>> -> memref<1x64xi32, #tpu.memory_space<vmem>>
      %dma_start3A_450 = tpu.memref_squeeze %dma_start3A_449 : memref<1x64xi32, #tpu.memory_space<vmem>> -> memref<64xi32, #tpu.memory_space<vmem>>
      %dma_start3A_451 = arith.constant 0 : i32
      %dma_start3A_452 = arith.constant 0 : i32
      %dma_start3A_453 = tpu.memref_slice %arg6[%dma_start3A_451, %dma_start3A_452] : memref<10008x128xf32, #tpu.memory_space<vmem_shared>> -> memref<10008x128xf32, #tpu.memory_space<vmem_shared>>
      %dma_start3A_454 = tpu.memref_slice %arg13[%rem3A_416] : memref<5x!tpu.dma_semaphore, #tpu.memory_space<semaphore_mem>> -> memref<1x!tpu.dma_semaphore, #tpu.memory_space<semaphore_mem>>
      %dma_start3A_455 = tpu.memref_squeeze %dma_start3A_454 : memref<1x!tpu.dma_semaphore, #tpu.memory_space<semaphore_mem>> -> memref<!tpu.dma_semaphore, #tpu.memory_space<semaphore_mem>>
      tpu.enqueue_indirect_dma source(%dma_start3A_447 : memref<64x128xf32, #tpu.memory_space<vmem>>) target(%dma_start3A_453 : memref<10008x128xf32, #tpu.memory_space<vmem_shared>>) offsets(%dma_start3A_450 : memref<64xi32, #tpu.memory_space<vmem>>) semaphore(%dma_start3A_455 : memref<!tpu.dma_semaphore, #tpu.memory_space<semaphore_mem>>) {add = true}
      %ge3A = arith.constant 2 : i32
      %ge3A_456 = arith.cmpi sge, %while3A_413, %ge3A : i32
      %convert_element_type3A_457 = arith.extui %ge3A_456 : i1 to i32
      %cond3A_458 = arith.constant 0 : i32
      %cond3A_459 = arith.cmpi ne, %convert_element_type3A_457, %cond3A_458 : i32
      scf.if %cond3A_459 {
        %add3A_475 = arith.constant 5 : i32
        %add3A_476 = arith.addi %while3A_413, %add3A_475 : i32
        %sub3A_477 = arith.constant 2 : i32
        %sub3A_478 = arith.subi %add3A_476, %sub3A_477 : i32
        %rem3A_479 = arith.constant 5 : i32
        %rem3A_480 = arith.remsi %sub3A_478, %rem3A_479 : i32
        %dma_wait3A_481 = arith.constant 0 : i32
        %dma_wait3A_482 = arith.constant 0 : i32
        %dma_wait3A_483 = arith.constant 0 : i32
        %dma_wait3A_484 = tpu.memref_slice %arg9[%rem3A_480, %dma_wait3A_482, %dma_wait3A_483] : memref<5x64x128xf32, #tpu.memory_space<vmem>> -> memref<1x64x128xf32, #tpu.memory_space<vmem>>
        %dma_wait3A_485 = tpu.memref_squeeze %dma_wait3A_484 : memref<1x64x128xf32, #tpu.memory_space<vmem>> -> memref<64x128xf32, #tpu.memory_space<vmem>>
        %dma_wait3A_486 = arith.constant 0 : i32
        %dma_wait3A_487 = tpu.memref_slice %arg8[%dma_wait3A_481, %dma_wait3A_486] : memref<10x64xi32, #tpu.memory_space<vmem>> -> memref<1x64xi32, #tpu.memory_space<vmem>>
        %dma_wait3A_488 = tpu.memref_squeeze %dma_wait3A_487 : memref<1x64xi32, #tpu.memory_space<vmem>> -> memref<64xi32, #tpu.memory_space<vmem>>
        %dma_wait3A_489 = arith.constant 0 : i32
        %dma_wait3A_490 = arith.constant 0 : i32
        %dma_wait3A_491 = tpu.memref_slice %arg6[%dma_wait3A_489, %dma_wait3A_490] : memref<10008x128xf32, #tpu.memory_space<vmem_shared>> -> memref<10008x128xf32, #tpu.memory_space<vmem_shared>>
        %dma_wait3A_492 = tpu.memref_slice %arg13[%rem3A_480] : memref<5x!tpu.dma_semaphore, #tpu.memory_space<semaphore_mem>> -> memref<1x!tpu.dma_semaphore, #tpu.memory_space<semaphore_mem>>
        %dma_wait3A_493 = tpu.memref_squeeze %dma_wait3A_492 : memref<1x!tpu.dma_semaphore, #tpu.memory_space<semaphore_mem>> -> memref<!tpu.dma_semaphore, #tpu.memory_space<semaphore_mem>>
        tpu.wait_indirect_dma semaphore(%dma_wait3A_493 : memref<!tpu.dma_semaphore, #tpu.memory_space<semaphore_mem>>) src(%dma_wait3A_485 : memref<64x128xf32, #tpu.memory_space<vmem>>) dst(%dma_wait3A_491 : memref<10008x128xf32, #tpu.memory_space<vmem_shared>>)
      } else {
      }
      %add3A_460 = arith.constant 10 : i32
      %add3A_461 = arith.addi %while3A_413, %add3A_460 : i32
      %sub3A_462 = arith.constant 2 : i32
      %sub3A_463 = arith.subi %add3A_461, %sub3A_462 : i32
      %lt3A_464 = arith.cmpi slt, %sub3A_463, %select_n3A_11 : i32
      %convert_element_type3A_465 = arith.extui %lt3A_464 : i1 to i32
      %cond3A_466 = arith.constant 0 : i32
      %cond3A_467 = arith.cmpi ne, %convert_element_type3A_465, %cond3A_466 : i32
      scf.if %cond3A_467 {
        %add3A_475 = arith.constant 10 : i32
        %add3A_476 = arith.addi %while3A_413, %add3A_475 : i32
        %sub3A_477 = arith.constant 2 : i32
        %sub3A_478 = arith.subi %add3A_476, %sub3A_477 : i32
        %rem3A_479 = arith.constant 10 : i32
        %rem3A_480 = arith.remsi %sub3A_478, %rem3A_479 : i32
        %add3A_481 = arith.addi %select_n3A_24, %sub3A_478 : i32
        %mul3A_482 = arith.constant 64 : i32
        %mul3A_483 = arith.muli %add3A_481, %mul3A_482 : i32
        %dma_start3A_484 = arith.constant 0 : i32
        %dma_start3A_485 = tpu.memref_slice %arg7[%rem3A_480, %dma_start3A_484] : memref<10x64xi32, #tpu.memory_space<vmem>> -> memref<1x64xi32, #tpu.memory_space<vmem>>
        %dma_start3A_486 = tpu.memref_squeeze %dma_start3A_485 : memref<1x64xi32, #tpu.memory_space<vmem>> -> memref<64xi32, #tpu.memory_space<vmem>>
        %dma_start3A_487 = tpu.memref_slice %arg2[%mul3A_483] : memref<320000xi32, #tpu.memory_space<hbm>> -> memref<64xi32, #tpu.memory_space<hbm>>
        %dma_start3A_488 = tpu.memref_slice %arg10[%rem3A_480] : memref<10x!tpu.dma_semaphore, #tpu.memory_space<semaphore_mem>> -> memref<1x!tpu.dma_semaphore, #tpu.memory_space<semaphore_mem>>
        %dma_start3A_489 = tpu.memref_squeeze %dma_start3A_488 : memref<1x!tpu.dma_semaphore, #tpu.memory_space<semaphore_mem>> -> memref<!tpu.dma_semaphore, #tpu.memory_space<semaphore_mem>>
        %dma_start3A_490 = arith.constant 0 : i32
        %dma_start3A_491 = tpu.memref_slice %arg7[%rem3A_480, %dma_start3A_490] : memref<10x64xi32, #tpu.memory_space<vmem>> -> memref<1x64xi32, #tpu.memory_space<vmem>>
        %dma_start3A_492 = tpu.memref_squeeze %dma_start3A_491 : memref<1x64xi32, #tpu.memory_space<vmem>> -> memref<64xi32, #tpu.memory_space<vmem>>
        %dma_start3A_493 = tpu.memref_slice %arg2[%mul3A_483] : memref<320000xi32, #tpu.memory_space<hbm>> -> memref<64xi32, #tpu.memory_space<hbm>>
        tpu.enqueue_dma source(%dma_start3A_493 : memref<64xi32, #tpu.memory_space<hbm>>) target(%dma_start3A_492 : memref<64xi32, #tpu.memory_space<vmem>>) target_semaphore(%dma_start3A_489 : memref<!tpu.dma_semaphore, #tpu.memory_space<semaphore_mem>>)
        %add3A_494 = arith.addi %select_n3A_24, %sub3A_478 : i32
        %mul3A_495 = arith.constant 64 : i32
        %mul3A_496 = arith.muli %add3A_494, %mul3A_495 : i32
        %dma_start3A_497 = arith.constant 0 : i32
        %dma_start3A_498 = tpu.memref_slice %arg8[%rem3A_480, %dma_start3A_497] : memref<10x64xi32, #tpu.memory_space<vmem>> -> memref<1x64xi32, #tpu.memory_space<vmem>>
        %dma_start3A_499 = tpu.memref_squeeze %dma_start3A_498 : memref<1x64xi32, #tpu.memory_space<vmem>> -> memref<64xi32, #tpu.memory_space<vmem>>
        %dma_start3A_500 = tpu.memref_slice %arg3[%mul3A_496] : memref<320000xi32, #tpu.memory_space<hbm>> -> memref<64xi32, #tpu.memory_space<hbm>>
        %dma_start3A_501 = tpu.memref_slice %arg11[%rem3A_480] : memref<10x!tpu.dma_semaphore, #tpu.memory_space<semaphore_mem>> -> memref<1x!tpu.dma_semaphore, #tpu.memory_space<semaphore_mem>>
        %dma_start3A_502 = tpu.memref_squeeze %dma_start3A_501 : memref<1x!tpu.dma_semaphore, #tpu.memory_space<semaphore_mem>> -> memref<!tpu.dma_semaphore, #tpu.memory_space<semaphore_mem>>
        %dma_start3A_503 = arith.constant 0 : i32
        %dma_start3A_504 = tpu.memref_slice %arg8[%rem3A_480, %dma_start3A_503] : memref<10x64xi32, #tpu.memory_space<vmem>> -> memref<1x64xi32, #tpu.memory_space<vmem>>
        %dma_start3A_505 = tpu.memref_squeeze %dma_start3A_504 : memref<1x64xi32, #tpu.memory_space<vmem>> -> memref<64xi32, #tpu.memory_space<vmem>>
        %dma_start3A_506 = tpu.memref_slice %arg3[%mul3A_496] : memref<320000xi32, #tpu.memory_space<hbm>> -> memref<64xi32, #tpu.memory_space<hbm>>
        tpu.enqueue_dma source(%dma_start3A_506 : memref<64xi32, #tpu.memory_space<hbm>>) target(%dma_start3A_505 : memref<64xi32, #tpu.memory_space<vmem>>) target_semaphore(%dma_start3A_502 : memref<!tpu.dma_semaphore, #tpu.memory_space<semaphore_mem>>)
      } else {
      }
      %add3A_468 = arith.constant 2 : i32
      %add3A_469 = arith.addi %while3A_413, %add3A_468 : i32
      %lt3A_470 = arith.cmpi slt, %add3A_469, %select_n3A_11 : i32
      %convert_element_type3A_471 = arith.extui %lt3A_470 : i1 to i32
      %cond3A_472 = arith.constant 0 : i32
      %cond3A_473 = arith.cmpi ne, %convert_element_type3A_471, %cond3A_472 : i32
      scf.if %cond3A_473 {
        %add3A_475 = arith.constant 2 : i32
        %add3A_476 = arith.addi %while3A_413, %add3A_475 : i32
        %rem3A_477 = arith.constant 10 : i32
        %rem3A_478 = arith.remsi %add3A_476, %rem3A_477 : i32
        %dma_wait3A_479 = arith.constant 0 : i32
        %dma_wait3A_480 = tpu.memref_slice %arg7[%rem3A_478, %dma_wait3A_479] : memref<10x64xi32, #tpu.memory_space<vmem>> -> memref<1x64xi32, #tpu.memory_space<vmem>>
        %dma_wait3A_481 = tpu.memref_squeeze %dma_wait3A_480 : memref<1x64xi32, #tpu.memory_space<vmem>> -> memref<64xi32, #tpu.memory_space<vmem>>
        %dma_wait3A_482 = arith.constant 0 : i32
        %dma_wait3A_483 = tpu.memref_slice %arg2[%dma_wait3A_482] : memref<320000xi32, #tpu.memory_space<hbm>> -> memref<64xi32, #tpu.memory_space<hbm>>
        %dma_wait3A_484 = tpu.memref_slice %arg10[%rem3A_478] : memref<10x!tpu.dma_semaphore, #tpu.memory_space<semaphore_mem>> -> memref<1x!tpu.dma_semaphore, #tpu.memory_space<semaphore_mem>>
        %dma_wait3A_485 = tpu.memref_squeeze %dma_wait3A_484 : memref<1x!tpu.dma_semaphore, #tpu.memory_space<semaphore_mem>> -> memref<!tpu.dma_semaphore, #tpu.memory_space<semaphore_mem>>
        %dma_wait3A_486 = arith.constant 0 : i32
        %dma_wait3A_487 = tpu.memref_slice %arg7[%rem3A_478, %dma_wait3A_486] : memref<10x64xi32, #tpu.memory_space<vmem>> -> memref<1x64xi32, #tpu.memory_space<vmem>>
        %dma_wait3A_488 = tpu.memref_squeeze %dma_wait3A_487 : memref<1x64xi32, #tpu.memory_space<vmem>> -> memref<64xi32, #tpu.memory_space<vmem>>
        %dma_wait3A_489 = arith.constant 0 : i32
        %dma_wait3A_490 = tpu.memref_slice %arg2[%dma_wait3A_489] : memref<320000xi32, #tpu.memory_space<hbm>> -> memref<64xi32, #tpu.memory_space<hbm>>
        tpu.wait_dma2 semaphore(%dma_wait3A_485 : memref<!tpu.dma_semaphore, #tpu.memory_space<semaphore_mem>>) src(%dma_wait3A_490 : memref<64xi32, #tpu.memory_space<hbm>>) dst(%dma_wait3A_488 : memref<64xi32, #tpu.memory_space<vmem>>)
        %rem3A_491 = arith.constant 5 : i32
        %rem3A_492 = arith.remsi %add3A_476, %rem3A_491 : i32
        %dma_start3A_493 = arith.constant 0 : i32
        %dma_start3A_494 = arith.constant 0 : i32
        %dma_start3A_495 = tpu.memref_slice %arg9[%rem3A_492, %dma_start3A_493, %dma_start3A_494] : memref<5x64x128xf32, #tpu.memory_space<vmem>> -> memref<1x64x128xf32, #tpu.memory_space<vmem>>
        %dma_start3A_496 = tpu.memref_squeeze %dma_start3A_495 : memref<1x64x128xf32, #tpu.memory_space<vmem>> -> memref<64x128xf32, #tpu.memory_space<vmem>>
        %dma_start3A_497 = arith.constant 0 : i32
        %dma_start3A_498 = tpu.memref_slice %arg7[%rem3A_478, %dma_start3A_497] : memref<10x64xi32, #tpu.memory_space<vmem>> -> memref<1x64xi32, #tpu.memory_space<vmem>>
        %dma_start3A_499 = tpu.memref_squeeze %dma_start3A_498 : memref<1x64xi32, #tpu.memory_space<vmem>> -> memref<64xi32, #tpu.memory_space<vmem>>
        %dma_start3A_500 = arith.constant 0 : i32
        %dma_start3A_501 = arith.constant 0 : i32
        %dma_start3A_502 = tpu.memref_slice %arg4[%dma_start3A_500, %dma_start3A_501] : memref<10240x128xf32, #tpu.memory_space<hbm>> -> memref<10240x128xf32, #tpu.memory_space<hbm>>
        %dma_start3A_503 = tpu.memref_slice %arg12[%rem3A_492] : memref<5x!tpu.dma_semaphore, #tpu.memory_space<semaphore_mem>> -> memref<1x!tpu.dma_semaphore, #tpu.memory_space<semaphore_mem>>
        %dma_start3A_504 = tpu.memref_squeeze %dma_start3A_503 : memref<1x!tpu.dma_semaphore, #tpu.memory_space<semaphore_mem>> -> memref<!tpu.dma_semaphore, #tpu.memory_space<semaphore_mem>>
        tpu.enqueue_indirect_dma source(%dma_start3A_502 : memref<10240x128xf32, #tpu.memory_space<hbm>>) target(%dma_start3A_496 : memref<64x128xf32, #tpu.memory_space<vmem>>) offsets(%dma_start3A_499 : memref<64xi32, #tpu.memory_space<vmem>>) semaphore(%dma_start3A_504 : memref<!tpu.dma_semaphore, #tpu.memory_space<semaphore_mem>>)
      } else {
      }
      %while3A_474 = arith.constant 0 : i32
      scf.yield %while3A_474 : i32
    }
    %while3A_364 = arith.constant 1 : i32
    %while3A_365 = scf.for %while3A_413 = %while3A_361 to %while3A_357 step %while3A_364 iter_args(%while3A_414 = %while3A_363) -> (i32)  : i32 {
      %rem3A_415 = arith.constant 5 : i32
      %rem3A_416 = arith.remsi %while3A_413, %rem3A_415 : i32
      %rem3A_417 = arith.constant 10 : i32
      %rem3A_418 = arith.remsi %while3A_413, %rem3A_417 : i32
      %dma_wait3A_419 = arith.constant 0 : i32
      %dma_wait3A_420 = arith.constant 0 : i32
      %dma_wait3A_421 = arith.constant 0 : i32
      %dma_wait3A_422 = tpu.memref_slice %arg9[%rem3A_416, %dma_wait3A_420, %dma_wait3A_421] : memref<5x64x128xf32, #tpu.memory_space<vmem>> -> memref<1x64x128xf32, #tpu.memory_space<vmem>>
      %dma_wait3A_423 = tpu.memref_squeeze %dma_wait3A_422 : memref<1x64x128xf32, #tpu.memory_space<vmem>> -> memref<64x128xf32, #tpu.memory_space<vmem>>
      %dma_wait3A_424 = arith.constant 0 : i32
      %dma_wait3A_425 = tpu.memref_slice %arg7[%dma_wait3A_419, %dma_wait3A_424] : memref<10x64xi32, #tpu.memory_space<vmem>> -> memref<1x64xi32, #tpu.memory_space<vmem>>
      %dma_wait3A_426 = tpu.memref_squeeze %dma_wait3A_425 : memref<1x64xi32, #tpu.memory_space<vmem>> -> memref<64xi32, #tpu.memory_space<vmem>>
      %dma_wait3A_427 = arith.constant 0 : i32
      %dma_wait3A_428 = arith.constant 0 : i32
      %dma_wait3A_429 = tpu.memref_slice %arg4[%dma_wait3A_427, %dma_wait3A_428] : memref<10240x128xf32, #tpu.memory_space<hbm>> -> memref<10240x128xf32, #tpu.memory_space<hbm>>
      %dma_wait3A_430 = tpu.memref_slice %arg12[%rem3A_416] : memref<5x!tpu.dma_semaphore, #tpu.memory_space<semaphore_mem>> -> memref<1x!tpu.dma_semaphore, #tpu.memory_space<semaphore_mem>>
      %dma_wait3A_431 = tpu.memref_squeeze %dma_wait3A_430 : memref<1x!tpu.dma_semaphore, #tpu.memory_space<semaphore_mem>> -> memref<!tpu.dma_semaphore, #tpu.memory_space<semaphore_mem>>
      tpu.wait_indirect_dma semaphore(%dma_wait3A_431 : memref<!tpu.dma_semaphore, #tpu.memory_space<semaphore_mem>>) src(%dma_wait3A_429 : memref<10240x128xf32, #tpu.memory_space<hbm>>) dst(%dma_wait3A_423 : memref<64x128xf32, #tpu.memory_space<vmem>>)
      %dma_wait3A_432 = arith.constant 0 : i32
      %dma_wait3A_433 = tpu.memref_slice %arg8[%rem3A_418, %dma_wait3A_432] : memref<10x64xi32, #tpu.memory_space<vmem>> -> memref<1x64xi32, #tpu.memory_space<vmem>>
      %dma_wait3A_434 = tpu.memref_squeeze %dma_wait3A_433 : memref<1x64xi32, #tpu.memory_space<vmem>> -> memref<64xi32, #tpu.memory_space<vmem>>
      %dma_wait3A_435 = arith.constant 0 : i32
      %dma_wait3A_436 = tpu.memref_slice %arg3[%dma_wait3A_435] : memref<320000xi32, #tpu.memory_space<hbm>> -> memref<64xi32, #tpu.memory_space<hbm>>
      %dma_wait3A_437 = tpu.memref_slice %arg11[%rem3A_418] : memref<10x!tpu.dma_semaphore, #tpu.memory_space<semaphore_mem>> -> memref<1x!tpu.dma_semaphore, #tpu.memory_space<semaphore_mem>>
      %dma_wait3A_438 = tpu.memref_squeeze %dma_wait3A_437 : memref<1x!tpu.dma_semaphore, #tpu.memory_space<semaphore_mem>> -> memref<!tpu.dma_semaphore, #tpu.memory_space<semaphore_mem>>
      %dma_wait3A_439 = arith.constant 0 : i32
      %dma_wait3A_440 = tpu.memref_slice %arg8[%rem3A_418, %dma_wait3A_439] : memref<10x64xi32, #tpu.memory_space<vmem>> -> memref<1x64xi32, #tpu.memory_space<vmem>>
      %dma_wait3A_441 = tpu.memref_squeeze %dma_wait3A_440 : memref<1x64xi32, #tpu.memory_space<vmem>> -> memref<64xi32, #tpu.memory_space<vmem>>
      %dma_wait3A_442 = arith.constant 0 : i32
      %dma_wait3A_443 = tpu.memref_slice %arg3[%dma_wait3A_442] : memref<320000xi32, #tpu.memory_space<hbm>> -> memref<64xi32, #tpu.memory_space<hbm>>
      tpu.wait_dma2 semaphore(%dma_wait3A_438 : memref<!tpu.dma_semaphore, #tpu.memory_space<semaphore_mem>>) src(%dma_wait3A_443 : memref<64xi32, #tpu.memory_space<hbm>>) dst(%dma_wait3A_441 : memref<64xi32, #tpu.memory_space<vmem>>)
      %dma_start3A_444 = arith.constant 0 : i32
      %dma_start3A_445 = arith.constant 0 : i32
      %dma_start3A_446 = tpu.memref_slice %arg9[%rem3A_416, %dma_start3A_444, %dma_start3A_445] : memref<5x64x128xf32, #tpu.memory_space<vmem>> -> memref<1x64x128xf32, #tpu.memory_space<vmem>>
      %dma_start3A_447 = tpu.memref_squeeze %dma_start3A_446 : memref<1x64x128xf32, #tpu.memory_space<vmem>> -> memref<64x128xf32, #tpu.memory_space<vmem>>
      %dma_start3A_448 = arith.constant 0 : i32
      %dma_start3A_449 = tpu.memref_slice %arg8[%rem3A_418, %dma_start3A_448] : memref<10x64xi32, #tpu.memory_space<vmem>> -> memref<1x64xi32, #tpu.memory_space<vmem>>
      %dma_start3A_450 = tpu.memref_squeeze %dma_start3A_449 : memref<1x64xi32, #tpu.memory_space<vmem>> -> memref<64xi32, #tpu.memory_space<vmem>>
      %dma_start3A_451 = arith.constant 0 : i32
      %dma_start3A_452 = arith.constant 0 : i32
      %dma_start3A_453 = tpu.memref_slice %arg6[%dma_start3A_451, %dma_start3A_452] : memref<10008x128xf32, #tpu.memory_space<vmem_shared>> -> memref<10008x128xf32, #tpu.memory_space<vmem_shared>>
      %dma_start3A_454 = tpu.memref_slice %arg13[%rem3A_416] : memref<5x!tpu.dma_semaphore, #tpu.memory_space<semaphore_mem>> -> memref<1x!tpu.dma_semaphore, #tpu.memory_space<semaphore_mem>>
      %dma_start3A_455 = tpu.memref_squeeze %dma_start3A_454 : memref<1x!tpu.dma_semaphore, #tpu.memory_space<semaphore_mem>> -> memref<!tpu.dma_semaphore, #tpu.memory_space<semaphore_mem>>
      tpu.enqueue_indirect_dma source(%dma_start3A_447 : memref<64x128xf32, #tpu.memory_space<vmem>>) target(%dma_start3A_453 : memref<10008x128xf32, #tpu.memory_space<vmem_shared>>) offsets(%dma_start3A_450 : memref<64xi32, #tpu.memory_space<vmem>>) semaphore(%dma_start3A_455 : memref<!tpu.dma_semaphore, #tpu.memory_space<semaphore_mem>>) {add = true}
      %ge3A = arith.constant 2 : i32
      %ge3A_456 = arith.cmpi sge, %while3A_413, %ge3A : i32
      %convert_element_type3A_457 = arith.extui %ge3A_456 : i1 to i32
      %cond3A_458 = arith.constant 0 : i32
      %cond3A_459 = arith.cmpi ne, %convert_element_type3A_457, %cond3A_458 : i32
      scf.if %cond3A_459 {
        %add3A_475 = arith.constant 5 : i32
        %add3A_476 = arith.addi %while3A_413, %add3A_475 : i32
        %sub3A_477 = arith.constant 2 : i32
        %sub3A_478 = arith.subi %add3A_476, %sub3A_477 : i32
        %rem3A_479 = arith.constant 5 : i32
        %rem3A_480 = arith.remsi %sub3A_478, %rem3A_479 : i32
        %dma_wait3A_481 = arith.constant 0 : i32
        %dma_wait3A_482 = arith.constant 0 : i32
        %dma_wait3A_483 = arith.constant 0 : i32
        %dma_wait3A_484 = tpu.memref_slice %arg9[%rem3A_480, %dma_wait3A_482, %dma_wait3A_483] : memref<5x64x128xf32, #tpu.memory_space<vmem>> -> memref<1x64x128xf32, #tpu.memory_space<vmem>>
        %dma_wait3A_485 = tpu.memref_squeeze %dma_wait3A_484 : memref<1x64x128xf32, #tpu.memory_space<vmem>> -> memref<64x128xf32, #tpu.memory_space<vmem>>
        %dma_wait3A_486 = arith.constant 0 : i32
        %dma_wait3A_487 = tpu.memref_slice %arg8[%dma_wait3A_481, %dma_wait3A_486] : memref<10x64xi32, #tpu.memory_space<vmem>> -> memref<1x64xi32, #tpu.memory_space<vmem>>
        %dma_wait3A_488 = tpu.memref_squeeze %dma_wait3A_487 : memref<1x64xi32, #tpu.memory_space<vmem>> -> memref<64xi32, #tpu.memory_space<vmem>>
        %dma_wait3A_489 = arith.constant 0 : i32
        %dma_wait3A_490 = arith.constant 0 : i32
        %dma_wait3A_491 = tpu.memref_slice %arg6[%dma_wait3A_489, %dma_wait3A_490] : memref<10008x128xf32, #tpu.memory_space<vmem_shared>> -> memref<10008x128xf32, #tpu.memory_space<vmem_shared>>
        %dma_wait3A_492 = tpu.memref_slice %arg13[%rem3A_480] : memref<5x!tpu.dma_semaphore, #tpu.memory_space<semaphore_mem>> -> memref<1x!tpu.dma_semaphore, #tpu.memory_space<semaphore_mem>>
        %dma_wait3A_493 = tpu.memref_squeeze %dma_wait3A_492 : memref<1x!tpu.dma_semaphore, #tpu.memory_space<semaphore_mem>> -> memref<!tpu.dma_semaphore, #tpu.memory_space<semaphore_mem>>
        tpu.wait_indirect_dma semaphore(%dma_wait3A_493 : memref<!tpu.dma_semaphore, #tpu.memory_space<semaphore_mem>>) src(%dma_wait3A_485 : memref<64x128xf32, #tpu.memory_space<vmem>>) dst(%dma_wait3A_491 : memref<10008x128xf32, #tpu.memory_space<vmem_shared>>)
      } else {
      }
      %add3A_460 = arith.constant 10 : i32
      %add3A_461 = arith.addi %while3A_413, %add3A_460 : i32
      %sub3A_462 = arith.constant 2 : i32
      %sub3A_463 = arith.subi %add3A_461, %sub3A_462 : i32
      %lt3A_464 = arith.cmpi slt, %sub3A_463, %select_n3A_11 : i32
      %convert_element_type3A_465 = arith.extui %lt3A_464 : i1 to i32
      %cond3A_466 = arith.constant 0 : i32
      %cond3A_467 = arith.cmpi ne, %convert_element_type3A_465, %cond3A_466 : i32
      scf.if %cond3A_467 {
        %add3A_475 = arith.constant 10 : i32
        %add3A_476 = arith.addi %while3A_413, %add3A_475 : i32
        %sub3A_477 = arith.constant 2 : i32
        %sub3A_478 = arith.subi %add3A_476, %sub3A_477 : i32
        %rem3A_479 = arith.constant 10 : i32
        %rem3A_480 = arith.remsi %sub3A_478, %rem3A_479 : i32
        %add3A_481 = arith.addi %select_n3A_24, %sub3A_478 : i32
        %mul3A_482 = arith.constant 64 : i32
        %mul3A_483 = arith.muli %add3A_481, %mul3A_482 : i32
        %dma_start3A_484 = arith.constant 0 : i32
        %dma_start3A_485 = tpu.memref_slice %arg7[%rem3A_480, %dma_start3A_484] : memref<10x64xi32, #tpu.memory_space<vmem>> -> memref<1x64xi32, #tpu.memory_space<vmem>>
        %dma_start3A_486 = tpu.memref_squeeze %dma_start3A_485 : memref<1x64xi32, #tpu.memory_space<vmem>> -> memref<64xi32, #tpu.memory_space<vmem>>
        %dma_start3A_487 = tpu.memref_slice %arg2[%mul3A_483] : memref<320000xi32, #tpu.memory_space<hbm>> -> memref<64xi32, #tpu.memory_space<hbm>>
        %dma_start3A_488 = tpu.memref_slice %arg10[%rem3A_480] : memref<10x!tpu.dma_semaphore, #tpu.memory_space<semaphore_mem>> -> memref<1x!tpu.dma_semaphore, #tpu.memory_space<semaphore_mem>>
        %dma_start3A_489 = tpu.memref_squeeze %dma_start3A_488 : memref<1x!tpu.dma_semaphore, #tpu.memory_space<semaphore_mem>> -> memref<!tpu.dma_semaphore, #tpu.memory_space<semaphore_mem>>
        %dma_start3A_490 = arith.constant 0 : i32
        %dma_start3A_491 = tpu.memref_slice %arg7[%rem3A_480, %dma_start3A_490] : memref<10x64xi32, #tpu.memory_space<vmem>> -> memref<1x64xi32, #tpu.memory_space<vmem>>
        %dma_start3A_492 = tpu.memref_squeeze %dma_start3A_491 : memref<1x64xi32, #tpu.memory_space<vmem>> -> memref<64xi32, #tpu.memory_space<vmem>>
        %dma_start3A_493 = tpu.memref_slice %arg2[%mul3A_483] : memref<320000xi32, #tpu.memory_space<hbm>> -> memref<64xi32, #tpu.memory_space<hbm>>
        tpu.enqueue_dma source(%dma_start3A_493 : memref<64xi32, #tpu.memory_space<hbm>>) target(%dma_start3A_492 : memref<64xi32, #tpu.memory_space<vmem>>) target_semaphore(%dma_start3A_489 : memref<!tpu.dma_semaphore, #tpu.memory_space<semaphore_mem>>)
        %add3A_494 = arith.addi %select_n3A_24, %sub3A_478 : i32
        %mul3A_495 = arith.constant 64 : i32
        %mul3A_496 = arith.muli %add3A_494, %mul3A_495 : i32
        %dma_start3A_497 = arith.constant 0 : i32
        %dma_start3A_498 = tpu.memref_slice %arg8[%rem3A_480, %dma_start3A_497] : memref<10x64xi32, #tpu.memory_space<vmem>> -> memref<1x64xi32, #tpu.memory_space<vmem>>
        %dma_start3A_499 = tpu.memref_squeeze %dma_start3A_498 : memref<1x64xi32, #tpu.memory_space<vmem>> -> memref<64xi32, #tpu.memory_space<vmem>>
        %dma_start3A_500 = tpu.memref_slice %arg3[%mul3A_496] : memref<320000xi32, #tpu.memory_space<hbm>> -> memref<64xi32, #tpu.memory_space<hbm>>
        %dma_start3A_501 = tpu.memref_slice %arg11[%rem3A_480] : memref<10x!tpu.dma_semaphore, #tpu.memory_space<semaphore_mem>> -> memref<1x!tpu.dma_semaphore, #tpu.memory_space<semaphore_mem>>
        %dma_start3A_502 = tpu.memref_squeeze %dma_start3A_501 : memref<1x!tpu.dma_semaphore, #tpu.memory_space<semaphore_mem>> -> memref<!tpu.dma_semaphore, #tpu.memory_space<semaphore_mem>>
        %dma_start3A_503 = arith.constant 0 : i32
        %dma_start3A_504 = tpu.memref_slice %arg8[%rem3A_480, %dma_start3A_503] : memref<10x64xi32, #tpu.memory_space<vmem>> -> memref<1x64xi32, #tpu.memory_space<vmem>>
        %dma_start3A_505 = tpu.memref_squeeze %dma_start3A_504 : memref<1x64xi32, #tpu.memory_space<vmem>> -> memref<64xi32, #tpu.memory_space<vmem>>
        %dma_start3A_506 = tpu.memref_slice %arg3[%mul3A_496] : memref<320000xi32, #tpu.memory_space<hbm>> -> memref<64xi32, #tpu.memory_space<hbm>>
        tpu.enqueue_dma source(%dma_start3A_506 : memref<64xi32, #tpu.memory_space<hbm>>) target(%dma_start3A_505 : memref<64xi32, #tpu.memory_space<vmem>>) target_semaphore(%dma_start3A_502 : memref<!tpu.dma_semaphore, #tpu.memory_space<semaphore_mem>>)
      } else {
      }
      %add3A_468 = arith.constant 2 : i32
      %add3A_469 = arith.addi %while3A_413, %add3A_468 : i32
      %lt3A_470 = arith.cmpi slt, %add3A_469, %select_n3A_11 : i32
      %convert_element_type3A_471 = arith.extui %lt3A_470 : i1 to i32
      %cond3A_472 = arith.constant 0 : i32
      %cond3A_473 = arith.cmpi ne, %convert_element_type3A_471, %cond3A_472 : i32
      scf.if %cond3A_473 {
        %add3A_475 = arith.constant 2 : i32
        %add3A_476 = arith.addi %while3A_413, %add3A_475 : i32
        %rem3A_477 = arith.constant 10 : i32
        %rem3A_478 = arith.remsi %add3A_476, %rem3A_477 : i32
        %dma_wait3A_479 = arith.constant 0 : i32
        %dma_wait3A_480 = tpu.memref_slice %arg7[%rem3A_478, %dma_wait3A_479] : memref<10x64xi32, #tpu.memory_space<vmem>> -> memref<1x64xi32, #tpu.memory_space<vmem>>
        %dma_wait3A_481 = tpu.memref_squeeze %dma_wait3A_480 : memref<1x64xi32, #tpu.memory_space<vmem>> -> memref<64xi32, #tpu.memory_space<vmem>>
        %dma_wait3A_482 = arith.constant 0 : i32
        %dma_wait3A_483 = tpu.memref_slice %arg2[%dma_wait3A_482] : memref<320000xi32, #tpu.memory_space<hbm>> -> memref<64xi32, #tpu.memory_space<hbm>>
        %dma_wait3A_484 = tpu.memref_slice %arg10[%rem3A_478] : memref<10x!tpu.dma_semaphore, #tpu.memory_space<semaphore_mem>> -> memref<1x!tpu.dma_semaphore, #tpu.memory_space<semaphore_mem>>
        %dma_wait3A_485 = tpu.memref_squeeze %dma_wait3A_484 : memref<1x!tpu.dma_semaphore, #tpu.memory_space<semaphore_mem>> -> memref<!tpu.dma_semaphore, #tpu.memory_space<semaphore_mem>>
        %dma_wait3A_486 = arith.constant 0 : i32
        %dma_wait3A_487 = tpu.memref_slice %arg7[%rem3A_478, %dma_wait3A_486] : memref<10x64xi32, #tpu.memory_space<vmem>> -> memref<1x64xi32, #tpu.memory_space<vmem>>
        %dma_wait3A_488 = tpu.memref_squeeze %dma_wait3A_487 : memref<1x64xi32, #tpu.memory_space<vmem>> -> memref<64xi32, #tpu.memory_space<vmem>>
        %dma_wait3A_489 = arith.constant 0 : i32
        %dma_wait3A_490 = tpu.memref_slice %arg2[%dma_wait3A_489] : memref<320000xi32, #tpu.memory_space<hbm>> -> memref<64xi32, #tpu.memory_space<hbm>>
        tpu.wait_dma2 semaphore(%dma_wait3A_485 : memref<!tpu.dma_semaphore, #tpu.memory_space<semaphore_mem>>) src(%dma_wait3A_490 : memref<64xi32, #tpu.memory_space<hbm>>) dst(%dma_wait3A_488 : memref<64xi32, #tpu.memory_space<vmem>>)
        %rem3A_491 = arith.constant 5 : i32
        %rem3A_492 = arith.remsi %add3A_476, %rem3A_491 : i32
        %dma_start3A_493 = arith.constant 0 : i32
        %dma_start3A_494 = arith.constant 0 : i32
        %dma_start3A_495 = tpu.memref_slice %arg9[%rem3A_492, %dma_start3A_493, %dma_start3A_494] : memref<5x64x128xf32, #tpu.memory_space<vmem>> -> memref<1x64x128xf32, #tpu.memory_space<vmem>>
        %dma_start3A_496 = tpu.memref_squeeze %dma_start3A_495 : memref<1x64x128xf32, #tpu.memory_space<vmem>> -> memref<64x128xf32, #tpu.memory_space<vmem>>
        %dma_start3A_497 = arith.constant 0 : i32
        %dma_start3A_498 = tpu.memref_slice %arg7[%rem3A_478, %dma_start3A_497] : memref<10x64xi32, #tpu.memory_space<vmem>> -> memref<1x64xi32, #tpu.memory_space<vmem>>
        %dma_start3A_499 = tpu.memref_squeeze %dma_start3A_498 : memref<1x64xi32, #tpu.memory_space<vmem>> -> memref<64xi32, #tpu.memory_space<vmem>>
        %dma_start3A_500 = arith.constant 0 : i32
        %dma_start3A_501 = arith.constant 0 : i32
        %dma_start3A_502 = tpu.memref_slice %arg4[%dma_start3A_500, %dma_start3A_501] : memref<10240x128xf32, #tpu.memory_space<hbm>> -> memref<10240x128xf32, #tpu.memory_space<hbm>>
        %dma_start3A_503 = tpu.memref_slice %arg12[%rem3A_492] : memref<5x!tpu.dma_semaphore, #tpu.memory_space<semaphore_mem>> -> memref<1x!tpu.dma_semaphore, #tpu.memory_space<semaphore_mem>>
        %dma_start3A_504 = tpu.memref_squeeze %dma_start3A_503 : memref<1x!tpu.dma_semaphore, #tpu.memory_space<semaphore_mem>> -> memref<!tpu.dma_semaphore, #tpu.memory_space<semaphore_mem>>
        tpu.enqueue_indirect_dma source(%dma_start3A_502 : memref<10240x128xf32, #tpu.memory_space<hbm>>) target(%dma_start3A_496 : memref<64x128xf32, #tpu.memory_space<vmem>>) offsets(%dma_start3A_499 : memref<64xi32, #tpu.memory_space<vmem>>) semaphore(%dma_start3A_504 : memref<!tpu.dma_semaphore, #tpu.memory_space<semaphore_mem>>)
      } else {
      }
      %while3A_474 = arith.constant 0 : i32
      scf.yield %while3A_474 : i32
    }
    %sub3A = arith.constant 2 : i32
    %sub3A_366 = arith.subi %select_n3A_11, %sub3A : i32
    %add3A_367 = arith.constant 0 : i32
    %add3A_368 = arith.addi %sub3A_366, %add3A_367 : i32
    %rem3A = arith.constant 5 : i32
    %rem3A_369 = arith.remsi %add3A_368, %rem3A : i32
    %dma_wait3A_370 = arith.constant 0 : i32
    %dma_wait3A_371 = arith.constant 0 : i32
    %dma_wait3A_372 = arith.constant 0 : i32
    %dma_wait3A_373 = tpu.memref_slice %arg9[%rem3A_369, %dma_wait3A_371, %dma_wait3A_372] : memref<5x64x128xf32, #tpu.memory_space<vmem>> -> memref<1x64x128xf32, #tpu.memory_space<vmem>>
    %dma_wait3A_374 = tpu.memref_squeeze %dma_wait3A_373 : memref<1x64x128xf32, #tpu.memory_space<vmem>> -> memref<64x128xf32, #tpu.memory_space<vmem>>
    %dma_wait3A_375 = arith.constant 0 : i32
    %dma_wait3A_376 = tpu.memref_slice %arg8[%dma_wait3A_370, %dma_wait3A_375] : memref<10x64xi32, #tpu.memory_space<vmem>> -> memref<1x64xi32, #tpu.memory_space<vmem>>
    %dma_wait3A_377 = tpu.memref_squeeze %dma_wait3A_376 : memref<1x64xi32, #tpu.memory_space<vmem>> -> memref<64xi32, #tpu.memory_space<vmem>>
    %dma_wait3A_378 = arith.constant 0 : i32
    %dma_wait3A_379 = arith.constant 0 : i32
    %dma_wait3A_380 = tpu.memref_slice %arg6[%dma_wait3A_378, %dma_wait3A_379] : memref<10008x128xf32, #tpu.memory_space<vmem_shared>> -> memref<10008x128xf32, #tpu.memory_space<vmem_shared>>
    %dma_wait3A_381 = tpu.memref_slice %arg13[%rem3A_369] : memref<5x!tpu.dma_semaphore, #tpu.memory_space<semaphore_mem>> -> memref<1x!tpu.dma_semaphore, #tpu.memory_space<semaphore_mem>>
    %dma_wait3A_382 = tpu.memref_squeeze %dma_wait3A_381 : memref<1x!tpu.dma_semaphore, #tpu.memory_space<semaphore_mem>> -> memref<!tpu.dma_semaphore, #tpu.memory_space<semaphore_mem>>
    tpu.wait_indirect_dma semaphore(%dma_wait3A_382 : memref<!tpu.dma_semaphore, #tpu.memory_space<semaphore_mem>>) src(%dma_wait3A_374 : memref<64x128xf32, #tpu.memory_space<vmem>>) dst(%dma_wait3A_380 : memref<10008x128xf32, #tpu.memory_space<vmem_shared>>)
    %sub3A_383 = arith.constant 2 : i32
    %sub3A_384 = arith.subi %select_n3A_11, %sub3A_383 : i32
    %add3A_385 = arith.constant 1 : i32
    %add3A_386 = arith.addi %sub3A_384, %add3A_385 : i32
    %rem3A_387 = arith.constant 5 : i32
    %rem3A_388 = arith.remsi %add3A_386, %rem3A_387 : i32
    %dma_wait3A_389 = arith.constant 0 : i32
    %dma_wait3A_390 = arith.constant 0 : i32
    %dma_wait3A_391 = arith.constant 0 : i32
    %dma_wait3A_392 = tpu.memref_slice %arg9[%rem3A_388, %dma_wait3A_390, %dma_wait3A_391] : memref<5x64x128xf32, #tpu.memory_space<vmem>> -> memref<1x64x128xf32, #tpu.memory_space<vmem>>
    %dma_wait3A_393 = tpu.memref_squeeze %dma_wait3A_392 : memref<1x64x128xf32, #tpu.memory_space<vmem>> -> memref<64x128xf32, #tpu.memory_space<vmem>>
    %dma_wait3A_394 = arith.constant 0 : i32
    %dma_wait3A_395 = tpu.memref_slice %arg8[%dma_wait3A_389, %dma_wait3A_394] : memref<10x64xi32, #tpu.memory_space<vmem>> -> memref<1x64xi32, #tpu.memory_space<vmem>>
    %dma_wait3A_396 = tpu.memref_squeeze %dma_wait3A_395 : memref<1x64xi32, #tpu.memory_space<vmem>> -> memref<64xi32, #tpu.memory_space<vmem>>
    %dma_wait3A_397 = arith.constant 0 : i32
    %dma_wait3A_398 = arith.constant 0 : i32
    %dma_wait3A_399 = tpu.memref_slice %arg6[%dma_wait3A_397, %dma_wait3A_398] : memref<10008x128xf32, #tpu.memory_space<vmem_shared>> -> memref<10008x128xf32, #tpu.memory_space<vmem_shared>>
    %dma_wait3A_400 = tpu.memref_slice %arg13[%rem3A_388] : memref<5x!tpu.dma_semaphore, #tpu.memory_space<semaphore_mem>> -> memref<1x!tpu.dma_semaphore, #tpu.memory_space<semaphore_mem>>
    %dma_wait3A_401 = tpu.memref_squeeze %dma_wait3A_400 : memref<1x!tpu.dma_semaphore, #tpu.memory_space<semaphore_mem>> -> memref<!tpu.dma_semaphore, #tpu.memory_space<semaphore_mem>>
    tpu.wait_indirect_dma semaphore(%dma_wait3A_401 : memref<!tpu.dma_semaphore, #tpu.memory_space<semaphore_mem>>) src(%dma_wait3A_393 : memref<64x128xf32, #tpu.memory_space<vmem>>) dst(%dma_wait3A_399 : memref<10008x128xf32, #tpu.memory_space<vmem_shared>>)
    %barrier3A_402 = arith.constant 0 : index
    tpu.barrier barrier_id(%barrier3A_402)
    %lt3A_403 = arith.constant 15 : i32
    %lt3A_404 = arith.cmpi slt, %arg1, %lt3A_403 : i32
    %convert_element_type3A_405 = arith.extui %lt3A_404 : i1 to i32
    %cond3A_406 = arith.constant 0 : i32
    %cond3A_407 = arith.cmpi ne, %convert_element_type3A_405, %cond3A_406 : i32
    scf.if %cond3A_407 {
      %add3A_413 = arith.constant 0 : i32
      %add3A_414 = arith.addi %mul3A_34, %add3A_413 : i32
      %add3A_415 = arith.constant 0 : i32
      %add3A_416 = arith.addi %mul3A_34, %add3A_415 : i32
      "tpu.region"() ({
        %run_scoped3A = tpu.sem_alloc : memref<!tpu.dma_semaphore, #tpu.memory_space<semaphore_mem>>
        %dma_start3A_453 = arith.constant 0 : i32
        %dma_start3A_454 = arith.constant 0 : i32
        %dma_start3A_455 = tpu.memref_slice %arg5[%arg0, %dma_start3A_453, %dma_start3A_454] : memref<2x10008x128xf32, #tpu.memory_space<hbm>> -> memref<1x10008x128xf32, #tpu.memory_space<hbm>>
        %dma_start3A_456 = tpu.memref_squeeze %dma_start3A_455 : memref<1x10008x128xf32, #tpu.memory_space<hbm>> -> memref<10008x128xf32, #tpu.memory_space<hbm>>
        %dma_start3A_457 = arith.constant 0 : i32
        %dma_start3A_458 = tpu.memref_slice %dma_start3A_456[%add3A_416, %dma_start3A_457] : memref<10008x128xf32, #tpu.memory_space<hbm>> -> memref<64x128xf32, #tpu.memory_space<hbm>>
        %dma_start3A_459 = arith.constant 0 : i32
        %dma_start3A_460 = tpu.memref_slice %arg6[%add3A_414, %dma_start3A_459] : memref<10008x128xf32, #tpu.memory_space<vmem_shared>> -> memref<64x128xf32, #tpu.memory_space<vmem_shared>>
        tpu.enqueue_dma source(%dma_start3A_460 : memref<64x128xf32, #tpu.memory_space<vmem_shared>>) target(%dma_start3A_458 : memref<64x128xf32, #tpu.memory_space<hbm>>) target_semaphore(%run_scoped3A : memref<!tpu.dma_semaphore, #tpu.memory_space<semaphore_mem>>)
        %dma_wait3A_461 = arith.constant 0 : i32
        %dma_wait3A_462 = arith.constant 0 : i32
        %dma_wait3A_463 = tpu.memref_slice %arg5[%arg0, %dma_wait3A_461, %dma_wait3A_462] : memref<2x10008x128xf32, #tpu.memory_space<hbm>> -> memref<1x10008x128xf32, #tpu.memory_space<hbm>>
        %dma_wait3A_464 = tpu.memref_squeeze %dma_wait3A_463 : memref<1x10008x128xf32, #tpu.memory_space<hbm>> -> memref<10008x128xf32, #tpu.memory_space<hbm>>
        %dma_wait3A_465 = arith.constant 0 : i32
        %dma_wait3A_466 = tpu.memref_slice %dma_wait3A_464[%add3A_416, %dma_wait3A_465] : memref<10008x128xf32, #tpu.memory_space<hbm>> -> memref<64x128xf32, #tpu.memory_space<hbm>>
        %dma_wait3A_467 = arith.constant 0 : i32
        %dma_wait3A_468 = tpu.memref_slice %arg6[%add3A_414, %dma_wait3A_467] : memref<10008x128xf32, #tpu.memory_space<vmem_shared>> -> memref<64x128xf32, #tpu.memory_space<vmem_shared>>
        tpu.wait_dma2 semaphore(%run_scoped3A : memref<!tpu.dma_semaphore, #tpu.memory_space<semaphore_mem>>) src(%dma_wait3A_468 : memref<64x128xf32, #tpu.memory_space<vmem_shared>>) dst(%dma_wait3A_466 : memref<64x128xf32, #tpu.memory_space<hbm>>)
        tpu.yield
      }) : () -> ()
      %add3A_417 = arith.constant 64 : i32
      %add3A_418 = arith.addi %mul3A_34, %add3A_417 : i32
      %add3A_419 = arith.constant 64 : i32
      %add3A_420 = arith.addi %mul3A_34, %add3A_419 : i32
      "tpu.region"() ({
        %run_scoped3A = tpu.sem_alloc : memref<!tpu.dma_semaphore, #tpu.memory_space<semaphore_mem>>
        %dma_start3A_453 = arith.constant 0 : i32
        %dma_start3A_454 = arith.constant 0 : i32
        %dma_start3A_455 = tpu.memref_slice %arg5[%arg0, %dma_start3A_453, %dma_start3A_454] : memref<2x10008x128xf32, #tpu.memory_space<hbm>> -> memref<1x10008x128xf32, #tpu.memory_space<hbm>>
        %dma_start3A_456 = tpu.memref_squeeze %dma_start3A_455 : memref<1x10008x128xf32, #tpu.memory_space<hbm>> -> memref<10008x128xf32, #tpu.memory_space<hbm>>
        %dma_start3A_457 = arith.constant 0 : i32
        %dma_start3A_458 = tpu.memref_slice %dma_start3A_456[%add3A_420, %dma_start3A_457] : memref<10008x128xf32, #tpu.memory_space<hbm>> -> memref<64x128xf32, #tpu.memory_space<hbm>>
        %dma_start3A_459 = arith.constant 0 : i32
        %dma_start3A_460 = tpu.memref_slice %arg6[%add3A_418, %dma_start3A_459] : memref<10008x128xf32, #tpu.memory_space<vmem_shared>> -> memref<64x128xf32, #tpu.memory_space<vmem_shared>>
        tpu.enqueue_dma source(%dma_start3A_460 : memref<64x128xf32, #tpu.memory_space<vmem_shared>>) target(%dma_start3A_458 : memref<64x128xf32, #tpu.memory_space<hbm>>) target_semaphore(%run_scoped3A : memref<!tpu.dma_semaphore, #tpu.memory_space<semaphore_mem>>)
        %dma_wait3A_461 = arith.constant 0 : i32
        %dma_wait3A_462 = arith.constant 0 : i32
        %dma_wait3A_463 = tpu.memref_slice %arg5[%arg0, %dma_wait3A_461, %dma_wait3A_462] : memref<2x10008x128xf32, #tpu.memory_space<hbm>> -> memref<1x10008x128xf32, #tpu.memory_space<hbm>>
        %dma_wait3A_464 = tpu.memref_squeeze %dma_wait3A_463 : memref<1x10008x128xf32, #tpu.memory_space<hbm>> -> memref<10008x128xf32, #tpu.memory_space<hbm>>
        %dma_wait3A_465 = arith.constant 0 : i32
        %dma_wait3A_466 = tpu.memref_slice %dma_wait3A_464[%add3A_420, %dma_wait3A_465] : memref<10008x128xf32, #tpu.memory_space<hbm>> -> memref<64x128xf32, #tpu.memory_space<hbm>>
        %dma_wait3A_467 = arith.constant 0 : i32
        %dma_wait3A_468 = tpu.memref_slice %arg6[%add3A_418, %dma_wait3A_467] : memref<10008x128xf32, #tpu.memory_space<vmem_shared>> -> memref<64x128xf32, #tpu.memory_space<vmem_shared>>
        tpu.wait_dma2 semaphore(%run_scoped3A : memref<!tpu.dma_semaphore, #tpu.memory_space<semaphore_mem>>) src(%dma_wait3A_468 : memref<64x128xf32, #tpu.memory_space<vmem_shared>>) dst(%dma_wait3A_466 : memref<64x128xf32, #tpu.memory_space<hbm>>)
        tpu.yield
      }) : () -> ()
      %add3A_421 = arith.constant 128 : i32
      %add3A_422 = arith.addi %mul3A_34, %add3A_421 : i32
      %add3A_423 = arith.constant 128 : i32
      %add3A_424 = arith.addi %mul3A_34, %add3A_423 : i32
      "tpu.region"() ({
        %run_scoped3A = tpu.sem_alloc : memref<!tpu.dma_semaphore, #tpu.memory_space<semaphore_mem>>
        %dma_start3A_453 = arith.constant 0 : i32
        %dma_start3A_454 = arith.constant 0 : i32
        %dma_start3A_455 = tpu.memref_slice %arg5[%arg0, %dma_start3A_453, %dma_start3A_454] : memref<2x10008x128xf32, #tpu.memory_space<hbm>> -> memref<1x10008x128xf32, #tpu.memory_space<hbm>>
        %dma_start3A_456 = tpu.memref_squeeze %dma_start3A_455 : memref<1x10008x128xf32, #tpu.memory_space<hbm>> -> memref<10008x128xf32, #tpu.memory_space<hbm>>
        %dma_start3A_457 = arith.constant 0 : i32
        %dma_start3A_458 = tpu.memref_slice %dma_start3A_456[%add3A_424, %dma_start3A_457] : memref<10008x128xf32, #tpu.memory_space<hbm>> -> memref<64x128xf32, #tpu.memory_space<hbm>>
        %dma_start3A_459 = arith.constant 0 : i32
        %dma_start3A_460 = tpu.memref_slice %arg6[%add3A_422, %dma_start3A_459] : memref<10008x128xf32, #tpu.memory_space<vmem_shared>> -> memref<64x128xf32, #tpu.memory_space<vmem_shared>>
        tpu.enqueue_dma source(%dma_start3A_460 : memref<64x128xf32, #tpu.memory_space<vmem_shared>>) target(%dma_start3A_458 : memref<64x128xf32, #tpu.memory_space<hbm>>) target_semaphore(%run_scoped3A : memref<!tpu.dma_semaphore, #tpu.memory_space<semaphore_mem>>)
        %dma_wait3A_461 = arith.constant 0 : i32
        %dma_wait3A_462 = arith.constant 0 : i32
        %dma_wait3A_463 = tpu.memref_slice %arg5[%arg0, %dma_wait3A_461, %dma_wait3A_462] : memref<2x10008x128xf32, #tpu.memory_space<hbm>> -> memref<1x10008x128xf32, #tpu.memory_space<hbm>>
        %dma_wait3A_464 = tpu.memref_squeeze %dma_wait3A_463 : memref<1x10008x128xf32, #tpu.memory_space<hbm>> -> memref<10008x128xf32, #tpu.memory_space<hbm>>
        %dma_wait3A_465 = arith.constant 0 : i32
        %dma_wait3A_466 = tpu.memref_slice %dma_wait3A_464[%add3A_424, %dma_wait3A_465] : memref<10008x128xf32, #tpu.memory_space<hbm>> -> memref<64x128xf32, #tpu.memory_space<hbm>>
        %dma_wait3A_467 = arith.constant 0 : i32
        %dma_wait3A_468 = tpu.memref_slice %arg6[%add3A_422, %dma_wait3A_467] : memref<10008x128xf32, #tpu.memory_space<vmem_shared>> -> memref<64x128xf32, #tpu.memory_space<vmem_shared>>
        tpu.wait_dma2 semaphore(%run_scoped3A : memref<!tpu.dma_semaphore, #tpu.memory_space<semaphore_mem>>) src(%dma_wait3A_468 : memref<64x128xf32, #tpu.memory_space<vmem_shared>>) dst(%dma_wait3A_466 : memref<64x128xf32, #tpu.memory_space<hbm>>)
        tpu.yield
      }) : () -> ()
      %add3A_425 = arith.constant 192 : i32
      %add3A_426 = arith.addi %mul3A_34, %add3A_425 : i32
      %add3A_427 = arith.constant 192 : i32
      %add3A_428 = arith.addi %mul3A_34, %add3A_427 : i32
      "tpu.region"() ({
        %run_scoped3A = tpu.sem_alloc : memref<!tpu.dma_semaphore, #tpu.memory_space<semaphore_mem>>
        %dma_start3A_453 = arith.constant 0 : i32
        %dma_start3A_454 = arith.constant 0 : i32
        %dma_start3A_455 = tpu.memref_slice %arg5[%arg0, %dma_start3A_453, %dma_start3A_454] : memref<2x10008x128xf32, #tpu.memory_space<hbm>> -> memref<1x10008x128xf32, #tpu.memory_space<hbm>>
        %dma_start3A_456 = tpu.memref_squeeze %dma_start3A_455 : memref<1x10008x128xf32, #tpu.memory_space<hbm>> -> memref<10008x128xf32, #tpu.memory_space<hbm>>
        %dma_start3A_457 = arith.constant 0 : i32
        %dma_start3A_458 = tpu.memref_slice %dma_start3A_456[%add3A_428, %dma_start3A_457] : memref<10008x128xf32, #tpu.memory_space<hbm>> -> memref<64x128xf32, #tpu.memory_space<hbm>>
        %dma_start3A_459 = arith.constant 0 : i32
        %dma_start3A_460 = tpu.memref_slice %arg6[%add3A_426, %dma_start3A_459] : memref<10008x128xf32, #tpu.memory_space<vmem_shared>> -> memref<64x128xf32, #tpu.memory_space<vmem_shared>>
        tpu.enqueue_dma source(%dma_start3A_460 : memref<64x128xf32, #tpu.memory_space<vmem_shared>>) target(%dma_start3A_458 : memref<64x128xf32, #tpu.memory_space<hbm>>) target_semaphore(%run_scoped3A : memref<!tpu.dma_semaphore, #tpu.memory_space<semaphore_mem>>)
        %dma_wait3A_461 = arith.constant 0 : i32
        %dma_wait3A_462 = arith.constant 0 : i32
        %dma_wait3A_463 = tpu.memref_slice %arg5[%arg0, %dma_wait3A_461, %dma_wait3A_462] : memref<2x10008x128xf32, #tpu.memory_space<hbm>> -> memref<1x10008x128xf32, #tpu.memory_space<hbm>>
        %dma_wait3A_464 = tpu.memref_squeeze %dma_wait3A_463 : memref<1x10008x128xf32, #tpu.memory_space<hbm>> -> memref<10008x128xf32, #tpu.memory_space<hbm>>
        %dma_wait3A_465 = arith.constant 0 : i32
        %dma_wait3A_466 = tpu.memref_slice %dma_wait3A_464[%add3A_428, %dma_wait3A_465] : memref<10008x128xf32, #tpu.memory_space<hbm>> -> memref<64x128xf32, #tpu.memory_space<hbm>>
        %dma_wait3A_467 = arith.constant 0 : i32
        %dma_wait3A_468 = tpu.memref_slice %arg6[%add3A_426, %dma_wait3A_467] : memref<10008x128xf32, #tpu.memory_space<vmem_shared>> -> memref<64x128xf32, #tpu.memory_space<vmem_shared>>
        tpu.wait_dma2 semaphore(%run_scoped3A : memref<!tpu.dma_semaphore, #tpu.memory_space<semaphore_mem>>) src(%dma_wait3A_468 : memref<64x128xf32, #tpu.memory_space<vmem_shared>>) dst(%dma_wait3A_466 : memref<64x128xf32, #tpu.memory_space<hbm>>)
        tpu.yield
      }) : () -> ()
      %add3A_429 = arith.constant 256 : i32
      %add3A_430 = arith.addi %mul3A_34, %add3A_429 : i32
      %add3A_431 = arith.constant 256 : i32
      %add3A_432 = arith.addi %mul3A_34, %add3A_431 : i32
      "tpu.region"() ({
        %run_scoped3A = tpu.sem_alloc : memref<!tpu.dma_semaphore, #tpu.memory_space<semaphore_mem>>
        %dma_start3A_453 = arith.constant 0 : i32
        %dma_start3A_454 = arith.constant 0 : i32
        %dma_start3A_455 = tpu.memref_slice %arg5[%arg0, %dma_start3A_453, %dma_start3A_454] : memref<2x10008x128xf32, #tpu.memory_space<hbm>> -> memref<1x10008x128xf32, #tpu.memory_space<hbm>>
        %dma_start3A_456 = tpu.memref_squeeze %dma_start3A_455 : memref<1x10008x128xf32, #tpu.memory_space<hbm>> -> memref<10008x128xf32, #tpu.memory_space<hbm>>
        %dma_start3A_457 = arith.constant 0 : i32
        %dma_start3A_458 = tpu.memref_slice %dma_start3A_456[%add3A_432, %dma_start3A_457] : memref<10008x128xf32, #tpu.memory_space<hbm>> -> memref<64x128xf32, #tpu.memory_space<hbm>>
        %dma_start3A_459 = arith.constant 0 : i32
        %dma_start3A_460 = tpu.memref_slice %arg6[%add3A_430, %dma_start3A_459] : memref<10008x128xf32, #tpu.memory_space<vmem_shared>> -> memref<64x128xf32, #tpu.memory_space<vmem_shared>>
        tpu.enqueue_dma source(%dma_start3A_460 : memref<64x128xf32, #tpu.memory_space<vmem_shared>>) target(%dma_start3A_458 : memref<64x128xf32, #tpu.memory_space<hbm>>) target_semaphore(%run_scoped3A : memref<!tpu.dma_semaphore, #tpu.memory_space<semaphore_mem>>)
        %dma_wait3A_461 = arith.constant 0 : i32
        %dma_wait3A_462 = arith.constant 0 : i32
        %dma_wait3A_463 = tpu.memref_slice %arg5[%arg0, %dma_wait3A_461, %dma_wait3A_462] : memref<2x10008x128xf32, #tpu.memory_space<hbm>> -> memref<1x10008x128xf32, #tpu.memory_space<hbm>>
        %dma_wait3A_464 = tpu.memref_squeeze %dma_wait3A_463 : memref<1x10008x128xf32, #tpu.memory_space<hbm>> -> memref<10008x128xf32, #tpu.memory_space<hbm>>
        %dma_wait3A_465 = arith.constant 0 : i32
        %dma_wait3A_466 = tpu.memref_slice %dma_wait3A_464[%add3A_432, %dma_wait3A_465] : memref<10008x128xf32, #tpu.memory_space<hbm>> -> memref<64x128xf32, #tpu.memory_space<hbm>>
        %dma_wait3A_467 = arith.constant 0 : i32
        %dma_wait3A_468 = tpu.memref_slice %arg6[%add3A_430, %dma_wait3A_467] : memref<10008x128xf32, #tpu.memory_space<vmem_shared>> -> memref<64x128xf32, #tpu.memory_space<vmem_shared>>
        tpu.wait_dma2 semaphore(%run_scoped3A : memref<!tpu.dma_semaphore, #tpu.memory_space<semaphore_mem>>) src(%dma_wait3A_468 : memref<64x128xf32, #tpu.memory_space<vmem_shared>>) dst(%dma_wait3A_466 : memref<64x128xf32, #tpu.memory_space<hbm>>)
        tpu.yield
      }) : () -> ()
      %add3A_433 = arith.constant 320 : i32
      %add3A_434 = arith.addi %mul3A_34, %add3A_433 : i32
      %add3A_435 = arith.constant 320 : i32
      %add3A_436 = arith.addi %mul3A_34, %add3A_435 : i32
      "tpu.region"() ({
        %run_scoped3A = tpu.sem_alloc : memref<!tpu.dma_semaphore, #tpu.memory_space<semaphore_mem>>
        %dma_start3A_453 = arith.constant 0 : i32
        %dma_start3A_454 = arith.constant 0 : i32
        %dma_start3A_455 = tpu.memref_slice %arg5[%arg0, %dma_start3A_453, %dma_start3A_454] : memref<2x10008x128xf32, #tpu.memory_space<hbm>> -> memref<1x10008x128xf32, #tpu.memory_space<hbm>>
        %dma_start3A_456 = tpu.memref_squeeze %dma_start3A_455 : memref<1x10008x128xf32, #tpu.memory_space<hbm>> -> memref<10008x128xf32, #tpu.memory_space<hbm>>
        %dma_start3A_457 = arith.constant 0 : i32
        %dma_start3A_458 = tpu.memref_slice %dma_start3A_456[%add3A_436, %dma_start3A_457] : memref<10008x128xf32, #tpu.memory_space<hbm>> -> memref<64x128xf32, #tpu.memory_space<hbm>>
        %dma_start3A_459 = arith.constant 0 : i32
        %dma_start3A_460 = tpu.memref_slice %arg6[%add3A_434, %dma_start3A_459] : memref<10008x128xf32, #tpu.memory_space<vmem_shared>> -> memref<64x128xf32, #tpu.memory_space<vmem_shared>>
        tpu.enqueue_dma source(%dma_start3A_460 : memref<64x128xf32, #tpu.memory_space<vmem_shared>>) target(%dma_start3A_458 : memref<64x128xf32, #tpu.memory_space<hbm>>) target_semaphore(%run_scoped3A : memref<!tpu.dma_semaphore, #tpu.memory_space<semaphore_mem>>)
        %dma_wait3A_461 = arith.constant 0 : i32
        %dma_wait3A_462 = arith.constant 0 : i32
        %dma_wait3A_463 = tpu.memref_slice %arg5[%arg0, %dma_wait3A_461, %dma_wait3A_462] : memref<2x10008x128xf32, #tpu.memory_space<hbm>> -> memref<1x10008x128xf32, #tpu.memory_space<hbm>>
        %dma_wait3A_464 = tpu.memref_squeeze %dma_wait3A_463 : memref<1x10008x128xf32, #tpu.memory_space<hbm>> -> memref<10008x128xf32, #tpu.memory_space<hbm>>
        %dma_wait3A_465 = arith.constant 0 : i32
        %dma_wait3A_466 = tpu.memref_slice %dma_wait3A_464[%add3A_436, %dma_wait3A_465] : memref<10008x128xf32, #tpu.memory_space<hbm>> -> memref<64x128xf32, #tpu.memory_space<hbm>>
        %dma_wait3A_467 = arith.constant 0 : i32
        %dma_wait3A_468 = tpu.memref_slice %arg6[%add3A_434, %dma_wait3A_467] : memref<10008x128xf32, #tpu.memory_space<vmem_shared>> -> memref<64x128xf32, #tpu.memory_space<vmem_shared>>
        tpu.wait_dma2 semaphore(%run_scoped3A : memref<!tpu.dma_semaphore, #tpu.memory_space<semaphore_mem>>) src(%dma_wait3A_468 : memref<64x128xf32, #tpu.memory_space<vmem_shared>>) dst(%dma_wait3A_466 : memref<64x128xf32, #tpu.memory_space<hbm>>)
        tpu.yield
      }) : () -> ()
      %add3A_437 = arith.constant 384 : i32
      %add3A_438 = arith.addi %mul3A_34, %add3A_437 : i32
      %add3A_439 = arith.constant 384 : i32
      %add3A_440 = arith.addi %mul3A_34, %add3A_439 : i32
      "tpu.region"() ({
        %run_scoped3A = tpu.sem_alloc : memref<!tpu.dma_semaphore, #tpu.memory_space<semaphore_mem>>
        %dma_start3A_453 = arith.constant 0 : i32
        %dma_start3A_454 = arith.constant 0 : i32
        %dma_start3A_455 = tpu.memref_slice %arg5[%arg0, %dma_start3A_453, %dma_start3A_454] : memref<2x10008x128xf32, #tpu.memory_space<hbm>> -> memref<1x10008x128xf32, #tpu.memory_space<hbm>>
        %dma_start3A_456 = tpu.memref_squeeze %dma_start3A_455 : memref<1x10008x128xf32, #tpu.memory_space<hbm>> -> memref<10008x128xf32, #tpu.memory_space<hbm>>
        %dma_start3A_457 = arith.constant 0 : i32
        %dma_start3A_458 = tpu.memref_slice %dma_start3A_456[%add3A_440, %dma_start3A_457] : memref<10008x128xf32, #tpu.memory_space<hbm>> -> memref<64x128xf32, #tpu.memory_space<hbm>>
        %dma_start3A_459 = arith.constant 0 : i32
        %dma_start3A_460 = tpu.memref_slice %arg6[%add3A_438, %dma_start3A_459] : memref<10008x128xf32, #tpu.memory_space<vmem_shared>> -> memref<64x128xf32, #tpu.memory_space<vmem_shared>>
        tpu.enqueue_dma source(%dma_start3A_460 : memref<64x128xf32, #tpu.memory_space<vmem_shared>>) target(%dma_start3A_458 : memref<64x128xf32, #tpu.memory_space<hbm>>) target_semaphore(%run_scoped3A : memref<!tpu.dma_semaphore, #tpu.memory_space<semaphore_mem>>)
        %dma_wait3A_461 = arith.constant 0 : i32
        %dma_wait3A_462 = arith.constant 0 : i32
        %dma_wait3A_463 = tpu.memref_slice %arg5[%arg0, %dma_wait3A_461, %dma_wait3A_462] : memref<2x10008x128xf32, #tpu.memory_space<hbm>> -> memref<1x10008x128xf32, #tpu.memory_space<hbm>>
        %dma_wait3A_464 = tpu.memref_squeeze %dma_wait3A_463 : memref<1x10008x128xf32, #tpu.memory_space<hbm>> -> memref<10008x128xf32, #tpu.memory_space<hbm>>
        %dma_wait3A_465 = arith.constant 0 : i32
        %dma_wait3A_466 = tpu.memref_slice %dma_wait3A_464[%add3A_440, %dma_wait3A_465] : memref<10008x128xf32, #tpu.memory_space<hbm>> -> memref<64x128xf32, #tpu.memory_space<hbm>>
        %dma_wait3A_467 = arith.constant 0 : i32
        %dma_wait3A_468 = tpu.memref_slice %arg6[%add3A_438, %dma_wait3A_467] : memref<10008x128xf32, #tpu.memory_space<vmem_shared>> -> memref<64x128xf32, #tpu.memory_space<vmem_shared>>
        tpu.wait_dma2 semaphore(%run_scoped3A : memref<!tpu.dma_semaphore, #tpu.memory_space<semaphore_mem>>) src(%dma_wait3A_468 : memref<64x128xf32, #tpu.memory_space<vmem_shared>>) dst(%dma_wait3A_466 : memref<64x128xf32, #tpu.memory_space<hbm>>)
        tpu.yield
      }) : () -> ()
      %add3A_441 = arith.constant 448 : i32
      %add3A_442 = arith.addi %mul3A_34, %add3A_441 : i32
      %add3A_443 = arith.constant 448 : i32
      %add3A_444 = arith.addi %mul3A_34, %add3A_443 : i32
      "tpu.region"() ({
        %run_scoped3A = tpu.sem_alloc : memref<!tpu.dma_semaphore, #tpu.memory_space<semaphore_mem>>
        %dma_start3A_453 = arith.constant 0 : i32
        %dma_start3A_454 = arith.constant 0 : i32
        %dma_start3A_455 = tpu.memref_slice %arg5[%arg0, %dma_start3A_453, %dma_start3A_454] : memref<2x10008x128xf32, #tpu.memory_space<hbm>> -> memref<1x10008x128xf32, #tpu.memory_space<hbm>>
        %dma_start3A_456 = tpu.memref_squeeze %dma_start3A_455 : memref<1x10008x128xf32, #tpu.memory_space<hbm>> -> memref<10008x128xf32, #tpu.memory_space<hbm>>
        %dma_start3A_457 = arith.constant 0 : i32
        %dma_start3A_458 = tpu.memref_slice %dma_start3A_456[%add3A_444, %dma_start3A_457] : memref<10008x128xf32, #tpu.memory_space<hbm>> -> memref<64x128xf32, #tpu.memory_space<hbm>>
        %dma_start3A_459 = arith.constant 0 : i32
        %dma_start3A_460 = tpu.memref_slice %arg6[%add3A_442, %dma_start3A_459] : memref<10008x128xf32, #tpu.memory_space<vmem_shared>> -> memref<64x128xf32, #tpu.memory_space<vmem_shared>>
        tpu.enqueue_dma source(%dma_start3A_460 : memref<64x128xf32, #tpu.memory_space<vmem_shared>>) target(%dma_start3A_458 : memref<64x128xf32, #tpu.memory_space<hbm>>) target_semaphore(%run_scoped3A : memref<!tpu.dma_semaphore, #tpu.memory_space<semaphore_mem>>)
        %dma_wait3A_461 = arith.constant 0 : i32
        %dma_wait3A_462 = arith.constant 0 : i32
        %dma_wait3A_463 = tpu.memref_slice %arg5[%arg0, %dma_wait3A_461, %dma_wait3A_462] : memref<2x10008x128xf32, #tpu.memory_space<hbm>> -> memref<1x10008x128xf32, #tpu.memory_space<hbm>>
        %dma_wait3A_464 = tpu.memref_squeeze %dma_wait3A_463 : memref<1x10008x128xf32, #tpu.memory_space<hbm>> -> memref<10008x128xf32, #tpu.memory_space<hbm>>
        %dma_wait3A_465 = arith.constant 0 : i32
        %dma_wait3A_466 = tpu.memref_slice %dma_wait3A_464[%add3A_444, %dma_wait3A_465] : memref<10008x128xf32, #tpu.memory_space<hbm>> -> memref<64x128xf32, #tpu.memory_space<hbm>>
        %dma_wait3A_467 = arith.constant 0 : i32
        %dma_wait3A_468 = tpu.memref_slice %arg6[%add3A_442, %dma_wait3A_467] : memref<10008x128xf32, #tpu.memory_space<vmem_shared>> -> memref<64x128xf32, #tpu.memory_space<vmem_shared>>
        tpu.wait_dma2 semaphore(%run_scoped3A : memref<!tpu.dma_semaphore, #tpu.memory_space<semaphore_mem>>) src(%dma_wait3A_468 : memref<64x128xf32, #tpu.memory_space<vmem_shared>>) dst(%dma_wait3A_466 : memref<64x128xf32, #tpu.memory_space<hbm>>)
        tpu.yield
      }) : () -> ()
      %add3A_445 = arith.constant 512 : i32
      %add3A_446 = arith.addi %mul3A_34, %add3A_445 : i32
      %add3A_447 = arith.constant 512 : i32
      %add3A_448 = arith.addi %mul3A_34, %add3A_447 : i32
      "tpu.region"() ({
        %run_scoped3A = tpu.sem_alloc : memref<!tpu.dma_semaphore, #tpu.memory_space<semaphore_mem>>
        %dma_start3A_453 = arith.constant 0 : i32
        %dma_start3A_454 = arith.constant 0 : i32
        %dma_start3A_455 = tpu.memref_slice %arg5[%arg0, %dma_start3A_453, %dma_start3A_454] : memref<2x10008x128xf32, #tpu.memory_space<hbm>> -> memref<1x10008x128xf32, #tpu.memory_space<hbm>>
        %dma_start3A_456 = tpu.memref_squeeze %dma_start3A_455 : memref<1x10008x128xf32, #tpu.memory_space<hbm>> -> memref<10008x128xf32, #tpu.memory_space<hbm>>
        %dma_start3A_457 = arith.constant 0 : i32
        %dma_start3A_458 = tpu.memref_slice %dma_start3A_456[%add3A_448, %dma_start3A_457] : memref<10008x128xf32, #tpu.memory_space<hbm>> -> memref<64x128xf32, #tpu.memory_space<hbm>>
        %dma_start3A_459 = arith.constant 0 : i32
        %dma_start3A_460 = tpu.memref_slice %arg6[%add3A_446, %dma_start3A_459] : memref<10008x128xf32, #tpu.memory_space<vmem_shared>> -> memref<64x128xf32, #tpu.memory_space<vmem_shared>>
        tpu.enqueue_dma source(%dma_start3A_460 : memref<64x128xf32, #tpu.memory_space<vmem_shared>>) target(%dma_start3A_458 : memref<64x128xf32, #tpu.memory_space<hbm>>) target_semaphore(%run_scoped3A : memref<!tpu.dma_semaphore, #tpu.memory_space<semaphore_mem>>)
        %dma_wait3A_461 = arith.constant 0 : i32
        %dma_wait3A_462 = arith.constant 0 : i32
        %dma_wait3A_463 = tpu.memref_slice %arg5[%arg0, %dma_wait3A_461, %dma_wait3A_462] : memref<2x10008x128xf32, #tpu.memory_space<hbm>> -> memref<1x10008x128xf32, #tpu.memory_space<hbm>>
        %dma_wait3A_464 = tpu.memref_squeeze %dma_wait3A_463 : memref<1x10008x128xf32, #tpu.memory_space<hbm>> -> memref<10008x128xf32, #tpu.memory_space<hbm>>
        %dma_wait3A_465 = arith.constant 0 : i32
        %dma_wait3A_466 = tpu.memref_slice %dma_wait3A_464[%add3A_448, %dma_wait3A_465] : memref<10008x128xf32, #tpu.memory_space<hbm>> -> memref<64x128xf32, #tpu.memory_space<hbm>>
        %dma_wait3A_467 = arith.constant 0 : i32
        %dma_wait3A_468 = tpu.memref_slice %arg6[%add3A_446, %dma_wait3A_467] : memref<10008x128xf32, #tpu.memory_space<vmem_shared>> -> memref<64x128xf32, #tpu.memory_space<vmem_shared>>
        tpu.wait_dma2 semaphore(%run_scoped3A : memref<!tpu.dma_semaphore, #tpu.memory_space<semaphore_mem>>) src(%dma_wait3A_468 : memref<64x128xf32, #tpu.memory_space<vmem_shared>>) dst(%dma_wait3A_466 : memref<64x128xf32, #tpu.memory_space<hbm>>)
        tpu.yield
      }) : () -> ()
      %add3A_449 = arith.constant 576 : i32
      %add3A_450 = arith.addi %mul3A_34, %add3A_449 : i32
      %add3A_451 = arith.constant 576 : i32
      %add3A_452 = arith.addi %mul3A_34, %add3A_451 : i32
      "tpu.region"() ({
        %run_scoped3A = tpu.sem_alloc : memref<!tpu.dma_semaphore, #tpu.memory_space<semaphore_mem>>
        %dma_start3A_453 = arith.constant 0 : i32
        %dma_start3A_454 = arith.constant 0 : i32
        %dma_start3A_455 = tpu.memref_slice %arg5[%arg0, %dma_start3A_453, %dma_start3A_454] : memref<2x10008x128xf32, #tpu.memory_space<hbm>> -> memref<1x10008x128xf32, #tpu.memory_space<hbm>>
        %dma_start3A_456 = tpu.memref_squeeze %dma_start3A_455 : memref<1x10008x128xf32, #tpu.memory_space<hbm>> -> memref<10008x128xf32, #tpu.memory_space<hbm>>
        %dma_start3A_457 = arith.constant 0 : i32
        %dma_start3A_458 = tpu.memref_slice %dma_start3A_456[%add3A_452, %dma_start3A_457] : memref<10008x128xf32, #tpu.memory_space<hbm>> -> memref<56x128xf32, #tpu.memory_space<hbm>>
        %dma_start3A_459 = arith.constant 0 : i32
        %dma_start3A_460 = tpu.memref_slice %arg6[%add3A_450, %dma_start3A_459] : memref<10008x128xf32, #tpu.memory_space<vmem_shared>> -> memref<56x128xf32, #tpu.memory_space<vmem_shared>>
        tpu.enqueue_dma source(%dma_start3A_460 : memref<56x128xf32, #tpu.memory_space<vmem_shared>>) target(%dma_start3A_458 : memref<56x128xf32, #tpu.memory_space<hbm>>) target_semaphore(%run_scoped3A : memref<!tpu.dma_semaphore, #tpu.memory_space<semaphore_mem>>)
        %dma_wait3A_461 = arith.constant 0 : i32
        %dma_wait3A_462 = arith.constant 0 : i32
        %dma_wait3A_463 = tpu.memref_slice %arg5[%arg0, %dma_wait3A_461, %dma_wait3A_462] : memref<2x10008x128xf32, #tpu.memory_space<hbm>> -> memref<1x10008x128xf32, #tpu.memory_space<hbm>>
        %dma_wait3A_464 = tpu.memref_squeeze %dma_wait3A_463 : memref<1x10008x128xf32, #tpu.memory_space<hbm>> -> memref<10008x128xf32, #tpu.memory_space<hbm>>
        %dma_wait3A_465 = arith.constant 0 : i32
        %dma_wait3A_466 = tpu.memref_slice %dma_wait3A_464[%add3A_452, %dma_wait3A_465] : memref<10008x128xf32, #tpu.memory_space<hbm>> -> memref<56x128xf32, #tpu.memory_space<hbm>>
        %dma_wait3A_467 = arith.constant 0 : i32
        %dma_wait3A_468 = tpu.memref_slice %arg6[%add3A_450, %dma_wait3A_467] : memref<10008x128xf32, #tpu.memory_space<vmem_shared>> -> memref<56x128xf32, #tpu.memory_space<vmem_shared>>
        tpu.wait_dma2 semaphore(%run_scoped3A : memref<!tpu.dma_semaphore, #tpu.memory_space<semaphore_mem>>) src(%dma_wait3A_468 : memref<56x128xf32, #tpu.memory_space<vmem_shared>>) dst(%dma_wait3A_466 : memref<56x128xf32, #tpu.memory_space<hbm>>)
        tpu.yield
      }) : () -> ()
    } else {
    }
    %eq3A_408 = arith.constant 15 : i32
    %eq3A_409 = arith.cmpi eq, %arg1, %eq3A_408 : i32
    %convert_element_type3A_410 = arith.extui %eq3A_409 : i1 to i32
    %cond3A_411 = arith.constant 0 : i32
    %cond3A_412 = arith.cmpi ne, %convert_element_type3A_410, %cond3A_411 : i32
    scf.if %cond3A_412 {
      %add3A_413 = arith.constant 0 : i32
      %add3A_414 = arith.addi %mul3A_34, %add3A_413 : i32
      %add3A_415 = arith.constant 0 : i32
      %add3A_416 = arith.addi %mul3A_34, %add3A_415 : i32
      "tpu.region"() ({
        %run_scoped3A = tpu.sem_alloc : memref<!tpu.dma_semaphore, #tpu.memory_space<semaphore_mem>>
        %dma_start3A_449 = arith.constant 0 : i32
        %dma_start3A_450 = arith.constant 0 : i32
        %dma_start3A_451 = tpu.memref_slice %arg5[%arg0, %dma_start3A_449, %dma_start3A_450] : memref<2x10008x128xf32, #tpu.memory_space<hbm>> -> memref<1x10008x128xf32, #tpu.memory_space<hbm>>
        %dma_start3A_452 = tpu.memref_squeeze %dma_start3A_451 : memref<1x10008x128xf32, #tpu.memory_space<hbm>> -> memref<10008x128xf32, #tpu.memory_space<hbm>>
        %dma_start3A_453 = arith.constant 0 : i32
        %dma_start3A_454 = tpu.memref_slice %dma_start3A_452[%add3A_416, %dma_start3A_453] : memref<10008x128xf32, #tpu.memory_space<hbm>> -> memref<64x128xf32, #tpu.memory_space<hbm>>
        %dma_start3A_455 = arith.constant 0 : i32
        %dma_start3A_456 = tpu.memref_slice %arg6[%add3A_414, %dma_start3A_455] : memref<10008x128xf32, #tpu.memory_space<vmem_shared>> -> memref<64x128xf32, #tpu.memory_space<vmem_shared>>
        tpu.enqueue_dma source(%dma_start3A_456 : memref<64x128xf32, #tpu.memory_space<vmem_shared>>) target(%dma_start3A_454 : memref<64x128xf32, #tpu.memory_space<hbm>>) target_semaphore(%run_scoped3A : memref<!tpu.dma_semaphore, #tpu.memory_space<semaphore_mem>>)
        %dma_wait3A_457 = arith.constant 0 : i32
        %dma_wait3A_458 = arith.constant 0 : i32
        %dma_wait3A_459 = tpu.memref_slice %arg5[%arg0, %dma_wait3A_457, %dma_wait3A_458] : memref<2x10008x128xf32, #tpu.memory_space<hbm>> -> memref<1x10008x128xf32, #tpu.memory_space<hbm>>
        %dma_wait3A_460 = tpu.memref_squeeze %dma_wait3A_459 : memref<1x10008x128xf32, #tpu.memory_space<hbm>> -> memref<10008x128xf32, #tpu.memory_space<hbm>>
        %dma_wait3A_461 = arith.constant 0 : i32
        %dma_wait3A_462 = tpu.memref_slice %dma_wait3A_460[%add3A_416, %dma_wait3A_461] : memref<10008x128xf32, #tpu.memory_space<hbm>> -> memref<64x128xf32, #tpu.memory_space<hbm>>
        %dma_wait3A_463 = arith.constant 0 : i32
        %dma_wait3A_464 = tpu.memref_slice %arg6[%add3A_414, %dma_wait3A_463] : memref<10008x128xf32, #tpu.memory_space<vmem_shared>> -> memref<64x128xf32, #tpu.memory_space<vmem_shared>>
        tpu.wait_dma2 semaphore(%run_scoped3A : memref<!tpu.dma_semaphore, #tpu.memory_space<semaphore_mem>>) src(%dma_wait3A_464 : memref<64x128xf32, #tpu.memory_space<vmem_shared>>) dst(%dma_wait3A_462 : memref<64x128xf32, #tpu.memory_space<hbm>>)
        tpu.yield
      }) : () -> ()
      %add3A_417 = arith.constant 64 : i32
      %add3A_418 = arith.addi %mul3A_34, %add3A_417 : i32
      %add3A_419 = arith.constant 64 : i32
      %add3A_420 = arith.addi %mul3A_34, %add3A_419 : i32
      "tpu.region"() ({
        %run_scoped3A = tpu.sem_alloc : memref<!tpu.dma_semaphore, #tpu.memory_space<semaphore_mem>>
        %dma_start3A_449 = arith.constant 0 : i32
        %dma_start3A_450 = arith.constant 0 : i32
        %dma_start3A_451 = tpu.memref_slice %arg5[%arg0, %dma_start3A_449, %dma_start3A_450] : memref<2x10008x128xf32, #tpu.memory_space<hbm>> -> memref<1x10008x128xf32, #tpu.memory_space<hbm>>
        %dma_start3A_452 = tpu.memref_squeeze %dma_start3A_451 : memref<1x10008x128xf32, #tpu.memory_space<hbm>> -> memref<10008x128xf32, #tpu.memory_space<hbm>>
        %dma_start3A_453 = arith.constant 0 : i32
        %dma_start3A_454 = tpu.memref_slice %dma_start3A_452[%add3A_420, %dma_start3A_453] : memref<10008x128xf32, #tpu.memory_space<hbm>> -> memref<64x128xf32, #tpu.memory_space<hbm>>
        %dma_start3A_455 = arith.constant 0 : i32
        %dma_start3A_456 = tpu.memref_slice %arg6[%add3A_418, %dma_start3A_455] : memref<10008x128xf32, #tpu.memory_space<vmem_shared>> -> memref<64x128xf32, #tpu.memory_space<vmem_shared>>
        tpu.enqueue_dma source(%dma_start3A_456 : memref<64x128xf32, #tpu.memory_space<vmem_shared>>) target(%dma_start3A_454 : memref<64x128xf32, #tpu.memory_space<hbm>>) target_semaphore(%run_scoped3A : memref<!tpu.dma_semaphore, #tpu.memory_space<semaphore_mem>>)
        %dma_wait3A_457 = arith.constant 0 : i32
        %dma_wait3A_458 = arith.constant 0 : i32
        %dma_wait3A_459 = tpu.memref_slice %arg5[%arg0, %dma_wait3A_457, %dma_wait3A_458] : memref<2x10008x128xf32, #tpu.memory_space<hbm>> -> memref<1x10008x128xf32, #tpu.memory_space<hbm>>
        %dma_wait3A_460 = tpu.memref_squeeze %dma_wait3A_459 : memref<1x10008x128xf32, #tpu.memory_space<hbm>> -> memref<10008x128xf32, #tpu.memory_space<hbm>>
        %dma_wait3A_461 = arith.constant 0 : i32
        %dma_wait3A_462 = tpu.memref_slice %dma_wait3A_460[%add3A_420, %dma_wait3A_461] : memref<10008x128xf32, #tpu.memory_space<hbm>> -> memref<64x128xf32, #tpu.memory_space<hbm>>
        %dma_wait3A_463 = arith.constant 0 : i32
        %dma_wait3A_464 = tpu.memref_slice %arg6[%add3A_418, %dma_wait3A_463] : memref<10008x128xf32, #tpu.memory_space<vmem_shared>> -> memref<64x128xf32, #tpu.memory_space<vmem_shared>>
        tpu.wait_dma2 semaphore(%run_scoped3A : memref<!tpu.dma_semaphore, #tpu.memory_space<semaphore_mem>>) src(%dma_wait3A_464 : memref<64x128xf32, #tpu.memory_space<vmem_shared>>) dst(%dma_wait3A_462 : memref<64x128xf32, #tpu.memory_space<hbm>>)
        tpu.yield
      }) : () -> ()
      %add3A_421 = arith.constant 128 : i32
      %add3A_422 = arith.addi %mul3A_34, %add3A_421 : i32
      %add3A_423 = arith.constant 128 : i32
      %add3A_424 = arith.addi %mul3A_34, %add3A_423 : i32
      "tpu.region"() ({
        %run_scoped3A = tpu.sem_alloc : memref<!tpu.dma_semaphore, #tpu.memory_space<semaphore_mem>>
        %dma_start3A_449 = arith.constant 0 : i32
        %dma_start3A_450 = arith.constant 0 : i32
        %dma_start3A_451 = tpu.memref_slice %arg5[%arg0, %dma_start3A_449, %dma_start3A_450] : memref<2x10008x128xf32, #tpu.memory_space<hbm>> -> memref<1x10008x128xf32, #tpu.memory_space<hbm>>
        %dma_start3A_452 = tpu.memref_squeeze %dma_start3A_451 : memref<1x10008x128xf32, #tpu.memory_space<hbm>> -> memref<10008x128xf32, #tpu.memory_space<hbm>>
        %dma_start3A_453 = arith.constant 0 : i32
        %dma_start3A_454 = tpu.memref_slice %dma_start3A_452[%add3A_424, %dma_start3A_453] : memref<10008x128xf32, #tpu.memory_space<hbm>> -> memref<64x128xf32, #tpu.memory_space<hbm>>
        %dma_start3A_455 = arith.constant 0 : i32
        %dma_start3A_456 = tpu.memref_slice %arg6[%add3A_422, %dma_start3A_455] : memref<10008x128xf32, #tpu.memory_space<vmem_shared>> -> memref<64x128xf32, #tpu.memory_space<vmem_shared>>
        tpu.enqueue_dma source(%dma_start3A_456 : memref<64x128xf32, #tpu.memory_space<vmem_shared>>) target(%dma_start3A_454 : memref<64x128xf32, #tpu.memory_space<hbm>>) target_semaphore(%run_scoped3A : memref<!tpu.dma_semaphore, #tpu.memory_space<semaphore_mem>>)
        %dma_wait3A_457 = arith.constant 0 : i32
        %dma_wait3A_458 = arith.constant 0 : i32
        %dma_wait3A_459 = tpu.memref_slice %arg5[%arg0, %dma_wait3A_457, %dma_wait3A_458] : memref<2x10008x128xf32, #tpu.memory_space<hbm>> -> memref<1x10008x128xf32, #tpu.memory_space<hbm>>
        %dma_wait3A_460 = tpu.memref_squeeze %dma_wait3A_459 : memref<1x10008x128xf32, #tpu.memory_space<hbm>> -> memref<10008x128xf32, #tpu.memory_space<hbm>>
        %dma_wait3A_461 = arith.constant 0 : i32
        %dma_wait3A_462 = tpu.memref_slice %dma_wait3A_460[%add3A_424, %dma_wait3A_461] : memref<10008x128xf32, #tpu.memory_space<hbm>> -> memref<64x128xf32, #tpu.memory_space<hbm>>
        %dma_wait3A_463 = arith.constant 0 : i32
        %dma_wait3A_464 = tpu.memref_slice %arg6[%add3A_422, %dma_wait3A_463] : memref<10008x128xf32, #tpu.memory_space<vmem_shared>> -> memref<64x128xf32, #tpu.memory_space<vmem_shared>>
        tpu.wait_dma2 semaphore(%run_scoped3A : memref<!tpu.dma_semaphore, #tpu.memory_space<semaphore_mem>>) src(%dma_wait3A_464 : memref<64x128xf32, #tpu.memory_space<vmem_shared>>) dst(%dma_wait3A_462 : memref<64x128xf32, #tpu.memory_space<hbm>>)
        tpu.yield
      }) : () -> ()
      %add3A_425 = arith.constant 192 : i32
      %add3A_426 = arith.addi %mul3A_34, %add3A_425 : i32
      %add3A_427 = arith.constant 192 : i32
      %add3A_428 = arith.addi %mul3A_34, %add3A_427 : i32
      "tpu.region"() ({
        %run_scoped3A = tpu.sem_alloc : memref<!tpu.dma_semaphore, #tpu.memory_space<semaphore_mem>>
        %dma_start3A_449 = arith.constant 0 : i32
        %dma_start3A_450 = arith.constant 0 : i32
        %dma_start3A_451 = tpu.memref_slice %arg5[%arg0, %dma_start3A_449, %dma_start3A_450] : memref<2x10008x128xf32, #tpu.memory_space<hbm>> -> memref<1x10008x128xf32, #tpu.memory_space<hbm>>
        %dma_start3A_452 = tpu.memref_squeeze %dma_start3A_451 : memref<1x10008x128xf32, #tpu.memory_space<hbm>> -> memref<10008x128xf32, #tpu.memory_space<hbm>>
        %dma_start3A_453 = arith.constant 0 : i32
        %dma_start3A_454 = tpu.memref_slice %dma_start3A_452[%add3A_428, %dma_start3A_453] : memref<10008x128xf32, #tpu.memory_space<hbm>> -> memref<64x128xf32, #tpu.memory_space<hbm>>
        %dma_start3A_455 = arith.constant 0 : i32
        %dma_start3A_456 = tpu.memref_slice %arg6[%add3A_426, %dma_start3A_455] : memref<10008x128xf32, #tpu.memory_space<vmem_shared>> -> memref<64x128xf32, #tpu.memory_space<vmem_shared>>
        tpu.enqueue_dma source(%dma_start3A_456 : memref<64x128xf32, #tpu.memory_space<vmem_shared>>) target(%dma_start3A_454 : memref<64x128xf32, #tpu.memory_space<hbm>>) target_semaphore(%run_scoped3A : memref<!tpu.dma_semaphore, #tpu.memory_space<semaphore_mem>>)
        %dma_wait3A_457 = arith.constant 0 : i32
        %dma_wait3A_458 = arith.constant 0 : i32
        %dma_wait3A_459 = tpu.memref_slice %arg5[%arg0, %dma_wait3A_457, %dma_wait3A_458] : memref<2x10008x128xf32, #tpu.memory_space<hbm>> -> memref<1x10008x128xf32, #tpu.memory_space<hbm>>
        %dma_wait3A_460 = tpu.memref_squeeze %dma_wait3A_459 : memref<1x10008x128xf32, #tpu.memory_space<hbm>> -> memref<10008x128xf32, #tpu.memory_space<hbm>>
        %dma_wait3A_461 = arith.constant 0 : i32
        %dma_wait3A_462 = tpu.memref_slice %dma_wait3A_460[%add3A_428, %dma_wait3A_461] : memref<10008x128xf32, #tpu.memory_space<hbm>> -> memref<64x128xf32, #tpu.memory_space<hbm>>
        %dma_wait3A_463 = arith.constant 0 : i32
        %dma_wait3A_464 = tpu.memref_slice %arg6[%add3A_426, %dma_wait3A_463] : memref<10008x128xf32, #tpu.memory_space<vmem_shared>> -> memref<64x128xf32, #tpu.memory_space<vmem_shared>>
        tpu.wait_dma2 semaphore(%run_scoped3A : memref<!tpu.dma_semaphore, #tpu.memory_space<semaphore_mem>>) src(%dma_wait3A_464 : memref<64x128xf32, #tpu.memory_space<vmem_shared>>) dst(%dma_wait3A_462 : memref<64x128xf32, #tpu.memory_space<hbm>>)
        tpu.yield
      }) : () -> ()
      %add3A_429 = arith.constant 256 : i32
      %add3A_430 = arith.addi %mul3A_34, %add3A_429 : i32
      %add3A_431 = arith.constant 256 : i32
      %add3A_432 = arith.addi %mul3A_34, %add3A_431 : i32
      "tpu.region"() ({
        %run_scoped3A = tpu.sem_alloc : memref<!tpu.dma_semaphore, #tpu.memory_space<semaphore_mem>>
        %dma_start3A_449 = arith.constant 0 : i32
        %dma_start3A_450 = arith.constant 0 : i32
        %dma_start3A_451 = tpu.memref_slice %arg5[%arg0, %dma_start3A_449, %dma_start3A_450] : memref<2x10008x128xf32, #tpu.memory_space<hbm>> -> memref<1x10008x128xf32, #tpu.memory_space<hbm>>
        %dma_start3A_452 = tpu.memref_squeeze %dma_start3A_451 : memref<1x10008x128xf32, #tpu.memory_space<hbm>> -> memref<10008x128xf32, #tpu.memory_space<hbm>>
        %dma_start3A_453 = arith.constant 0 : i32
        %dma_start3A_454 = tpu.memref_slice %dma_start3A_452[%add3A_432, %dma_start3A_453] : memref<10008x128xf32, #tpu.memory_space<hbm>> -> memref<64x128xf32, #tpu.memory_space<hbm>>
        %dma_start3A_455 = arith.constant 0 : i32
        %dma_start3A_456 = tpu.memref_slice %arg6[%add3A_430, %dma_start3A_455] : memref<10008x128xf32, #tpu.memory_space<vmem_shared>> -> memref<64x128xf32, #tpu.memory_space<vmem_shared>>
        tpu.enqueue_dma source(%dma_start3A_456 : memref<64x128xf32, #tpu.memory_space<vmem_shared>>) target(%dma_start3A_454 : memref<64x128xf32, #tpu.memory_space<hbm>>) target_semaphore(%run_scoped3A : memref<!tpu.dma_semaphore, #tpu.memory_space<semaphore_mem>>)
        %dma_wait3A_457 = arith.constant 0 : i32
        %dma_wait3A_458 = arith.constant 0 : i32
        %dma_wait3A_459 = tpu.memref_slice %arg5[%arg0, %dma_wait3A_457, %dma_wait3A_458] : memref<2x10008x128xf32, #tpu.memory_space<hbm>> -> memref<1x10008x128xf32, #tpu.memory_space<hbm>>
        %dma_wait3A_460 = tpu.memref_squeeze %dma_wait3A_459 : memref<1x10008x128xf32, #tpu.memory_space<hbm>> -> memref<10008x128xf32, #tpu.memory_space<hbm>>
        %dma_wait3A_461 = arith.constant 0 : i32
        %dma_wait3A_462 = tpu.memref_slice %dma_wait3A_460[%add3A_432, %dma_wait3A_461] : memref<10008x128xf32, #tpu.memory_space<hbm>> -> memref<64x128xf32, #tpu.memory_space<hbm>>
        %dma_wait3A_463 = arith.constant 0 : i32
        %dma_wait3A_464 = tpu.memref_slice %arg6[%add3A_430, %dma_wait3A_463] : memref<10008x128xf32, #tpu.memory_space<vmem_shared>> -> memref<64x128xf32, #tpu.memory_space<vmem_shared>>
        tpu.wait_dma2 semaphore(%run_scoped3A : memref<!tpu.dma_semaphore, #tpu.memory_space<semaphore_mem>>) src(%dma_wait3A_464 : memref<64x128xf32, #tpu.memory_space<vmem_shared>>) dst(%dma_wait3A_462 : memref<64x128xf32, #tpu.memory_space<hbm>>)
        tpu.yield
      }) : () -> ()
      %add3A_433 = arith.constant 320 : i32
      %add3A_434 = arith.addi %mul3A_34, %add3A_433 : i32
      %add3A_435 = arith.constant 320 : i32
      %add3A_436 = arith.addi %mul3A_34, %add3A_435 : i32
      "tpu.region"() ({
        %run_scoped3A = tpu.sem_alloc : memref<!tpu.dma_semaphore, #tpu.memory_space<semaphore_mem>>
        %dma_start3A_449 = arith.constant 0 : i32
        %dma_start3A_450 = arith.constant 0 : i32
        %dma_start3A_451 = tpu.memref_slice %arg5[%arg0, %dma_start3A_449, %dma_start3A_450] : memref<2x10008x128xf32, #tpu.memory_space<hbm>> -> memref<1x10008x128xf32, #tpu.memory_space<hbm>>
        %dma_start3A_452 = tpu.memref_squeeze %dma_start3A_451 : memref<1x10008x128xf32, #tpu.memory_space<hbm>> -> memref<10008x128xf32, #tpu.memory_space<hbm>>
        %dma_start3A_453 = arith.constant 0 : i32
        %dma_start3A_454 = tpu.memref_slice %dma_start3A_452[%add3A_436, %dma_start3A_453] : memref<10008x128xf32, #tpu.memory_space<hbm>> -> memref<64x128xf32, #tpu.memory_space<hbm>>
        %dma_start3A_455 = arith.constant 0 : i32
        %dma_start3A_456 = tpu.memref_slice %arg6[%add3A_434, %dma_start3A_455] : memref<10008x128xf32, #tpu.memory_space<vmem_shared>> -> memref<64x128xf32, #tpu.memory_space<vmem_shared>>
        tpu.enqueue_dma source(%dma_start3A_456 : memref<64x128xf32, #tpu.memory_space<vmem_shared>>) target(%dma_start3A_454 : memref<64x128xf32, #tpu.memory_space<hbm>>) target_semaphore(%run_scoped3A : memref<!tpu.dma_semaphore, #tpu.memory_space<semaphore_mem>>)
        %dma_wait3A_457 = arith.constant 0 : i32
        %dma_wait3A_458 = arith.constant 0 : i32
        %dma_wait3A_459 = tpu.memref_slice %arg5[%arg0, %dma_wait3A_457, %dma_wait3A_458] : memref<2x10008x128xf32, #tpu.memory_space<hbm>> -> memref<1x10008x128xf32, #tpu.memory_space<hbm>>
        %dma_wait3A_460 = tpu.memref_squeeze %dma_wait3A_459 : memref<1x10008x128xf32, #tpu.memory_space<hbm>> -> memref<10008x128xf32, #tpu.memory_space<hbm>>
        %dma_wait3A_461 = arith.constant 0 : i32
        %dma_wait3A_462 = tpu.memref_slice %dma_wait3A_460[%add3A_436, %dma_wait3A_461] : memref<10008x128xf32, #tpu.memory_space<hbm>> -> memref<64x128xf32, #tpu.memory_space<hbm>>
        %dma_wait3A_463 = arith.constant 0 : i32
        %dma_wait3A_464 = tpu.memref_slice %arg6[%add3A_434, %dma_wait3A_463] : memref<10008x128xf32, #tpu.memory_space<vmem_shared>> -> memref<64x128xf32, #tpu.memory_space<vmem_shared>>
        tpu.wait_dma2 semaphore(%run_scoped3A : memref<!tpu.dma_semaphore, #tpu.memory_space<semaphore_mem>>) src(%dma_wait3A_464 : memref<64x128xf32, #tpu.memory_space<vmem_shared>>) dst(%dma_wait3A_462 : memref<64x128xf32, #tpu.memory_space<hbm>>)
        tpu.yield
      }) : () -> ()
      %add3A_437 = arith.constant 384 : i32
      %add3A_438 = arith.addi %mul3A_34, %add3A_437 : i32
      %add3A_439 = arith.constant 384 : i32
      %add3A_440 = arith.addi %mul3A_34, %add3A_439 : i32
      "tpu.region"() ({
        %run_scoped3A = tpu.sem_alloc : memref<!tpu.dma_semaphore, #tpu.memory_space<semaphore_mem>>
        %dma_start3A_449 = arith.constant 0 : i32
        %dma_start3A_450 = arith.constant 0 : i32
        %dma_start3A_451 = tpu.memref_slice %arg5[%arg0, %dma_start3A_449, %dma_start3A_450] : memref<2x10008x128xf32, #tpu.memory_space<hbm>> -> memref<1x10008x128xf32, #tpu.memory_space<hbm>>
        %dma_start3A_452 = tpu.memref_squeeze %dma_start3A_451 : memref<1x10008x128xf32, #tpu.memory_space<hbm>> -> memref<10008x128xf32, #tpu.memory_space<hbm>>
        %dma_start3A_453 = arith.constant 0 : i32
        %dma_start3A_454 = tpu.memref_slice %dma_start3A_452[%add3A_440, %dma_start3A_453] : memref<10008x128xf32, #tpu.memory_space<hbm>> -> memref<64x128xf32, #tpu.memory_space<hbm>>
        %dma_start3A_455 = arith.constant 0 : i32
        %dma_start3A_456 = tpu.memref_slice %arg6[%add3A_438, %dma_start3A_455] : memref<10008x128xf32, #tpu.memory_space<vmem_shared>> -> memref<64x128xf32, #tpu.memory_space<vmem_shared>>
        tpu.enqueue_dma source(%dma_start3A_456 : memref<64x128xf32, #tpu.memory_space<vmem_shared>>) target(%dma_start3A_454 : memref<64x128xf32, #tpu.memory_space<hbm>>) target_semaphore(%run_scoped3A : memref<!tpu.dma_semaphore, #tpu.memory_space<semaphore_mem>>)
        %dma_wait3A_457 = arith.constant 0 : i32
        %dma_wait3A_458 = arith.constant 0 : i32
        %dma_wait3A_459 = tpu.memref_slice %arg5[%arg0, %dma_wait3A_457, %dma_wait3A_458] : memref<2x10008x128xf32, #tpu.memory_space<hbm>> -> memref<1x10008x128xf32, #tpu.memory_space<hbm>>
        %dma_wait3A_460 = tpu.memref_squeeze %dma_wait3A_459 : memref<1x10008x128xf32, #tpu.memory_space<hbm>> -> memref<10008x128xf32, #tpu.memory_space<hbm>>
        %dma_wait3A_461 = arith.constant 0 : i32
        %dma_wait3A_462 = tpu.memref_slice %dma_wait3A_460[%add3A_440, %dma_wait3A_461] : memref<10008x128xf32, #tpu.memory_space<hbm>> -> memref<64x128xf32, #tpu.memory_space<hbm>>
        %dma_wait3A_463 = arith.constant 0 : i32
        %dma_wait3A_464 = tpu.memref_slice %arg6[%add3A_438, %dma_wait3A_463] : memref<10008x128xf32, #tpu.memory_space<vmem_shared>> -> memref<64x128xf32, #tpu.memory_space<vmem_shared>>
        tpu.wait_dma2 semaphore(%run_scoped3A : memref<!tpu.dma_semaphore, #tpu.memory_space<semaphore_mem>>) src(%dma_wait3A_464 : memref<64x128xf32, #tpu.memory_space<vmem_shared>>) dst(%dma_wait3A_462 : memref<64x128xf32, #tpu.memory_space<hbm>>)
        tpu.yield
      }) : () -> ()
      %add3A_441 = arith.constant 448 : i32
      %add3A_442 = arith.addi %mul3A_34, %add3A_441 : i32
      %add3A_443 = arith.constant 448 : i32
      %add3A_444 = arith.addi %mul3A_34, %add3A_443 : i32
      "tpu.region"() ({
        %run_scoped3A = tpu.sem_alloc : memref<!tpu.dma_semaphore, #tpu.memory_space<semaphore_mem>>
        %dma_start3A_449 = arith.constant 0 : i32
        %dma_start3A_450 = arith.constant 0 : i32
        %dma_start3A_451 = tpu.memref_slice %arg5[%arg0, %dma_start3A_449, %dma_start3A_450] : memref<2x10008x128xf32, #tpu.memory_space<hbm>> -> memref<1x10008x128xf32, #tpu.memory_space<hbm>>
        %dma_start3A_452 = tpu.memref_squeeze %dma_start3A_451 : memref<1x10008x128xf32, #tpu.memory_space<hbm>> -> memref<10008x128xf32, #tpu.memory_space<hbm>>
        %dma_start3A_453 = arith.constant 0 : i32
        %dma_start3A_454 = tpu.memref_slice %dma_start3A_452[%add3A_444, %dma_start3A_453] : memref<10008x128xf32, #tpu.memory_space<hbm>> -> memref<64x128xf32, #tpu.memory_space<hbm>>
        %dma_start3A_455 = arith.constant 0 : i32
        %dma_start3A_456 = tpu.memref_slice %arg6[%add3A_442, %dma_start3A_455] : memref<10008x128xf32, #tpu.memory_space<vmem_shared>> -> memref<64x128xf32, #tpu.memory_space<vmem_shared>>
        tpu.enqueue_dma source(%dma_start3A_456 : memref<64x128xf32, #tpu.memory_space<vmem_shared>>) target(%dma_start3A_454 : memref<64x128xf32, #tpu.memory_space<hbm>>) target_semaphore(%run_scoped3A : memref<!tpu.dma_semaphore, #tpu.memory_space<semaphore_mem>>)
        %dma_wait3A_457 = arith.constant 0 : i32
        %dma_wait3A_458 = arith.constant 0 : i32
        %dma_wait3A_459 = tpu.memref_slice %arg5[%arg0, %dma_wait3A_457, %dma_wait3A_458] : memref<2x10008x128xf32, #tpu.memory_space<hbm>> -> memref<1x10008x128xf32, #tpu.memory_space<hbm>>
        %dma_wait3A_460 = tpu.memref_squeeze %dma_wait3A_459 : memref<1x10008x128xf32, #tpu.memory_space<hbm>> -> memref<10008x128xf32, #tpu.memory_space<hbm>>
        %dma_wait3A_461 = arith.constant 0 : i32
        %dma_wait3A_462 = tpu.memref_slice %dma_wait3A_460[%add3A_444, %dma_wait3A_461] : memref<10008x128xf32, #tpu.memory_space<hbm>> -> memref<64x128xf32, #tpu.memory_space<hbm>>
        %dma_wait3A_463 = arith.constant 0 : i32
        %dma_wait3A_464 = tpu.memref_slice %arg6[%add3A_442, %dma_wait3A_463] : memref<10008x128xf32, #tpu.memory_space<vmem_shared>> -> memref<64x128xf32, #tpu.memory_space<vmem_shared>>
        tpu.wait_dma2 semaphore(%run_scoped3A : memref<!tpu.dma_semaphore, #tpu.memory_space<semaphore_mem>>) src(%dma_wait3A_464 : memref<64x128xf32, #tpu.memory_space<vmem_shared>>) dst(%dma_wait3A_462 : memref<64x128xf32, #tpu.memory_space<hbm>>)
        tpu.yield
      }) : () -> ()
      %add3A_445 = arith.constant 512 : i32
      %add3A_446 = arith.addi %mul3A_34, %add3A_445 : i32
      %add3A_447 = arith.constant 512 : i32
      %add3A_448 = arith.addi %mul3A_34, %add3A_447 : i32
      "tpu.region"() ({
        %run_scoped3A = tpu.sem_alloc : memref<!tpu.dma_semaphore, #tpu.memory_space<semaphore_mem>>
        %dma_start3A_449 = arith.constant 0 : i32
        %dma_start3A_450 = arith.constant 0 : i32
        %dma_start3A_451 = tpu.memref_slice %arg5[%arg0, %dma_start3A_449, %dma_start3A_450] : memref<2x10008x128xf32, #tpu.memory_space<hbm>> -> memref<1x10008x128xf32, #tpu.memory_space<hbm>>
        %dma_start3A_452 = tpu.memref_squeeze %dma_start3A_451 : memref<1x10008x128xf32, #tpu.memory_space<hbm>> -> memref<10008x128xf32, #tpu.memory_space<hbm>>
        %dma_start3A_453 = arith.constant 0 : i32
        %dma_start3A_454 = tpu.memref_slice %dma_start3A_452[%add3A_448, %dma_start3A_453] : memref<10008x128xf32, #tpu.memory_space<hbm>> -> memref<16x128xf32, #tpu.memory_space<hbm>>
        %dma_start3A_455 = arith.constant 0 : i32
        %dma_start3A_456 = tpu.memref_slice %arg6[%add3A_446, %dma_start3A_455] : memref<10008x128xf32, #tpu.memory_space<vmem_shared>> -> memref<16x128xf32, #tpu.memory_space<vmem_shared>>
        tpu.enqueue_dma source(%dma_start3A_456 : memref<16x128xf32, #tpu.memory_space<vmem_shared>>) target(%dma_start3A_454 : memref<16x128xf32, #tpu.memory_space<hbm>>) target_semaphore(%run_scoped3A : memref<!tpu.dma_semaphore, #tpu.memory_space<semaphore_mem>>)
        %dma_wait3A_457 = arith.constant 0 : i32
        %dma_wait3A_458 = arith.constant 0 : i32
        %dma_wait3A_459 = tpu.memref_slice %arg5[%arg0, %dma_wait3A_457, %dma_wait3A_458] : memref<2x10008x128xf32, #tpu.memory_space<hbm>> -> memref<1x10008x128xf32, #tpu.memory_space<hbm>>
        %dma_wait3A_460 = tpu.memref_squeeze %dma_wait3A_459 : memref<1x10008x128xf32, #tpu.memory_space<hbm>> -> memref<10008x128xf32, #tpu.memory_space<hbm>>
        %dma_wait3A_461 = arith.constant 0 : i32
        %dma_wait3A_462 = tpu.memref_slice %dma_wait3A_460[%add3A_448, %dma_wait3A_461] : memref<10008x128xf32, #tpu.memory_space<hbm>> -> memref<16x128xf32, #tpu.memory_space<hbm>>
        %dma_wait3A_463 = arith.constant 0 : i32
        %dma_wait3A_464 = tpu.memref_slice %arg6[%add3A_446, %dma_wait3A_463] : memref<10008x128xf32, #tpu.memory_space<vmem_shared>> -> memref<16x128xf32, #tpu.memory_space<vmem_shared>>
        tpu.wait_dma2 semaphore(%run_scoped3A : memref<!tpu.dma_semaphore, #tpu.memory_space<semaphore_mem>>) src(%dma_wait3A_464 : memref<16x128xf32, #tpu.memory_space<vmem_shared>>) dst(%dma_wait3A_462 : memref<16x128xf32, #tpu.memory_space<hbm>>)
        tpu.yield
      }) : () -> ()
    } else {
    }
    return
  }
}

module attributes {stable_mosaic.version = 14 : i64} {
  func.func @_hs_body(%arg0: i32, %arg1: memref<2048x128xf32, #tpu.memory_space<vmem>>, %arg2: memref<128x128xf32, #tpu.memory_space<vmem>>, %arg3: memref<2x10240xf32, #tpu.memory_space<vmem>>, %arg4: memref<2048x128xf32, #tpu.memory_space<vmem>>, %arg5: memref<2048x1xf32, #tpu.memory_space<vmem>>) attributes {dimension_semantics = [#tpu.dimension_semantics<arbitrary>], iteration_bounds = array<i64: 5>, scalar_prefetch = 0 : i64, scratch_operands = 0 : i64, tpu.core_type = #tpu.core_type<tc>, window_params = [{transform_indices = @transform_0, window_bounds = array<i64: 2048, 128>}, {pipeline_mode = #tpu.pipeline_mode<synchronous>, transform_indices = @transform_1, window_bounds = array<i64: 128, 128>}, {pipeline_mode = #tpu.pipeline_mode<synchronous>, transform_indices = @transform_2, window_bounds = array<i64: 2, 10240>}, {transform_indices = @transform_3, window_bounds = array<i64: 2048, 128>}, {transform_indices = @transform_4, window_bounds = array<i64: 2048, 1>}]} {
    %mul3A = arith.constant 2048 : i32
    %mul3A_0 = arith.muli %arg0, %mul3A : i32
    %multiple_of3A = tpu.assume_multiple %mul3A_0, 128 : i32
    %get3A = arith.constant 0 : index
    %get3A_1 = arith.index_cast %multiple_of3A : i32 to index
    %get3A_2 = vector.load %arg3[%get3A, %get3A_1] : memref<2x10240xf32, #tpu.memory_space<vmem>>, vector<1x2048xf32>
    %get3A_3 = vector.shape_cast %get3A_2 : vector<1x2048xf32> to vector<2048xf32>
    %get3A_4 = arith.constant 1 : index
    %get3A_5 = arith.index_cast %multiple_of3A : i32 to index
    %get3A_6 = vector.load %arg3[%get3A_4, %get3A_5] : memref<2x10240xf32, #tpu.memory_space<vmem>>, vector<1x2048xf32>
    %get3A_7 = vector.shape_cast %get3A_6 : vector<1x2048xf32> to vector<2048xf32>
    %add3A = arith.addf %get3A_3, %get3A_7 : vector<2048xf32>
    %add3A_8 = arith.constant 1.000000e+00 : f32
    %add3A_9 = vector.broadcast %add3A_8 : f32 to vector<2048xf32>
    %add3A_10 = arith.addf %add3A, %add3A_9 : vector<2048xf32>
    %rsqrt3A = math.rsqrt %add3A_10 : vector<2048xf32>
    %get3A_11 = arith.constant 0 : index
    %get3A_12 = arith.constant 0 : index
    %get3A_13 = vector.load %arg1[%get3A_11, %get3A_12] : memref<2048x128xf32, #tpu.memory_space<vmem>>, vector<2048x128xf32>
    %get3A_14 = arith.constant 0 : index
    %get3A_15 = arith.constant 0 : index
    %get3A_16 = vector.load %arg2[%get3A_14, %get3A_15] : memref<128x128xf32, #tpu.memory_space<vmem>>, vector<128x128xf32>
    %dot_general3A = arith.constant dense<0.000000e+00> : vector<2048x128xf32>
    %dot_general3A_17 = tpu.matmul %get3A_13, %get3A_16, %dot_general3A {dimension_numbers = #tpu.dot_dimension_numbers<[1], [0], [0], [1], [0, 0, 1, 1], [], []>, transpose_lhs_hint = false} : vector<2048x128xf32>, vector<128x128xf32>, vector<2048x128xf32> -> vector<2048x128xf32>
    %broadcast_in_dim3A = vector.shape_cast %rsqrt3A : vector<2048xf32> to vector<2048x1xf32>
    %mul3A_18 = vector.broadcast %broadcast_in_dim3A : vector<2048x1xf32> to vector<2048x128xf32>
    %mul3A_19 = arith.mulf %dot_general3A_17, %mul3A_18 : vector<2048x128xf32>
    %swap3A = arith.constant 0 : index
    %swap3A_20 = arith.constant 0 : index
    %swap3A_21 = vector.load %arg4[%swap3A, %swap3A_20] : memref<2048x128xf32, #tpu.memory_space<vmem>>, vector<2048x128xf32>
    tpu.vector_store %arg4[%swap3A, %swap3A_20], %mul3A_19 {strides = array<i32>} : memref<2048x128xf32, #tpu.memory_space<vmem>>, vector<2048x128xf32>,
    %broadcast_in_dim3A_22 = vector.shape_cast %rsqrt3A : vector<2048xf32> to vector<2048x1xf32>
    %swap3A_23 = arith.constant 0 : index
    %swap3A_24 = arith.constant 0 : index
    %swap3A_25 = vector.load %arg5[%swap3A_23, %swap3A_24] : memref<2048x1xf32, #tpu.memory_space<vmem>>, vector<2048x1xf32>
    tpu.vector_store %arg5[%swap3A_23, %swap3A_24], %broadcast_in_dim3A_22 {strides = array<i32>} : memref<2048x1xf32, #tpu.memory_space<vmem>>, vector<2048x1xf32>,
    return
  }
  func.func @transform_0(%arg0: i32) -> (i32, i32) {
    %c0_i32 = arith.constant 0 : i32
    %c0_i32_0 = arith.constant 0 : i32
    return %arg0, %c0_i32 : i32, i32
  }
  func.func @transform_1(%arg0: i32) -> (i32, i32) {
    %c0_i32 = arith.constant 0 : i32
    %c0_i32_0 = arith.constant 0 : i32
    %c0_i32_1 = arith.constant 0 : i32
    return %c0_i32, %c0_i32_0 : i32, i32
  }
  func.func @transform_2(%arg0: i32) -> (i32, i32) {
    %c0_i32 = arith.constant 0 : i32
    %c0_i32_0 = arith.constant 0 : i32
    %c0_i32_1 = arith.constant 0 : i32
    return %c0_i32, %c0_i32_0 : i32, i32
  }
  func.func @transform_3(%arg0: i32) -> (i32, i32) {
    %c0_i32 = arith.constant 0 : i32
    %c0_i32_0 = arith.constant 0 : i32
    return %arg0, %c0_i32 : i32, i32
  }
  func.func @transform_4(%arg0: i32) -> (i32, i32) {
    %c0_i32 = arith.constant 0 : i32
    %c0_i32_0 = arith.constant 0 : i32
    return %arg0, %c0_i32 : i32, i32
  }
}

module attributes {stable_mosaic.version = 14 : i64} {
  func.func @_out_body(%arg0: i32, %arg1: memref<2x5000x128xf32, #tpu.memory_space<vmem>>, %arg2: memref<5000x128xf32, #tpu.memory_space<vmem>>, %arg3: memref<5000x1xf32, #tpu.memory_space<vmem>>, %arg4: memref<1x128xf32, #tpu.memory_space<vmem>>, %arg5: memref<5000x128xf32, #tpu.memory_space<vmem>>) attributes {dimension_semantics = [#tpu.dimension_semantics<arbitrary>], iteration_bounds = array<i64: 2>, scalar_prefetch = 0 : i64, scratch_operands = 0 : i64, tpu.core_type = #tpu.core_type<tc>, window_params = [{transform_indices = @transform_0, window_bounds = array<i64: 2, 5000, 128>}, {transform_indices = @transform_1, window_bounds = array<i64: 5000, 128>}, {transform_indices = @transform_2, window_bounds = array<i64: 5000, 1>}, {pipeline_mode = #tpu.pipeline_mode<synchronous>, transform_indices = @transform_3, window_bounds = array<i64: 1, 128>}, {transform_indices = @transform_4, window_bounds = array<i64: 5000, 128>}]} {
    %get3A = arith.constant 0 : index
    %get3A_0 = arith.constant 0 : index
    %get3A_1 = arith.constant 0 : index
    %get3A_2 = vector.load %arg1[%get3A, %get3A_0, %get3A_1] : memref<2x5000x128xf32, #tpu.memory_space<vmem>>, vector<1x5000x128xf32>
    %get3A_3 = vector.shape_cast %get3A_2 : vector<1x5000x128xf32> to vector<5000x128xf32>
    %get3A_4 = arith.constant 1 : index
    %get3A_5 = arith.constant 0 : index
    %get3A_6 = arith.constant 0 : index
    %get3A_7 = vector.load %arg1[%get3A_4, %get3A_5, %get3A_6] : memref<2x5000x128xf32, #tpu.memory_space<vmem>>, vector<1x5000x128xf32>
    %get3A_8 = vector.shape_cast %get3A_7 : vector<1x5000x128xf32> to vector<5000x128xf32>
    %add3A = arith.addf %get3A_3, %get3A_8 : vector<5000x128xf32>
    %get3A_9 = arith.constant 0 : index
    %get3A_10 = arith.constant 0 : index
    %get3A_11 = vector.load %arg2[%get3A_9, %get3A_10] : memref<5000x128xf32, #tpu.memory_space<vmem>>, vector<5000x128xf32>
    %add3A_12 = arith.addf %add3A, %get3A_11 : vector<5000x128xf32>
    %get3A_13 = arith.constant 0 : index
    %get3A_14 = arith.constant 0 : index
    %get3A_15 = vector.load %arg3[%get3A_13, %get3A_14] : memref<5000x1xf32, #tpu.memory_space<vmem>>, vector<5000x1xf32>
    %mul3A = vector.broadcast %get3A_15 : vector<5000x1xf32> to vector<5000x128xf32>
    %mul3A_16 = arith.mulf %add3A_12, %mul3A : vector<5000x128xf32>
    %get3A_17 = arith.constant 0 : index
    %get3A_18 = arith.constant 0 : index
    %get3A_19 = vector.load %arg4[%get3A_17, %get3A_18] : memref<1x128xf32, #tpu.memory_space<vmem>>, vector<1x128xf32>
    %get3A_20 = vector.shape_cast %get3A_19 : vector<1x128xf32> to vector<128xf32>
    %broadcast_in_dim3A = vector.shape_cast %get3A_20 : vector<128xf32> to vector<1x128xf32>
    %add3A_21 = vector.broadcast %broadcast_in_dim3A : vector<1x128xf32> to vector<5000x128xf32>
    %add3A_22 = arith.addf %mul3A_16, %add3A_21 : vector<5000x128xf32>
    %swap3A = arith.constant 0 : index
    %swap3A_23 = arith.constant 0 : index
    %swap3A_24 = vector.load %arg5[%swap3A, %swap3A_23] : memref<5000x128xf32, #tpu.memory_space<vmem>>, vector<5000x128xf32>
    tpu.vector_store %arg5[%swap3A, %swap3A_23], %add3A_22 {strides = array<i32>} : memref<5000x128xf32, #tpu.memory_space<vmem>>, vector<5000x128xf32>,
    return
  }
  func.func @transform_0(%arg0: i32) -> (i32, i32, i32) {
    %c0_i32 = arith.constant 0 : i32
    %c0_i32_0 = arith.constant 0 : i32
    %c0_i32_1 = arith.constant 0 : i32
    return %c0_i32, %arg0, %c0_i32_0 : i32, i32, i32
  }
  func.func @transform_1(%arg0: i32) -> (i32, i32) {
    %c0_i32 = arith.constant 0 : i32
    %c0_i32_0 = arith.constant 0 : i32
    return %arg0, %c0_i32 : i32, i32
  }
  func.func @transform_2(%arg0: i32) -> (i32, i32) {
    %c0_i32 = arith.constant 0 : i32
    %c0_i32_0 = arith.constant 0 : i32
    return %arg0, %c0_i32 : i32, i32
  }
  func.func @transform_3(%arg0: i32) -> (i32, i32) {
    %c0_i32 = arith.constant 0 : i32
    %c0_i32_0 = arith.constant 0 : i32
    %c0_i32_1 = arith.constant 0 : i32
    return %c0_i32, %c0_i32_0 : i32, i32
  }
  func.func @transform_4(%arg0: i32) -> (i32, i32) {
    %c0_i32 = arith.constant 0 : i32
    %c0_i32_0 = arith.constant 0 : i32
    return %arg0, %c0_i32 : i32, i32
  }
}

</mosaic_0001>

<sc_bundles>
// kernel: kernel.6.cloned.1.call-start
scs
__scs_entry_jumppad:
0x0: {  	(pc) =	sbr.rel $0x88, $3  }
0x1: {  	(tag) =	ssettag $0x0;
	lr =	simm.s32 $0x1  }
0x2: {  	[smem:$0x3F9D] =	sst lr;
	_ =	strace $0xD0000000  }
0x3: {  	_ = 	snop  }
0x4: {  	_ = 	snop  }
0x5: {  	_ = 	snop  }
0x6: {  	_ = 	snop  }
0x7: {  	_ = 	snop  }
__scs_overlays_trampoline_lowered:
0x8: {  	[smem:$0x3FAC] =	sst s0  }
0x9: {  	[smem:$0x3FAD] =	sst s1  }
0xa: {  	[smem:$0x3FAE] =	sst s2  }
0xb: {  	[smem:$0x3FAF] =	sst s3  }
0xc: {  	[smem:$0x3FB0] =	sst s4  }
0xd: {  	[smem:$0x3FB1] =	sst s5  }
0xe: {  	[smem:$0x3FB2] =	sst s6  }
0xf: {  	[smem:$0x3FB3] =	sst s7  }
0x10: {  	[smem:$0x3FB4] =	sst s8  }
0x11: {  	[smem:$0x3FB5] =	sst s9;
	s0 =	simm.s32 @!p0 $0x0  }
0x12: {  	s1 =	sld [smem:$0x3F9B];
	s0 =	simm.s32 @p0 $0x1  }
0x13: {  	[smem:$0x3FB6] =	sst s0;
	s0 =	simm.s32 @!p1 $0x0  }
0x14: {  	s2 =	sld [smem:$0x3F9A];
	s0 =	simm.s32 @p1 $0x1  }
0x15: {  	[smem:$0x3FB7] =	sst s0;
	s0 =	simm.s32 @!p2 $0x0  }
0x16: {  	s3 =	sld [smem:$0x3FDB];
	s0 =	simm.s32 @p2 $0x1  }
0x17: {  	s4 =	simm.s32 $0x1BF5;
	[smem:$0x3FB9] =	sst s0  }
0x18: {  	s0 =	sld [smem:$0x3F9C];
	_ =	swait.ge [sflag:s4], $0x0  }
0x19: {  	s7 =	sld [smem:$0x3F9D]  }
0x1a: {  	s8 =	sadd.s32 $0xFFFFE003, lr  }
0x1b: {  	s9 =	sadd.s32 $0xFFFFFEF7, lr;
	s5 =	simm.s32 $0xFFFFFFFF;
	p2 =	slt.u32 s8, $0xFFFFF086  }
0x1c: {  	p1 =	slt.u32 s9, $0xF7A;
	s5 =	simm.s32 @!p2 $0x0  }
0x1d: {  	s5 =	simm.s32 @p1 $0x1;
	p0 =	seq.s32 s7, s2  }
0x1e: {  	s7 =	smul.u32 @!p0 $0xF7A, s2;
	p2 =	seq.s32 @!p0 s5, $0x0  }
0x1f: {  	s9 =	smul.u32 $0xF7A, s1;
	s8 =	simm.s32 @!p0 $0x1BF5;
	p2 =	por !p2, p0  }
0x20: {  	[sflag:s8] =	ssyncset.s32 @!p0 $0xFFFFF086;
	s6 =	sadd.s32 @!p0 s3, s7;
	s7 =	simm.s32 @!p0 $0x108  }
0x21: {  	s3 =	sadd.s32 s3, s9;
	s6 =	sadd.s32 @!p0 $0x88, s6;
	s7 =	simm.s32 @p2 $0x1082  }
0x22: {  	[simem:s7], [sflag:s8] =	dma.local @!p0 [hbm:s6], $0xF7A  }
0x23: {  	s9 =	sor.u32 $0xD0000000, s2;
	s6 =	simm.s32 $0x108;
	_ =	swait.ge @!p0 [sflag:s8], $0x0  }
0x24: {  	s3 =	sadd.s32 $0x88, s3;
	s6 =	simm.s32 @!p1 $0x1082;
	[sflag:s4] =	ssyncset.s32 $0xFFFFF086  }
0x25: {  	[simem:s6], [sflag:s4] =	dma.local [hbm:s3], $0xF7A  }
0x26: {  	[smem:$0x3F9D] =	sst s1;
	(tag) =	ssettag s2;
	_ =	strace s9  }
0x27: {  	s1 =	sld [smem:$0x3FAD]  }
0x28: {  	s2 =	sld [smem:$0x3FAE]  }
0x29: {  	s4 =	sld [smem:$0x3FB0]  }
0x2a: {  	p0 =	seq.s32 s5, $0x0;
	s5 =	sld [smem:$0x3FB1]  }
0x2b: {  	s6 =	sld [smem:$0x3FB2]  }
0x2c: {  	s7 =	sld [smem:$0x3FB3]  }
0x2d: {  	s3 =	simm.s32 $0x108;
	s8 =	sld [smem:$0x3FB4]  }
0x2e: {  	s3 =	simm.s32 @!p0 $0x1082;
	s9 =	sld [smem:$0x3FB5]  }
0x2f: {  	lr =	sadd.s32 s0, s3;
	s0 =	sld [smem:$0x3FAC]  }
0x30: {  	s3 =	sld [smem:$0x3FAF]  }
0x31: {  	[smem:$0x3FB8] =	sst s10  }
0x32: {  	s10 =	sld [smem:$0x3FB6];
	_ =	sdelay $0x3  }
0x33: {  	p0 =	seq.s32 s10, $0x1;
	s10 =	sld [smem:$0x3FB8];
	_ =	sdelay $0x3  }
0x34: {  	[smem:$0x3FB8] =	sst s10  }
0x35: {  	s10 =	sld [smem:$0x3FB7];
	_ =	sdelay $0x3  }
0x36: {  	p1 =	seq.s32 s10, $0x1;
	s10 =	sld [smem:$0x3FB8];
	_ =	sdelay $0x3  }
0x37: {  	[smem:$0x3FB8] =	sst s10  }
0x38: {  	s10 =	sld [smem:$0x3FB9]  }
0x39: {  	_ = 	snop;
	(pc) =	sbr.ind lr, $3  }
0x3a: {  	_ = 	snop  }
0x3b: {  	_ = 	snop  }
0x3c: {  	p2 =	seq.s32 s10, $0x1;
	s10 =	sld [smem:$0x3FB8]  }
0x3d: {  	_ =	shalt  }
0x3e: {  	_ =	shalt  }
0x3f: {  	_ =	shalt  }
0x40: {  	_ =	shalt  }
0x41: {  	_ =	shalt  }
0x42: {  	_ =	shalt  }
0x43: {  	_ =	shalt  }
0x44: {  	_ =	shalt  }
0x45: {  	_ =	shalt  }
0x46: {  	_ =	shalt  }
0x47: {  	_ =	shalt  }
0x48: {  	_ =	shalt  }
0x49: {  	_ =	shalt  }
0x4a: {  	_ =	shalt  }
0x4b: {  	_ =	shalt  }
0x4c: {  	_ =	shalt  }
0x4d: {  	_ =	shalt  }
0x4e: {  	_ =	shalt  }
0x4f: {  	_ =	shalt  }
0x50: {  	_ =	shalt  }
0x51: {  	_ =	shalt  }
0x52: {  	_ =	shalt  }
0x53: {  	_ =	shalt  }
0x54: {  	_ =	shalt  }
0x55: {  	_ =	shalt  }
0x56: {  	_ =	shalt  }
0x57: {  	_ =	shalt  }
0x58: {  	_ =	shalt  }
0x59: {  	_ =	shalt  }
0x5a: {  	_ =	shalt  }
0x5b: {  	_ =	shalt  }
0x5c: {  	_ =	shalt  }
0x5d: {  	_ =	shalt  }
0x5e: {  	_ =	shalt  }
0x5f: {  	_ =	shalt  }
0x60: {  	_ =	shalt  }
0x61: {  	_ =	shalt  }
0x62: {  	_ =	shalt  }
0x63: {  	_ =	shalt  }
0x64: {  	_ =	shalt  }
0x65: {  	_ =	shalt  }
0x66: {  	_ =	shalt  }
0x67: {  	_ =	shalt  }
0x68: {  	_ =	shalt  }
0x69: {  	_ =	shalt  }
0x6a: {  	_ =	shalt  }
0x6b: {  	_ =	shalt  }
0x6c: {  	_ =	shalt  }
0x6d: {  	_ =	shalt  }
0x6e: {  	_ =	shalt  }
0x6f: {  	_ =	shalt  }
0x70: {  	_ =	shalt  }
0x71: {  	_ =	shalt  }
0x72: {  	_ =	shalt  }
0x73: {  	_ =	shalt  }
0x74: {  	_ =	shalt  }
0x75: {  	_ =	shalt  }
0x76: {  	_ =	shalt  }
0x77: {  	_ =	shalt  }
0x78: {  	_ =	shalt  }
0x79: {  	_ =	shalt  }
0x7a: {  	_ =	shalt  }
0x7b: {  	_ =	shalt  }
0x7c: {  	_ =	shalt  }
0x7d: {  	_ =	shalt  }
0x7e: {  	_ =	shalt  }
0x7f: {  	_ =	shalt  }
0x80: {  	_ =	shalt  }
0x81: {  	_ =	shalt  }
0x82: {  	_ =	shalt  }
0x83: {  	_ =	shalt  }
0x84: {  	_ =	shalt  }
0x85: {  	_ =	shalt  }
0x86: {  	_ =	shalt  }
0x87: {  	_ =	shalt  }
.Lfunc_end0:
.L_simem_size_0:
called_computation_lowered:
.L_overlay_start_0:
0x88: {  	s2 =	sld [smem:$0x3FD9]  }
0x89: {  	s3 =	sld [smem:$0x3FFE];
	_ =	sdelay $0x1  }
0x8a: {  	s1 =	srdreg.scid  }
0x8b: {  	s0 =	sand.u32 $0x1, s1  }
0x8c: {  	s17 =	sshll.u32 s0, $0xA;
	s2 =	sadd.s32 s3, s2  }
0x8d: {  	s2 =	sadd.s32 s2, s17  }
0x8e: {  	[smem:$0x3FC4] =	sst s2  }
0x8f: {  	_ = 	snop  }
0x90: {  	s2 =	sld [smem:$0x3FD0];
	(tm) =	ssettm $0x1  }
0x91: {  	s18 =	sld [smem:$0x3FFB];
	_ =	sdelay $0x3  }
0x92: {  	_ =	strace s18  }
0x93: {  	s3 =	sld [smem:$0x3FFC];
	_ =	sdelay $0x3  }
0x94: {  	_ =	strace s3  }
0x95: {  	s3 =	sld [smem:$0x3FFD];
	_ =	sdelay $0x3  }
0x96: {  	_ =	strace s3  }
0x97: {  	_ =	strace $0x8FFFFFFF  }
0x98: {  	s19 =	sld [smem:$0x3FDB];
	_ =	sdelay $0x1  }
0x99: {  	s4 =	simm.s32 $_scs_section_size  }
0x9a: {  	s5 =	simm.s32 $_size__tile_overlayer_lowered;
	s6 =	simm.s32 $_tile_overlayer_lowered  }
0x9b: {  	s22 =	simm.s32 $0x1BFF;
	s21 =	sshll.u32 s6, $0x1;
	s3 =	sadd.s32 s4, s19  }
0x9c: {  	s7 =	simm.s32 $0x0;
	s20 =	sshll.u32 s5, $0x1;
	s5 =	sadd.s32 s21, s3  }
0x9d: {  	[timem:s7], [sflag:s22] =	dma.local [hbm:s5], s20  }
0x9e: {  	_ =	swait.ge [sflag:s22], s20  }
0x9f: {  	s4 =	ssub.s32 $0x0, s20;
	[sflag:s22] =	ssyncset.done $0x0  }
0xa0: {  	[sflag:s22] =	ssyncadd.s32 s4;
	_ =	sdelay $0x1  }
0xa1: {  	s23 =	simm.s32 $0x1B8B  }
0xa2: {  	_ =	swait.ge [sflag:s23], $0x1  }
0xa3: {  	[sflag:s23] =	ssyncset.done $0x0  }
0xa4: {  	s25 =	simm.s32 $0x1B8E;
	s24 =	sld [smem:$0x3FFE];
	[sflag:s23] =	ssyncadd.s32 $0xFFFFFFFF  }
0xa5: {  	s26 =	simm.s32 $execute0_lowered;
	[smem:$0x3FD2] =	sst s25  }
0xa6: {  	s5 =	sshll.u32 s26, $0x1;
	_ =	strace $0x80000046;
	[dreg:$0x1] =	wrdreg $0xFFFFFFFF  }
0xa7: {  	s28 =	simm.s32 $_size_execute0_lowered;
	s3 =	sadd.s32 s3, s5;
	[dreg:$0x0] =	wrdreg $0x0  }
0xa8: {  	s5 =	sshll.u32 s28, $0x1;
	[dreg:$0x2] =	wrdreg s3  }
0xa9: {  	[dreg:$0x3] =	wrdreg s5  }
0xaa: {  	[dreg:$0x4] =	wrdreg $0xC0  }
0xab: {  	_ =	task [dreg:s7], $0x5FFFF  }
0xac: {  	[dreg:$0x1] =	wrdreg $0xFFFFFFFF  }
0xad: {  	[dreg:$0x0] =	wrdreg $0x60  }
0xae: {  	[dreg:$0x2] =	wrdreg s2  }
0xaf: {  	[dreg:$0x3] =	wrdreg s24  }
0xb0: {  	[dreg:$0x4] =	wrdreg $0x0  }
0xb1: {  	[dreg:$0x5] =	wrdreg $0x9  }
0xb2: {  	_ =	task.clear_ibuf [dreg:s7], $0x6FFFF;
	_ =	strace $0x90000046  }
0xb3: {  	s29 =	simm.s32 $0x9;
	_ =	strace $0x80000048  }
0xb4: {  	_ =	swait.ge [sflag:s29], $0x1  }
0xb5: {  	[sflag:s29] =	ssyncadd.s32 $0xFFFFFFFF  }
0xb6: {  	_ =	strace $0x90000048  }
0xb7: {  	_ =	sfence  }
0xb8: {  	s30 =	sld [smem:$0x0];
	_ =	sdelay $0x2  }
0xb9: {  	s31 =	sshll.u32 s1, $0xD;
	s1 =	sshrl.u32 s1, $0x2  }
0xba: {  	s3 =	sand.u32 $0x4000, s31;
	s1 =	sadd.s32 s1, s30  }
0xbb: {  	s0 =	sor.u32 s3, s0;
	s1 =	sshll.u32 s1, $0x11  }
0xbc: {  	s0 =	sor.u32 s1, s0  }
0xbd: {  	s0 =	sadd.s32 $0x8F2B, s0  }
0xbe: {  	[sflag:s0] =	ssyncadd.remote.s32 $0x1  }
0xbf: {  	_ =	sfence.sel $0xFFFF  }
0xc0: {  	[dreg:$0x0] =	wrdreg $0xFFFFFFFF;
	(pc) =	sbr.abs _section_cstart, $3  }
0xc1: {  	[dreg:$0x1] =	wrdreg $0xFFFFFFFF  }
0xc2: {  	_ =	task.clear_ibuf [dreg:s7], $0x2FFFF;
	_ =	strace $0x9FFFFFFF  }
0xc3: {  	(tm) =	ssettm $0x7FFFFFFF  }
tec
execute0_lowered:
.L_overlay_start_1:
0x0: {  	(tag) =	ssettag $0x1  }
0x1: {  	s8 =	rddreg [dreg:$0x0]  }
0x2: {  	s4 =	rddreg [dreg:$0x1];
	s1 =	srdreg.scid  }
0x3: {  	s0 =	stileid.u32;
	s2 =	rddreg [dreg:$0x2]  }
0x4: {  	s3 =	simm.s32 $0x0;
	s11 =	simm.s32 $0x1;
	s12 =	simm.s32 $0x80  }
0x5: {  	s13 =	simm.s32 $0x2A80;
	s14 =	simm.s32 $0x2;
	s15 =	simm.s32 $0x20  }
0x6: {  	s16 =	simm.s32 $0x10;
	s17 =	simm.s32 $0x0;
	s6 =	smul.u32 $0x500, s0  }
0x7: {  	s5 =	sand.u32 $0x1, s1;
	s1 =	rddreg [dreg:$0x3];
	s10 =	smul.u32 $0x4E, s0  }
0x8: {  	[smem:$0x7FF] =	sst s3;
	s30 =	smul.u32 $0xA00, s0;
	s7 =	sshll.u32 s5, $0x7  }
0x9: {  	_ =	strace $0x80000047;
	s26 =	ssub.s32 $0x2, s5;
	s28 =	smul.u32 $0x4E0, s5  }
0xa: {  	s5 =	sshll.u32 s5, $0x4;
	s6 =	sor.u32 s7, s6;
	s9 =	sshrl.u32 s26, $0x1  }
0xb: {  	s29 =	sor.u32 s0, s5;
	s5 =	sshrl.u32 s30, $0x2;
	s6 =	sshrl.u32 s6, $0x3  }
0xc: {  	s9 =	ssub.s32 s26, s9;
	p0 =	slt.u32 s29, $0x4;
	s7 =	sadd.s32 s10, s28  }
0xd: {  	s31 =	smin.u32 s29, $0x4;
	s6 =	sadd.s32 s6, s4;
	s4 =	simm.s32 $0x4F  }
0xe: {  	s5 =	sadd.s32 s5, s2;
	s7 =	sadd.s32 s31, s7;
	s4 =	simm.s32 @!p0 $0x4E  }
0xf: {  	s10 =	sshll.u32 s7, $0x4;
	s6 =	sadd.s32 $0xBA00, s6;
	s7 =	smax.u32 s9, $0x1  }
0x10: {  	v0 =	vimm.f32 $1.000000000e+00;
	v1 =	vimm.f32 $0.0e+00;
	s9 =	simm.s32 $0x2B00;
	s8 =	sadd.s32 s10, s8;
	s10 =	simm.s32 $0x3  }
.LBB2_1:
0x11: {  	[tilespmem:$0x2A80] =	vst v0  }
0x12: {  	[tilespmem:$0x2A90] =	vst v0  }
0x13: {  	[tilespmem:$0x2AA0] =	vst v0  }
0x14: {  	[tilespmem:$0x2AB0] =	vst v0  }
0x15: {  	[tilespmem:$0x2AC0] =	vst v0  }
0x16: {  	[tilespmem:$0x2AD0] =	vst v0  }
0x17: {  	[tilespmem:$0x2AE0] =	vst v0  }
0x18: {  	[tilespmem:$0x2AF0] =	vst v0  }
0x19: {  	[tilespmem:$0x2B00] =	vst v1  }
0x1a: {  	[tilespmem:$0x2B10] =	vst v1  }
0x1b: {  	[tilespmem:$0x2B20] =	vst v1  }
0x1c: {  	[tilespmem:$0x2B30] =	vst v1  }
0x1d: {  	[tilespmem:$0x2B40] =	vst v1  }
0x1e: {  	[tilespmem:$0x2B50] =	vst v1  }
0x1f: {  	[tilespmem:$0x2B60] =	vst v1  }
0x20: {  	[tilespmem:$0x2B70] =	vst v1  }
0x21: {  	[tilespmem:$0x2B80] =	vst v1  }
0x22: {  	[tilespmem:$0x2B90] =	vst v1  }
0x23: {  	[tilespmem:$0x2BA0] =	vst v1  }
0x24: {  	[tilespmem:$0x2BB0] =	vst v1  }
0x25: {  	[tilespmem:$0x2BC0] =	vst v1  }
0x26: {  	[tilespmem:$0x2BD0] =	vst v1  }
0x27: {  	[tilespmem:$0x2BE0] =	vst v1  }
0x28: {  	[tilespmem:$0x2BF0] =	vst v1  }
0x29: {  	[tilespmem:$0x2C00] =	vst v1  }
0x2a: {  	[tilespmem:$0x2C10] =	vst v1  }
0x2b: {  	[tilespmem:$0x2C20] =	vst v1  }
0x2c: {  	[tilespmem:$0x2C30] =	vst v1  }
0x2d: {  	[tilespmem:$0x2C40] =	vst v1  }
0x2e: {  	[tilespmem:$0x2C50] =	vst v1  }
0x2f: {  	[tilespmem:$0x2C60] =	vst v1  }
0x30: {  	[tilespmem:$0x2C70] =	vst v1  }
0x31: {  	[tilespmem:$0x2C80] =	vst v1  }
0x32: {  	[tilespmem:$0x2C90] =	vst v1  }
0x33: {  	[tilespmem:$0x2CA0] =	vst v1  }
0x34: {  	[tilespmem:$0x2CB0] =	vst v1  }
0x35: {  	[tilespmem:$0x2CC0] =	vst v1  }
0x36: {  	[tilespmem:$0x2CD0] =	vst v1  }
0x37: {  	[tilespmem:$0x2CE0] =	vst v1  }
0x38: {  	[tilespmem:$0x2CF0] =	vst v1  }
0x39: {  	[tilespmem:$0x2D00] =	vst v1  }
0x3a: {  	[tilespmem:$0x2D10] =	vst v1  }
0x3b: {  	[tilespmem:$0x2D20] =	vst v1  }
0x3c: {  	[tilespmem:$0x2D30] =	vst v1  }
0x3d: {  	[tilespmem:$0x2D40] =	vst v1  }
0x3e: {  	[tilespmem:$0x2D50] =	vst v1  }
0x3f: {  	[tilespmem:$0x2D60] =	vst v1  }
0x40: {  	[tilespmem:$0x2D70] =	vst v1;
	p0 =	sne.s32 s4, $0x1  }
0x41: {  	[spmem:s5] =	stream.linear.scatter [tilespmem:s9], [sflag:$0x3], $0x280, $0x38;
	[tilespmem:$0x2D80] =	vst v63  }
.Ltmp0:
0x42: {  	_ = 	snop;
	(pc) =	sbr.rel @!p0 .LBB2_3-.Ltmp0, $4  }
0x43: {  	_ =	swait.ge [sflag:s10], $0x280  }
0x44: {  	s18 =	simm.s32 $0x280;
	[sflag:s10] =	ssyncset.done $0x0  }
0x45: {  	s19 =	sadd.s32 $0xFFFFFFFF, s4;
	s20 =	smov.u32 s8;
	[sflag:s10] =	ssyncadd.s32 $0xFFFFFD80  }
0x46: {  	[tilespmem:s18], [sflag:$0x1] =	stream.linear.gather [hbm4b:s8+s3], $0x80, $0x38;
	[tilespmem:$0x2D80] =	vst v63  }
.LBB2_2:
0x47: {  	p1 =	sne.s32 s19, $0x1  }
.Ltmp1:
0x48: {  	_ = 	snop;
	(pc) =	sbr.rel @p1 .LBB2_2-.Ltmp1, $4  }
0x49: {  	_ = 	snop  }
0x4a: {  	s18 =	sadd.s32 $0x80, s18;
	s20 =	sadd.s32 $0x10, s20  }
0x4b: {  	s19 =	sadd.s32 $0xFFFFFFFF, s19  }
0x4c: {  	[tilespmem:s18], [sflag:$0x1] =	stream.linear.gather [hbm4b:s20+s3], $0x80, $0x38;
	[tilespmem:$0x2D80] =	vst v63  }
.LBB2_3:
.Ltmp2:
0x4d: {  	(pc) =	sbr.rel @!p0 .LBB2_5-.Ltmp2, $3  }
0x4e: {  	_ =	sdelay $0x1  }
0x4f: {  	_ =	swait.ge [sflag:s11], $0x80  }
0x50: {  	s18 =	sadd.s32 $0xFFFFFFFF, s4;
	[sflag:s11] =	ssyncset.done $0x0  }
.LBB2_4:
0x51: {  	p1 =	sne.s32 s18, $0x1;
	s18 =	sadd.s32 $0xFFFFFFFF, s18;
	[sflag:s11] =	ssyncadd.s32 $0xFFFFFF80  }
.Ltmp3:
0x52: {  	(pc) =	sbr.rel @p1 .LBB2_4-.Ltmp3, $3  }
0x53: {  	_ =	sdelay $0x1  }
0x54: {  	_ =	swait.ge [sflag:s11], $0x80  }
0x55: {  	[sflag:s11] =	ssyncset.done $0x0  }
.LBB2_5:
.Ltmp4:
0x56: {  	(pc) =	sbr.rel @!p0 .LBB2_7-.Ltmp4, $4  }
0x57: {  	_ = 	snop  }
0x58: {  	[sflag:s11] =	ssyncadd.s32 $0xFFFFFF80  }
0x59: {  	s18 =	simm.s32 $0x280;
	s19 =	sadd.s32 $0xFFFFFFFF, s4;
	[bflag:$0x0] =	sbarrier.arrive $0xFFFF  }
0x5a: {  	[spmem:s2] =	stream.indirect.scatter.add.f32 [tilespmem:s13], [sflag:$0x2], $0x1, s18, s12, $0xb8;
	[tilespmem:$0x2D80] =	vst v63  }
.LBB2_6:
0x5b: {  	p1 =	sne.s32 s19, $0x1  }
.Ltmp5:
0x5c: {  	_ = 	snop;
	(pc) =	sbr.rel @p1 .LBB2_6-.Ltmp5, $3  }
0x5d: {  	_ = 	snop  }
0x5e: {  	s19 =	sadd.s32 $0xFFFFFFFF, s19;
	s18 =	sadd.s32 $0x80, s18;
	_ =	sdelay $0x1  }
0x5f: {  	[spmem:s2] =	stream.indirect.scatter.add.f32 [tilespmem:s13], [sflag:$0x2], $0x1, s18, s12, $0xb8;
	[tilespmem:$0x2D80] =	vst v63  }
.LBB2_7:
.Ltmp6:
0x60: {  	(pc) =	sbr.rel @!p0 .LBB2_9-.Ltmp6, $3  }
0x61: {  	_ =	sdelay $0x1  }
0x62: {  	_ =	swait.ge [sflag:s14], $0x80  }
0x63: {  	s18 =	sadd.s32 $0xFFFFFFFF, s4;
	[sflag:s14] =	ssyncset.done $0x0  }
.LBB2_8:
0x64: {  	p0 =	sne.s32 s18, $0x1;
	s18 =	sadd.s32 $0xFFFFFFFF, s18;
	[sflag:s14] =	ssyncadd.s32 $0xFFFFFF80  }
.Ltmp7:
0x65: {  	(pc) =	sbr.rel @p0 .LBB2_8-.Ltmp7, $3  }
0x66: {  	_ =	sdelay $0x1  }
0x67: {  	_ =	swait.ge [sflag:s14], $0x80  }
0x68: {  	[sflag:s14] =	ssyncset.done $0x0  }
.LBB2_9:
0x69: {  	[sflag:s14] =	ssyncadd.s32 $0xFFFFFF80;
	s17 =	sadd.s32 $0x1, s17  }
0x6a: {  	s18 =	sshll.u32 s0, $0x6;
	s19 =	sshrl.u32 s5, $0x3;
	p0 =	sne.s32 s17, s7  }
.Ltmp8:
0x6b: {  	[bflag:$0x0] =	sbarrier.arrive $0xFFFF;
	s18 =	sor.u32 $0x1C03, s18;
	(pc) =	sbr.rel @p0 .LBB2_1-.Ltmp8, $4  }
0x6c: {  	[hbm:s6@s15], [sflag:s18] =	dma.strided [spmem:s19@s16], $0x50, s11, $0x10   }
0x6d: {  	_ =	swait.ge [sflag:s10], $0x50  }
0x6e: {  	[sflag:s10] =	ssyncset.done $0x0  }
0x6f: {  	[sflag:s10] =	ssyncadd.s32 $0xFFFFFFB0  }
0x70: {  	_ =	sfence.sel $0x180000  }
0x71: {  	[bflag:$0x0] =	sbarrier.arrive $0xFFFF  }
0x72: {  	p0 =	sne.s32 s0, $0x0;
	_ =	strace $0x90000047  }
0x73: {  	s0 =	sadd.s32 @!p0 $0x100000, s1;
	[bflag:$0x2] =	sbarrier.arrive $0xFFFF  }
0x74: {  	[sflag:s0] =	ssyncadd.tile.s32 @!p0 $0x1;
	_ =	shalt  }
.Lfunc_end2:
_tile_overlayer_lowered:
.L_overlay_start_2:
0x75: {  	(tag) =	ssettag $0x2  }
0x76: {  	s0 =	rddreg [dreg:$0x0];
	s2 =	stileid.u32  }
0x77: {  	s1 =	rddreg [dreg:$0x1];
	p0 =	sne.s32 s2, $0x0  }
0x78: {  	s3 =	rddreg [dreg:$0x2];
	[bflag:$0x3] =	sbarrier.arrive $0xFFFF;
	s2 =	simm.s32 @!p0 $0x1C03  }
0x79: {  	[timem:s3], [sflag:s2] =	dma.local @!p0 [hbm:s0], s1  }
0x7a: {  	s0 =	simm.s32 @!p0 $0x3  }
0x7b: {  	_ =	swait.ge @!p0 [sflag:s0], s1  }
0x7c: {  	s1 =	ssub.s32 @!p0 $0x0, s1;
	[sflag:s0] =	ssyncset.done @!p0 $0x0  }
0x7d: {  	[sflag:s0] =	ssyncadd.s32 @!p0 s1  }
0x7e: {  	[bflag:$0x3] =	sbarrier.arrive $0xFFFF  }
0x7f: {  	_ =	shalt  }

// kernel: kernel.9.cloned.1.call-start
scs
__scs_entry_jumppad:
0x0: {  	(pc) =	sbr.rel $0x88, $3  }
0x1: {  	(tag) =	ssettag $0x0;
	lr =	simm.s32 $0x1  }
0x2: {  	[smem:$0x3F9D] =	sst lr;
	_ =	strace $0xD0000000  }
0x3: {  	_ = 	snop  }
0x4: {  	_ = 	snop  }
0x5: {  	_ = 	snop  }
0x6: {  	_ = 	snop  }
0x7: {  	_ = 	snop  }
__scs_overlays_trampoline_lowered:
0x8: {  	[smem:$0x3FAC] =	sst s0  }
0x9: {  	[smem:$0x3FAD] =	sst s1  }
0xa: {  	[smem:$0x3FAE] =	sst s2  }
0xb: {  	[smem:$0x3FAF] =	sst s3  }
0xc: {  	[smem:$0x3FB0] =	sst s4  }
0xd: {  	[smem:$0x3FB1] =	sst s5  }
0xe: {  	[smem:$0x3FB2] =	sst s6  }
0xf: {  	[smem:$0x3FB3] =	sst s7  }
0x10: {  	[smem:$0x3FB4] =	sst s8  }
0x11: {  	[smem:$0x3FB5] =	sst s9;
	s0 =	simm.s32 @!p0 $0x0  }
0x12: {  	s1 =	sld [smem:$0x3F9B];
	s0 =	simm.s32 @p0 $0x1  }
0x13: {  	[smem:$0x3FB6] =	sst s0;
	s0 =	simm.s32 @!p1 $0x0  }
0x14: {  	s2 =	sld [smem:$0x3F9A];
	s0 =	simm.s32 @p1 $0x1  }
0x15: {  	[smem:$0x3FB7] =	sst s0;
	s0 =	simm.s32 @!p2 $0x0  }
0x16: {  	s3 =	sld [smem:$0x3FDB];
	s0 =	simm.s32 @p2 $0x1  }
0x17: {  	s4 =	simm.s32 $0x1BF5;
	[smem:$0x3FB9] =	sst s0  }
0x18: {  	s0 =	sld [smem:$0x3F9C];
	_ =	swait.ge [sflag:s4], $0x0  }
0x19: {  	s7 =	sld [smem:$0x3F9D]  }
0x1a: {  	s8 =	sadd.s32 $0xFFFFE003, lr  }
0x1b: {  	s9 =	sadd.s32 $0xFFFFFEF7, lr;
	s5 =	simm.s32 $0xFFFFFFFF;
	p2 =	slt.u32 s8, $0xFFFFF086  }
0x1c: {  	p1 =	slt.u32 s9, $0xF7A;
	s5 =	simm.s32 @!p2 $0x0  }
0x1d: {  	s5 =	simm.s32 @p1 $0x1;
	p0 =	seq.s32 s7, s2  }
0x1e: {  	s7 =	smul.u32 @!p0 $0xF7A, s2;
	p2 =	seq.s32 @!p0 s5, $0x0  }
0x1f: {  	s9 =	smul.u32 $0xF7A, s1;
	s8 =	simm.s32 @!p0 $0x1BF5;
	p2 =	por !p2, p0  }
0x20: {  	[sflag:s8] =	ssyncset.s32 @!p0 $0xFFFFF086;
	s6 =	sadd.s32 @!p0 s3, s7;
	s7 =	simm.s32 @!p0 $0x108  }
0x21: {  	s3 =	sadd.s32 s3, s9;
	s6 =	sadd.s32 @!p0 $0x88, s6;
	s7 =	simm.s32 @p2 $0x1082  }
0x22: {  	[simem:s7], [sflag:s8] =	dma.local @!p0 [hbm:s6], $0xF7A  }
0x23: {  	s9 =	sor.u32 $0xD0000000, s2;
	s6 =	simm.s32 $0x108;
	_ =	swait.ge @!p0 [sflag:s8], $0x0  }
0x24: {  	s3 =	sadd.s32 $0x88, s3;
	s6 =	simm.s32 @!p1 $0x1082;
	[sflag:s4] =	ssyncset.s32 $0xFFFFF086  }
0x25: {  	[simem:s6], [sflag:s4] =	dma.local [hbm:s3], $0xF7A  }
0x26: {  	[smem:$0x3F9D] =	sst s1;
	(tag) =	ssettag s2;
	_ =	strace s9  }
0x27: {  	s1 =	sld [smem:$0x3FAD]  }
0x28: {  	s2 =	sld [smem:$0x3FAE]  }
0x29: {  	s4 =	sld [smem:$0x3FB0]  }
0x2a: {  	p0 =	seq.s32 s5, $0x0;
	s5 =	sld [smem:$0x3FB1]  }
0x2b: {  	s6 =	sld [smem:$0x3FB2]  }
0x2c: {  	s7 =	sld [smem:$0x3FB3]  }
0x2d: {  	s3 =	simm.s32 $0x108;
	s8 =	sld [smem:$0x3FB4]  }
0x2e: {  	s3 =	simm.s32 @!p0 $0x1082;
	s9 =	sld [smem:$0x3FB5]  }
0x2f: {  	lr =	sadd.s32 s0, s3;
	s0 =	sld [smem:$0x3FAC]  }
0x30: {  	s3 =	sld [smem:$0x3FAF]  }
0x31: {  	[smem:$0x3FB8] =	sst s10  }
0x32: {  	s10 =	sld [smem:$0x3FB6];
	_ =	sdelay $0x3  }
0x33: {  	p0 =	seq.s32 s10, $0x1;
	s10 =	sld [smem:$0x3FB8];
	_ =	sdelay $0x3  }
0x34: {  	[smem:$0x3FB8] =	sst s10  }
0x35: {  	s10 =	sld [smem:$0x3FB7];
	_ =	sdelay $0x3  }
0x36: {  	p1 =	seq.s32 s10, $0x1;
	s10 =	sld [smem:$0x3FB8];
	_ =	sdelay $0x3  }
0x37: {  	[smem:$0x3FB8] =	sst s10  }
0x38: {  	s10 =	sld [smem:$0x3FB9]  }
0x39: {  	_ = 	snop;
	(pc) =	sbr.ind lr, $3  }
0x3a: {  	_ = 	snop  }
0x3b: {  	_ = 	snop  }
0x3c: {  	p2 =	seq.s32 s10, $0x1;
	s10 =	sld [smem:$0x3FB8]  }
0x3d: {  	_ =	shalt  }
0x3e: {  	_ =	shalt  }
0x3f: {  	_ =	shalt  }
0x40: {  	_ =	shalt  }
0x41: {  	_ =	shalt  }
0x42: {  	_ =	shalt  }
0x43: {  	_ =	shalt  }
0x44: {  	_ =	shalt  }
0x45: {  	_ =	shalt  }
0x46: {  	_ =	shalt  }
0x47: {  	_ =	shalt  }
0x48: {  	_ =	shalt  }
0x49: {  	_ =	shalt  }
0x4a: {  	_ =	shalt  }
0x4b: {  	_ =	shalt  }
0x4c: {  	_ =	shalt  }
0x4d: {  	_ =	shalt  }
0x4e: {  	_ =	shalt  }
0x4f: {  	_ =	shalt  }
0x50: {  	_ =	shalt  }
0x51: {  	_ =	shalt  }
0x52: {  	_ =	shalt  }
0x53: {  	_ =	shalt  }
0x54: {  	_ =	shalt  }
0x55: {  	_ =	shalt  }
0x56: {  	_ =	shalt  }
0x57: {  	_ =	shalt  }
0x58: {  	_ =	shalt  }
0x59: {  	_ =	shalt  }
0x5a: {  	_ =	shalt  }
0x5b: {  	_ =	shalt  }
0x5c: {  	_ =	shalt  }
0x5d: {  	_ =	shalt  }
0x5e: {  	_ =	shalt  }
0x5f: {  	_ =	shalt  }
0x60: {  	_ =	shalt  }
0x61: {  	_ =	shalt  }
0x62: {  	_ =	shalt  }
0x63: {  	_ =	shalt  }
0x64: {  	_ =	shalt  }
0x65: {  	_ =	shalt  }
0x66: {  	_ =	shalt  }
0x67: {  	_ =	shalt  }
0x68: {  	_ =	shalt  }
0x69: {  	_ =	shalt  }
0x6a: {  	_ =	shalt  }
0x6b: {  	_ =	shalt  }
0x6c: {  	_ =	shalt  }
0x6d: {  	_ =	shalt  }
0x6e: {  	_ =	shalt  }
0x6f: {  	_ =	shalt  }
0x70: {  	_ =	shalt  }
0x71: {  	_ =	shalt  }
0x72: {  	_ =	shalt  }
0x73: {  	_ =	shalt  }
0x74: {  	_ =	shalt  }
0x75: {  	_ =	shalt  }
0x76: {  	_ =	shalt  }
0x77: {  	_ =	shalt  }
0x78: {  	_ =	shalt  }
0x79: {  	_ =	shalt  }
0x7a: {  	_ =	shalt  }
0x7b: {  	_ =	shalt  }
0x7c: {  	_ =	shalt  }
0x7d: {  	_ =	shalt  }
0x7e: {  	_ =	shalt  }
0x7f: {  	_ =	shalt  }
0x80: {  	_ =	shalt  }
0x81: {  	_ =	shalt  }
0x82: {  	_ =	shalt  }
0x83: {  	_ =	shalt  }
0x84: {  	_ =	shalt  }
0x85: {  	_ =	shalt  }
0x86: {  	_ =	shalt  }
0x87: {  	_ =	shalt  }
.Lfunc_end0:
.L_simem_size_0:
called_computation.1_lowered:
.L_overlay_start_0:
0x88: {  	s2 =	sld [smem:$0x3FD9]  }
0x89: {  	s3 =	sld [smem:$0x3FFE];
	_ =	sdelay $0x1  }
0x8a: {  	s1 =	srdreg.scid  }
0x8b: {  	s0 =	sand.u32 $0x1, s1  }
0x8c: {  	s17 =	sshll.u32 s0, $0xA;
	s2 =	sadd.s32 s3, s2  }
0x8d: {  	s2 =	sadd.s32 s2, s17  }
0x8e: {  	[smem:$0x3FC4] =	sst s2  }
0x8f: {  	_ = 	snop  }
0x90: {  	s2 =	sld [smem:$0x3FD0];
	(tm) =	ssettm $0x1  }
0x91: {  	s18 =	sld [smem:$0x3FFB];
	_ =	sdelay $0x3  }
0x92: {  	_ =	strace s18  }
0x93: {  	s3 =	sld [smem:$0x3FFC];
	_ =	sdelay $0x3  }
0x94: {  	_ =	strace s3  }
0x95: {  	s3 =	sld [smem:$0x3FFD];
	_ =	sdelay $0x3  }
0x96: {  	_ =	strace s3  }
0x97: {  	_ =	strace $0x8FFFFFFF  }
0x98: {  	s19 =	sld [smem:$0x3FDB];
	_ =	sdelay $0x1  }
0x99: {  	s4 =	simm.s32 $_scs_section_size  }
0x9a: {  	s5 =	simm.s32 $_size__tile_overlayer_lowered;
	s6 =	simm.s32 $_tile_overlayer_lowered  }
0x9b: {  	s22 =	simm.s32 $0x1BFF;
	s21 =	sshll.u32 s6, $0x1;
	s3 =	sadd.s32 s4, s19  }
0x9c: {  	s7 =	simm.s32 $0x0;
	s20 =	sshll.u32 s5, $0x1;
	s5 =	sadd.s32 s21, s3  }
0x9d: {  	[timem:s7], [sflag:s22] =	dma.local [hbm:s5], s20  }
0x9e: {  	_ =	swait.ge [sflag:s22], s20  }
0x9f: {  	s4 =	ssub.s32 $0x0, s20;
	[sflag:s22] =	ssyncset.done $0x0  }
0xa0: {  	[sflag:s22] =	ssyncadd.s32 s4;
	_ =	sdelay $0x1  }
0xa1: {  	s23 =	simm.s32 $0x1B8B  }
0xa2: {  	_ =	swait.ge [sflag:s23], $0x1  }
0xa3: {  	[sflag:s23] =	ssyncset.done $0x0  }
0xa4: {  	s25 =	simm.s32 $0x1B8E;
	s24 =	sld [smem:$0x3FFE];
	[sflag:s23] =	ssyncadd.s32 $0xFFFFFFFF  }
0xa5: {  	s26 =	simm.s32 $execute0_lowered;
	[smem:$0x3FD2] =	sst s25  }
0xa6: {  	s5 =	sshll.u32 s26, $0x1;
	_ =	strace $0x80000049;
	[dreg:$0x1] =	wrdreg $0xFFFFFFFF  }
0xa7: {  	s28 =	simm.s32 $_size_execute0_lowered;
	s3 =	sadd.s32 s3, s5;
	[dreg:$0x0] =	wrdreg $0x0  }
0xa8: {  	s5 =	sshll.u32 s28, $0x1;
	[dreg:$0x2] =	wrdreg s3  }
0xa9: {  	[dreg:$0x3] =	wrdreg s5  }
0xaa: {  	[dreg:$0x4] =	wrdreg $0xC0  }
0xab: {  	_ =	task [dreg:s7], $0x5FFFF  }
0xac: {  	[dreg:$0x1] =	wrdreg $0xFFFFFFFF  }
0xad: {  	[dreg:$0x0] =	wrdreg $0x60  }
0xae: {  	[dreg:$0x2] =	wrdreg s24  }
0xaf: {  	[dreg:$0x3] =	wrdreg s2  }
0xb0: {  	[dreg:$0x4] =	wrdreg $0x0  }
0xb1: {  	[dreg:$0x5] =	wrdreg $0x9  }
0xb2: {  	_ =	task.clear_ibuf [dreg:s7], $0x6FFFF;
	_ =	strace $0x90000049  }
0xb3: {  	s29 =	simm.s32 $0x9;
	_ =	strace $0x8000004B  }
0xb4: {  	_ =	swait.ge [sflag:s29], $0x1  }
0xb5: {  	[sflag:s29] =	ssyncadd.s32 $0xFFFFFFFF  }
0xb6: {  	_ =	strace $0x9000004B  }
0xb7: {  	_ =	sfence  }
0xb8: {  	s30 =	sld [smem:$0x0];
	_ =	sdelay $0x2  }
0xb9: {  	s31 =	sshll.u32 s1, $0xD;
	s1 =	sshrl.u32 s1, $0x2  }
0xba: {  	s3 =	sand.u32 $0x4000, s31;
	s1 =	sadd.s32 s1, s30  }
0xbb: {  	s0 =	sor.u32 s3, s0;
	s1 =	sshll.u32 s1, $0x11  }
0xbc: {  	s0 =	sor.u32 s1, s0  }
0xbd: {  	s0 =	sadd.s32 $0x8F2B, s0  }
0xbe: {  	[sflag:s0] =	ssyncadd.remote.s32 $0x1  }
0xbf: {  	_ =	sfence.sel $0xFFFF  }
0xc0: {  	[dreg:$0x0] =	wrdreg $0xFFFFFFFF;
	(pc) =	sbr.abs _section_cstart, $3  }
0xc1: {  	[dreg:$0x1] =	wrdreg $0xFFFFFFFF  }
0xc2: {  	_ =	task.clear_ibuf [dreg:s7], $0x2FFFF;
	_ =	strace $0x9FFFFFFF  }
0xc3: {  	(tm) =	ssettm $0x7FFFFFFF  }
tec
execute0_lowered:
.L_overlay_start_1:
0x0: {  	(tag) =	ssettag $0x1  }
0x1: {  	s4 =	rddreg [dreg:$0x0]  }
0x2: {  	s5 =	rddreg [dreg:$0x1];
	s0 =	srdreg.scid  }
0x3: {  	s1 =	rddreg [dreg:$0x2];
	s2 =	simm.s32 $0x0;
	s22 =	stileid.u32  }
0x4: {  	s3 =	simm.s32 $0xA3;
	s0 =	sand.u32 $0x1, s0;
	s7 =	smul.u32 $0xA2, s22  }
0x5: {  	[smem:$0x7FF] =	sst s2;
	s8 =	sadd.s32 $0x1C00, s4;
	s10 =	smul.u32 $0x96, s22  }
0x6: {  	p1 =	slt.u32 s22, $0x8;
	s30 =	smin.u32 s22, $0x8;
	s6 =	smul.u32 $0x27180, s0  }
0x7: {  	s9 =	ssub.s32 $0x2, s0;
	p0 =	seq.s32 s0, $0x0;
	s3 =	simm.s32 @!p1 $0xA2  }
0x8: {  	s0 =	sadd.s32 s30, s7;
	s7 =	sadd.s32 $0xA28, s10;
	s11 =	sshrl.u32 s9, $0x1  }
0x9: {  	s3 =	simm.s32 @!p0 $0x96;
	s7 =	smov.u32 @p0 s0;
	s0 =	ssub.s32 s9, s11  }
0xa: {  	s11 =	smul.u32 $0xCD, s3;
	s6 =	sadd.s32 s6, s4;
	s7 =	sshll.u32 s7, $0x3  }
0xb: {  	p0 =	seq.s32 s22, $0xF;
	s0 =	smax.u32 s0, $0x1;
	s29 =	sadd.s32 s8, s7  }
0xc: {  	s30 =	sadd.s32 s5, s7;
	s12 =	sadd.s32 $0x8, s7;
	s14 =	sadd.s32 $0x10, s7  }
0xd: {  	s16 =	sadd.s32 $0x18, s7;
	s18 =	sadd.s32 $0x20, s7;
	s13 =	sadd.s32 s8, s12  }
0xe: {  	s20 =	sadd.s32 $0x28, s7;
	s9 =	sadd.s32 s5, s12;
	[dreg:$0x6] =	wrdreg s13  }
0xf: {  	s23 =	sadd.s32 $0x30, s7;
	s15 =	sadd.s32 s8, s14;
	[dreg:$0x7] =	wrdreg s9  }
0x10: {  	s25 =	sadd.s32 $0xFFFFFE66, s11;
	s17 =	sadd.s32 s8, s16;
	[dreg:$0x8] =	wrdreg s15  }
0x11: {  	s7 =	sadd.s32 $0x38, s7;
	s19 =	sadd.s32 s8, s18;
	[dreg:$0xa] =	wrdreg s17  }
0x12: {  	s11 =	sadd.s32 $0xFFFFFF33, s11;
	s21 =	sadd.s32 s8, s20;
	[dreg:$0xc] =	wrdreg s19  }
0x13: {  	s10 =	sadd.s32 s5, s20;
	s24 =	sadd.s32 s8, s23;
	[dreg:$0xe] =	wrdreg s21  }
0x14: {  	s26 =	sshrl.u32 s25, $0xA;
	s8 =	sadd.s32 s8, s7;
	[dreg:$0xf] =	wrdreg s10  }
0x15: {  	s12 =	smul.u32 $0x4F000, s22;
	s25 =	sadd.s32 $0x33A00, s6;
	[dreg:$0x10] =	wrdreg s24  }
0x16: {  	s9 =	sadd.s32 s5, s14;
	[dreg:$0x12] =	wrdreg s8;
	s28 =	smul.u32 $0x5, s26  }
0x17: {  	s21 =	sadd.s32 $0xBA00, s4;
	[dreg:$0x9] =	wrdreg s9;
	s9 =	sadd.s32 s5, s16  }
0x18: {  	s8 =	smul.u32 $0x278, s22;
	s14 =	sshrl.u32 s12, $0x2;
	[dreg:$0xb] =	wrdreg s9  }
0x19: {  	s9 =	sadd.s32 s5, s18;
	s15 =	ssub.s32 s3, s28;
	s31 =	sadd.s32 s14, s1  }
0x1a: {  	s17 =	sadd.s32 $0x40, s8;
	s20 =	sadd.s32 $0x80, s8;
	s24 =	sadd.s32 $0xC0, s8  }
0x1b: {  	s28 =	sadd.s32 $0x100, s8;
	[dreg:$0xd] =	wrdreg s9;
	s9 =	sadd.s32 s5, s23  }
0x1c: {  	s5 =	sadd.s32 s5, s7;
	s16 =	sadd.s32 $0xFFFFFFFE, s15;
	s19 =	sshll.u32 s17, $0x7  }
0x1d: {  	s6 =	sshll.u32 s17, $0x4;
	s23 =	sshll.u32 s20, $0x7;
	s26 =	sshll.u32 s24, $0x7  }
0x1e: {  	s12 =	sshll.u32 s28, $0x7;
	s15 =	sadd.s32 $0x180, s8;
	[dreg:$0x11] =	wrdreg s9  }
0x1f: {  	[dreg:$0x13] =	wrdreg s5;
	s10 =	sadd.s32 s26, s1;
	s26 =	smul.u32 $0x2780, s22  }
0x20: {  	s22 =	sadd.s32 $0xC000, s31;
	_ =	strace $0x8000004A;
	[dreg:$0x14] =	wrdreg s0  }
0x21: {  	s7 =	sadd.s32 s23, s1;
	s23 =	sadd.s32 $0xE000, s31;
	[smem:$0x7F2] =	sst s22  }
0x22: {  	s17 =	sadd.s32 $0x1C0, s8;
	s9 =	sshrl.u32 s11, $0xA;
	[smem:$0x7F3] =	sst s23  }
0x23: {  	s4 =	sand.u32 $0xFF, s16;
	s12 =	sadd.s32 s12, s1;
	[dreg:$0x5] =	wrdreg s30  }
0x24: {  	s11 =	sshll.u32 s28, $0x4;
	s16 =	sshll.u32 s15, $0x7;
	[dreg:$0x4] =	wrdreg s29  }
0x25: {  	s13 =	smul.u32 $0x5, s9;
	s4 =	sadd.s32 $0x1A, s4;
	[smem:$0x7FC] =	sst s31  }
0x26: {  	s9 =	sshll.u32 s24, $0x4;
	s24 =	sadd.s32 $0x10000, s31;
	[smem:$0x7E7] =	sst s4  }
0x27: {  	s15 =	sshll.u32 s15, $0x4;
	s0 =	sadd.s32 @!p0 s26, s25;
	[smem:$0x7F4] =	sst s24  }
0x28: {  	s4 =	sadd.s32 s19, s1;
	s26 =	sadd.s32 $0x12000, s31;
	[dreg:$0x15] =	wrdreg s0  }
0x29: {  	s5 =	sxor.u32 $0xFFFFFFFF, s13;
	s0 =	sadd.s32 @!p0 s6, s25;
	[smem:$0x7F5] =	sst s26  }
0x2a: {  	s26 =	sadd.s32 $0x138400, s1;
	s5 =	sadd.s32 s3, s5;
	[dreg:$0x16] =	wrdreg s0  }
0x2b: {  	s0 =	sshrl.u32 @!p0 s4, $0x3;
	[smem:$0x7FD] =	sst s26;
	s5 =	sand.u32 $0xFF, s5  }
0x2c: {  	[dreg:$0x17] =	wrdreg s0;
	s18 =	sadd.s32 $0x1A, s5;
	s5 =	sshll.u32 s20, $0x4  }
0x2d: {  	s16 =	sadd.s32 s16, s1;
	[smem:$0x7E8] =	sst s18;
	s0 =	sadd.s32 @!p0 s5, s25  }
0x2e: {  	s22 =	sadd.s32 $0x136400, s1;
	[dreg:$0x18] =	wrdreg s0;
	s0 =	sshrl.u32 @!p0 s7, $0x3  }
0x2f: {  	s19 =	sadd.s32 $0x200, s8;
	[dreg:$0x19] =	wrdreg s0;
	s0 =	sadd.s32 @!p0 s9, s25  }
0x30: {  	s13 =	sadd.s32 $0x140, s8;
	[dreg:$0x1a] =	wrdreg s0;
	s0 =	sshrl.u32 @!p0 s10, $0x3  }
0x31: {  	s14 =	sshll.u32 s13, $0x7;
	[dreg:$0x1b] =	wrdreg s0;
	s0 =	sadd.s32 @!p0 s11, s25  }
0x32: {  	s13 =	sshll.u32 s13, $0x4;
	[dreg:$0x1c] =	wrdreg s0;
	s0 =	sshrl.u32 @!p0 s12, $0x3  }
0x33: {  	s14 =	sadd.s32 s14, s1;
	[dreg:$0x1d] =	wrdreg s0;
	s0 =	sadd.s32 @!p0 s13, s25  }
0x34: {  	s8 =	sadd.s32 $0x240, s8;
	[dreg:$0x1e] =	wrdreg s0;
	s0 =	sshrl.u32 @!p0 s14, $0x3  }
0x35: {  	s28 =	sshll.u32 s8, $0x7;
	s14 =	sadd.s32 $0x2000, s31;
	[dreg:$0x1f] =	wrdreg s0  }
0x36: {  	s8 =	sshll.u32 s8, $0x4;
	s0 =	sadd.s32 @!p0 s15, s25;
	[smem:$0x7ED] =	sst s14  }
0x37: {  	s28 =	sadd.s32 s28, s1;
	s15 =	sadd.s32 $0x4000, s31;
	[smem:$0x7E9] =	sst s0  }
0x38: {  	s18 =	sshll.u32 s17, $0x7;
	s0 =	sshrl.u32 @!p0 s16, $0x3;
	[smem:$0x7EE] =	sst s15  }
0x39: {  	s17 =	sshll.u32 s17, $0x4;
	s16 =	sadd.s32 $0x6000, s31;
	[smem:$0x7EA] =	sst s0  }
0x3a: {  	s20 =	sshll.u32 s19, $0x7;
	s0 =	sadd.s32 @!p0 s17, s25;
	[smem:$0x7EF] =	sst s16  }
0x3b: {  	s18 =	sadd.s32 s18, s1;
	s17 =	sadd.s32 $0x8000, s31;
	[smem:$0x7EB] =	sst s0  }
0x3c: {  	s19 =	sshll.u32 s19, $0x4;
	s0 =	sshrl.u32 @!p0 s18, $0x3;
	[smem:$0x7F0] =	sst s17  }
0x3d: {  	s20 =	sadd.s32 s20, s1;
	s18 =	sadd.s32 $0xA000, s31;
	[smem:$0x7EC] =	sst s0  }
0x3e: {  	s11 =	sadd.s32 $0x128400, s1;
	[smem:$0x7F1] =	sst s18;
	s0 =	sadd.s32 @!p0 s19, s25  }
0x3f: {  	s14 =	sadd.s32 $0x12A400, s1;
	[smem:$0x7F6] =	sst s0;
	s0 =	sshrl.u32 @!p0 s20, $0x3  }
0x40: {  	s15 =	sadd.s32 $0x12C400, s1;
	[smem:$0x7F7] =	sst s0;
	s0 =	sadd.s32 @!p0 s8, s25  }
0x41: {  	s16 =	sadd.s32 $0x12E400, s1;
	[smem:$0x7F8] =	sst s0;
	s0 =	sshrl.u32 @!p0 s28, $0x3  }
0x42: {  	s18 =	sadd.s32 $0x130400, s1;
	s28 =	sadd.s32 $0x40, s30;
	[smem:$0x7F9] =	sst s0  }
0x43: {  	s19 =	sadd.s32 $0x132400, s1;
	s30 =	sadd.s32 $0x40, s29;
	[smem:$0x7FA] =	sst s28  }
0x44: {  	v0 =	vimm.f32 $0.0e+00;
	s17 =	simm.s32 $0x40;
	s20 =	sadd.s32 $0x134400, s1;
	[smem:$0x7FB] =	sst s30  }
.LBB2_1:
0x45: {  	s0 =	simm.s32 $0x0;
	s4 =	simm.s32 $0x200  }
.LBB2_2:
0x46: {  	p1 =	sne.s32 s4, $0x7E00;
	[tilespmem:s0+$0x14930] =	vst v0  }
0x47: {  	[tilespmem:s0+$0x148C0] =	vst v0  }
0x48: {  	[tilespmem:s0+$0x148D0] =	vst v0  }
.Ltmp0:
0x49: {  	[tilespmem:s0+$0x148E0] =	vst v0;
	(pc) =	sbr.rel @p1 .LBB2_2-.Ltmp0, $4  }
0x4a: {  	[tilespmem:s0+$0x148F0] =	vst v0  }
0x4b: {  	[tilespmem:s0+$0x14900] =	vst v0  }
0x4c: {  	[tilespmem:s0+$0x14910] =	vst v0  }
0x4d: {  	[tilespmem:s0+$0x14920] =	vst v0;
	s0 =	sshra.s32 s4, $0x2;
	s4 =	sadd.s32 $0x200, s4  }
0x4e: {  	[tilespmem:s0+$0x14930] =	vst v0  }
0x4f: {  	[tilespmem:s0+$0x148C0] =	vst v0  }
0x50: {  	[tilespmem:s0+$0x148D0] =	vst v0  }
0x51: {  	[tilespmem:s0+$0x148E0] =	vst v0  }
0x52: {  	[tilespmem:s0+$0x148F0] =	vst v0  }
0x53: {  	[tilespmem:s0+$0x14900] =	vst v0  }
0x54: {  	[tilespmem:s0+$0x14910] =	vst v0  }
0x55: {  	[tilespmem:s0+$0x14920] =	vst v0;
	s0 =	simm.s32 @p0 $0x148C0;
	s4 =	simm.s32 @p0 $0x1F  }
0x56: {  	[spmem:s11] =	stream.linear.scatter @p0 [tilespmem:s0], [sflag:$0x1F], $0x2000, $0x38;
	[tilespmem:$0x1E8C0] =	vst v63  }
0x57: {  	_ =	swait.ge @p0 [sflag:s4], $0x2000  }
0x58: {  	[sflag:s4] =	ssyncset.done @p0 $0x0  }
0x59: {  	[sflag:s4] =	ssyncadd.s32 @p0 $0xFFFFE000  }
0x5a: {  	[spmem:s14] =	stream.linear.scatter @p0 [tilespmem:s0], [sflag:$0x1F], $0x2000, $0x38;
	[tilespmem:$0x1E8C0] =	vst v63  }
0x5b: {  	_ =	swait.ge @p0 [sflag:s4], $0x2000  }
0x5c: {  	[sflag:s4] =	ssyncset.done @p0 $0x0  }
0x5d: {  	[sflag:s4] =	ssyncadd.s32 @p0 $0xFFFFE000  }
0x5e: {  	[spmem:s15] =	stream.linear.scatter @p0 [tilespmem:s0], [sflag:$0x1F], $0x2000, $0x38;
	[tilespmem:$0x1E8C0] =	vst v63  }
0x5f: {  	_ =	swait.ge @p0 [sflag:s4], $0x2000  }
0x60: {  	[sflag:s4] =	ssyncset.done @p0 $0x0  }
0x61: {  	[sflag:s4] =	ssyncadd.s32 @p0 $0xFFFFE000  }
0x62: {  	[spmem:s16] =	stream.linear.scatter @p0 [tilespmem:s0], [sflag:$0x1F], $0x2000, $0x38;
	[tilespmem:$0x1E8C0] =	vst v63  }
0x63: {  	_ =	swait.ge @p0 [sflag:s4], $0x2000  }
0x64: {  	[sflag:s4] =	ssyncset.done @p0 $0x0  }
0x65: {  	[sflag:s4] =	ssyncadd.s32 @p0 $0xFFFFE000  }
0x66: {  	[spmem:s18] =	stream.linear.scatter @p0 [tilespmem:s0], [sflag:$0x1F], $0x2000, $0x38;
	[tilespmem:$0x1E8C0] =	vst v63  }
0x67: {  	_ =	swait.ge @p0 [sflag:s4], $0x2000  }
0x68: {  	[sflag:s4] =	ssyncset.done @p0 $0x0  }
0x69: {  	[sflag:s4] =	ssyncadd.s32 @p0 $0xFFFFE000  }
0x6a: {  	[spmem:s19] =	stream.linear.scatter @p0 [tilespmem:s0], [sflag:$0x1F], $0x2000, $0x38;
	[tilespmem:$0x1E8C0] =	vst v63  }
0x6b: {  	_ =	swait.ge @p0 [sflag:s4], $0x2000  }
0x6c: {  	[sflag:s4] =	ssyncset.done @p0 $0x0  }
0x6d: {  	[sflag:s4] =	ssyncadd.s32 @p0 $0xFFFFE000  }
0x6e: {  	[spmem:s20] =	stream.linear.scatter @p0 [tilespmem:s0], [sflag:$0x1F], $0x2000, $0x38;
	[tilespmem:$0x1E8C0] =	vst v63  }
0x6f: {  	_ =	swait.ge @p0 [sflag:s4], $0x2000  }
0x70: {  	[sflag:s4] =	ssyncset.done @p0 $0x0  }
0x71: {  	[sflag:s4] =	ssyncadd.s32 @p0 $0xFFFFE000  }
0x72: {  	[spmem:s22] =	stream.linear.scatter @p0 [tilespmem:s0], [sflag:$0x1F], $0x2000, $0x38;
	[tilespmem:$0x1E8C0] =	vst v63  }
0x73: {  	_ =	swait.ge @p0 [sflag:s4], $0x2000  }
0x74: {  	[sflag:s4] =	ssyncset.done @p0 $0x0  }
0x75: {  	[sflag:s4] =	ssyncadd.s32 @p0 $0xFFFFE000  }
0x76: {  	[spmem:s26] =	stream.linear.scatter @p0 [tilespmem:s0], [sflag:$0x1F], $0x800, $0x38;
	[tilespmem:$0x1E8C0] =	vst v63  }
0x77: {  	_ =	swait.ge @p0 [sflag:s4], $0x800  }
0x78: {  	[sflag:s4] =	ssyncset.done @p0 $0x0  }
0x79: {  	s0 =	simm.s32 @!p0 $0x148C0;
	[sflag:s4] =	ssyncadd.s32 @p0 $0xFFFFF800;
	s4 =	simm.s32 @!p0 $0x1F  }
0x7a: {  	[spmem:s31] =	stream.linear.scatter @!p0 [tilespmem:s0], [sflag:$0x1F], $0x2000, $0x38;
	[tilespmem:$0x1E8C0] =	vst v63  }
0x7b: {  	_ =	swait.ge @!p0 [sflag:s4], $0x2000  }
0x7c: {  	s5 =	sld [smem:$0x7ED]  }
0x7d: {  	[sflag:s4] =	ssyncset.done @!p0 $0x0  }
0x7e: {  	[sflag:s4] =	ssyncadd.s32 @!p0 $0xFFFFE000  }
0x7f: {  	[spmem:s5] =	stream.linear.scatter @!p0 [tilespmem:s0], [sflag:$0x1F], $0x2000, $0x38;
	[tilespmem:$0x1E8C0] =	vst v63  }
0x80: {  	_ =	swait.ge @!p0 [sflag:s4], $0x2000  }
0x81: {  	s5 =	sld [smem:$0x7EE]  }
0x82: {  	[sflag:s4] =	ssyncset.done @!p0 $0x0  }
0x83: {  	[sflag:s4] =	ssyncadd.s32 @!p0 $0xFFFFE000  }
0x84: {  	[spmem:s5] =	stream.linear.scatter @!p0 [tilespmem:s0], [sflag:$0x1F], $0x2000, $0x38;
	[tilespmem:$0x1E8C0] =	vst v63  }
0x85: {  	_ =	swait.ge @!p0 [sflag:s4], $0x2000  }
0x86: {  	s5 =	sld [smem:$0x7EF]  }
0x87: {  	[sflag:s4] =	ssyncset.done @!p0 $0x0  }
0x88: {  	[sflag:s4] =	ssyncadd.s32 @!p0 $0xFFFFE000  }
0x89: {  	[spmem:s5] =	stream.linear.scatter @!p0 [tilespmem:s0], [sflag:$0x1F], $0x2000, $0x38;
	[tilespmem:$0x1E8C0] =	vst v63  }
0x8a: {  	_ =	swait.ge @!p0 [sflag:s4], $0x2000  }
0x8b: {  	s5 =	sld [smem:$0x7F0]  }
0x8c: {  	[sflag:s4] =	ssyncset.done @!p0 $0x0  }
0x8d: {  	[sflag:s4] =	ssyncadd.s32 @!p0 $0xFFFFE000  }
0x8e: {  	[spmem:s5] =	stream.linear.scatter @!p0 [tilespmem:s0], [sflag:$0x1F], $0x2000, $0x38;
	[tilespmem:$0x1E8C0] =	vst v63  }
0x8f: {  	_ =	swait.ge @!p0 [sflag:s4], $0x2000  }
0x90: {  	s5 =	sld [smem:$0x7F1]  }
0x91: {  	[sflag:s4] =	ssyncset.done @!p0 $0x0  }
0x92: {  	[sflag:s4] =	ssyncadd.s32 @!p0 $0xFFFFE000  }
0x93: {  	[spmem:s5] =	stream.linear.scatter @!p0 [tilespmem:s0], [sflag:$0x1F], $0x2000, $0x38;
	[tilespmem:$0x1E8C0] =	vst v63  }
0x94: {  	_ =	swait.ge @!p0 [sflag:s4], $0x2000  }
0x95: {  	s5 =	sld [smem:$0x7F2]  }
0x96: {  	[sflag:s4] =	ssyncset.done @!p0 $0x0  }
0x97: {  	[sflag:s4] =	ssyncadd.s32 @!p0 $0xFFFFE000  }
0x98: {  	[spmem:s5] =	stream.linear.scatter @!p0 [tilespmem:s0], [sflag:$0x1F], $0x2000, $0x38;
	[tilespmem:$0x1E8C0] =	vst v63  }
0x99: {  	_ =	swait.ge @!p0 [sflag:s4], $0x2000  }
0x9a: {  	s5 =	sld [smem:$0x7F3]  }
0x9b: {  	[sflag:s4] =	ssyncset.done @!p0 $0x0  }
0x9c: {  	[sflag:s4] =	ssyncadd.s32 @!p0 $0xFFFFE000  }
0x9d: {  	[spmem:s5] =	stream.linear.scatter @!p0 [tilespmem:s0], [sflag:$0x1F], $0x2000, $0x38;
	[tilespmem:$0x1E8C0] =	vst v63  }
0x9e: {  	_ =	swait.ge @!p0 [sflag:s4], $0x2000  }
0x9f: {  	s5 =	sld [smem:$0x7F4]  }
0xa0: {  	[sflag:s4] =	ssyncset.done @!p0 $0x0  }
0xa1: {  	[sflag:s4] =	ssyncadd.s32 @!p0 $0xFFFFE000  }
0xa2: {  	[spmem:s5] =	stream.linear.scatter @!p0 [tilespmem:s0], [sflag:$0x1F], $0x2000, $0x38;
	[tilespmem:$0x1E8C0] =	vst v63  }
0xa3: {  	_ =	swait.ge @!p0 [sflag:s4], $0x2000  }
0xa4: {  	s5 =	sld [smem:$0x7F5]  }
0xa5: {  	[sflag:s4] =	ssyncset.done @!p0 $0x0  }
0xa6: {  	[sflag:s4] =	ssyncadd.s32 @!p0 $0xFFFFE000  }
0xa7: {  	[spmem:s5] =	stream.linear.scatter @!p0 [tilespmem:s0], [sflag:$0x1F], $0x1C00, $0x38;
	[tilespmem:$0x1E8C0] =	vst v63  }
0xa8: {  	_ =	swait.ge @!p0 [sflag:s4], $0x1C00  }
0xa9: {  	[sflag:s4] =	ssyncset.done @!p0 $0x0  }
0xaa: {  	s7 =	smov.u32 s11;
	[sflag:s4] =	ssyncadd.s32 @!p0 $0xFFFFE400  }
0xab: {  	s9 =	smov.u32 s14;
	s23 =	smov.u32 s19;
	[bflag:$0x0] =	sbarrier.arrive $0xFFFF  }
0xac: {  	s19 =	simm.s32 $0x0;
	s4 =	simm.s32 $0x138C0;
	s8 =	rddreg [dreg:$0x4]  }
0xad: {  	[tilespmem:s4], [sflag:$0x1] =	stream.linear.gather [hbm4b:s8+s19], $0x40, $0x38;
	[tilespmem:$0x1E8C0] =	vst v63  }
0xae: {  	s10 =	smov.u32 s15;
	s14 =	simm.s32 $0x140C0;
	s11 =	rddreg [dreg:$0x5]  }
0xaf: {  	[tilespmem:s14], [sflag:$0xB] =	stream.linear.gather [hbm4b:s11+s19], $0x40, $0x38;
	[tilespmem:$0x1E8C0] =	vst v63  }
0xb0: {  	s12 =	smov.u32 s16;
	s5 =	simm.s32 $0x13940;
	s15 =	rddreg [dreg:$0x6]  }
0xb1: {  	[tilespmem:s5], [sflag:$0x2] =	stream.linear.gather [hbm4b:s15+s19], $0x40, $0x38;
	[tilespmem:$0x1E8C0] =	vst v63  }
0xb2: {  	s13 =	smov.u32 s18;
	s16 =	rddreg [dreg:$0x7];
	s8 =	simm.s32 $0x14140  }
0xb3: {  	[tilespmem:s8], [sflag:$0xC] =	stream.linear.gather [hbm4b:s16+s19], $0x40, $0x38;
	[tilespmem:$0x1E8C0] =	vst v63  }
0xb4: {  	s24 =	smov.u32 s20;
	s20 =	simm.s32 $0x139C0;
	s18 =	rddreg [dreg:$0x8]  }
0xb5: {  	[tilespmem:s20], [sflag:$0x3] =	stream.linear.gather [hbm4b:s18+s19], $0x40, $0x38;
	[tilespmem:$0x1E8C0] =	vst v63  }
0xb6: {  	s6 =	smov.u32 s22;
	s26 =	simm.s32 $0x141C0;
	s22 =	rddreg [dreg:$0x9]  }
0xb7: {  	[tilespmem:s26], [sflag:$0xD] =	stream.linear.gather [hbm4b:s22+s19], $0x40, $0x38;
	[tilespmem:$0x1E8C0] =	vst v63  }
0xb8: {  	s31 =	simm.s32 $0x13A40;
	s29 =	rddreg [dreg:$0xa]  }
0xb9: {  	[tilespmem:s31], [sflag:$0x4] =	stream.linear.gather [hbm4b:s29+s19], $0x40, $0x38;
	[tilespmem:$0x1E8C0] =	vst v63  }
0xba: {  	s11 =	rddreg [dreg:$0xb];
	s14 =	simm.s32 $0x14240  }
0xbb: {  	[tilespmem:s14], [sflag:$0xE] =	stream.linear.gather [hbm4b:s11+s19], $0x40, $0x38;
	[tilespmem:$0x1E8C0] =	vst v63  }
0xbc: {  	s15 =	rddreg [dreg:$0xc];
	s16 =	simm.s32 $0x13AC0  }
0xbd: {  	[tilespmem:s16], [sflag:$0x5] =	stream.linear.gather [hbm4b:s15+s19], $0x40, $0x38;
	[tilespmem:$0x1E8C0] =	vst v63  }
0xbe: {  	s18 =	rddreg [dreg:$0xd];
	s20 =	simm.s32 $0x142C0  }
0xbf: {  	[tilespmem:s20], [sflag:$0xF] =	stream.linear.gather [hbm4b:s18+s19], $0x40, $0x38;
	[tilespmem:$0x1E8C0] =	vst v63  }
0xc0: {  	s22 =	rddreg [dreg:$0xe];
	s26 =	simm.s32 $0x13B40  }
0xc1: {  	[tilespmem:s26], [sflag:$0x6] =	stream.linear.gather [hbm4b:s22+s19], $0x40, $0x38;
	[tilespmem:$0x1E8C0] =	vst v63  }
0xc2: {  	s29 =	rddreg [dreg:$0xf];
	s31 =	simm.s32 $0x14340  }
0xc3: {  	[tilespmem:s31], [sflag:$0x10] =	stream.linear.gather [hbm4b:s29+s19], $0x40, $0x38;
	[tilespmem:$0x1E8C0] =	vst v63  }
0xc4: {  	s11 =	rddreg [dreg:$0x10];
	s14 =	simm.s32 $0x13BC0  }
0xc5: {  	[tilespmem:s14], [sflag:$0x7] =	stream.linear.gather [hbm4b:s11+s19], $0x40, $0x38;
	[tilespmem:$0x1E8C0] =	vst v63  }
0xc6: {  	s15 =	rddreg [dreg:$0x11];
	s16 =	simm.s32 $0x143C0  }
0xc7: {  	[tilespmem:s16], [sflag:$0x11] =	stream.linear.gather [hbm4b:s15+s19], $0x40, $0x38;
	[tilespmem:$0x1E8C0] =	vst v63  }
0xc8: {  	s18 =	rddreg [dreg:$0x12];
	s20 =	simm.s32 $0x13C40  }
0xc9: {  	[tilespmem:s20], [sflag:$0x8] =	stream.linear.gather [hbm4b:s18+s19], $0x40, $0x38;
	[tilespmem:$0x1E8C0] =	vst v63  }
0xca: {  	s22 =	rddreg [dreg:$0x13];
	s26 =	simm.s32 $0x14440;
	s29 =	simm.s32 $0x1  }
0xcb: {  	[tilespmem:s26], [sflag:$0x12] =	stream.linear.gather [hbm4b:s22+s19], $0x40, $0x38;
	[tilespmem:$0x1E8C0] =	vst v63  }
0xcc: {  	_ =	swait.ge [sflag:s29], $0x40  }
0xcd: {  	s28 =	simm.s32 $0x3;
	s30 =	simm.s32 $0x188C0;
	[sflag:s29] =	ssyncset.done $0x0  }
0xce: {  	s20 =	simm.s32 $0x148C0;
	s26 =	simm.s32 $0x2;
	[sflag:s29] =	ssyncadd.s32 $0xFFFFFFC0  }
0xcf: {  	[tilespmem:s20], [sflag:$0x15] =	stream.indirect.gather [hbm4b:s21+s17], $0x80, s4, s17, $0xb8;
	[tilespmem:$0x1E8C0] =	vst v63  }
0xd0: {  	s0 =	simm.s32 $0x8;
	s31 =	simm.s32 $0x168C0;
	_ =	swait.ge [sflag:s26], $0x40  }
0xd1: {  	s11 =	simm.s32 $0x0;
	[sflag:s26] =	ssyncset.done $0x0;
	s14 =	sld [smem:$0x7FB]  }
0xd2: {  	s15 =	simm.s32 $0x0;
	s4 =	sld [smem:$0x7FA];
	[sflag:s26] =	ssyncadd.s32 $0xFFFFFFC0  }
0xd3: {  	[tilespmem:s31], [sflag:$0x16] =	stream.indirect.gather [hbm4b:s21+s17], $0x80, s5, s17, $0xb8;
	[tilespmem:$0x1E8C0] =	vst v63  }
.LBB2_4:
0xd4: {  	s5 =	smulhi.u32 $0xCCCCCCCD, s15;
	_ =	sdelay $0x1  }
0xd5: {  	s22 =	smulhi.u32 $0xCCCCCCCD, s28;
	s8 =	sshrl.u32 s5, $0x2  }
0xd6: {  	s16 =	smul.u32 $0xFFFFFFEC, s8  }
0xd7: {  	s29 =	sshra.s32 s11, $0x2;
	s5 =	sshrl.u32 s5, $0x3  }
0xd8: {  	s22 =	sshrl.u32 s22, $0x2;
	s31 =	smul.u32 $0xFFFFFFD8, s5;
	s16 =	sshra.s32 s16, $0x2  }
0xd9: {  	s22 =	smul.u32 $0xFFFFFFEC, s22;
	s16 =	sadd.s32 s29, s16  }
0xda: {  	s8 =	smul.u32 $0xFFFD8000, s8;
	s18 =	sadd.s32 $0x15, s16  }
0xdb: {  	s5 =	smul.u32 $0xFFFFEC00, s5;
	s31 =	sshra.s32 s31, $0x2;
	_ =	swait.ge [sflag:s18], $0x2000  }
0xdc: {  	s8 =	sshra.s32 s8, $0x2;
	s29 =	sadd.s32 s29, s31;
	[sflag:s18] =	ssyncset.done $0x0  }
0xdd: {  	s5 =	sshra.s32 s5, $0x2;
	[sflag:s18] =	ssyncadd.s32 $0xFFFFE000;
	s18 =	sadd.s32 $0xB, s29  }
0xde: {  	s31 =	sshra.s32 s19, $0x2;
	s8 =	sadd.s32 s8, s20;
	_ =	swait.ge [sflag:s18], $0x40  }
0xdf: {  	s5 =	sadd.s32 s31, s5;
	s16 =	sadd.s32 $0x1A, s16;
	[sflag:s18] =	ssyncset.done $0x0  }
0xe0: {  	s5 =	sadd.s32 $0x140C0, s5;
	[sflag:s18] =	ssyncadd.s32 $0xFFFFFFC0;
	s18 =	smulhi.u32 $0xCCCCCCCD, s0  }
0xe1: {  	[spmem:s1] =	stream.indirect.scatter.add.f32 [tilespmem:s8], [sflag:s16], $0x80, s5, s17, $0xb8;
	[tilespmem:$0x1E8C0] =	vst v63  }
0xe2: {  	p1 =	slt.u32 s15, $0x2;
	s16 =	sshra.s32 s22, $0x2  }
0xe3: {  	s5 =	sadd.s32 $0x1D, s16;
	s16 =	sshra.s32 @!p1 s11, $0x2;
	s8 =	sshrl.u32 s18, $0x3  }
0xe4: {  	s5 =	sadd.s32 @!p1 s16, s5;
	s22 =	smul.u32 $0x28, s8  }
0xe5: {  	s8 =	smul.u32 $0xFFFFEC00, s8;
	_ =	swait.ge @!p1 [sflag:s5], $0x2000  }
0xe6: {  	s15 =	sadd.s32 $0x8, s15;
	[sflag:s5] =	ssyncset.done @!p1 $0x0;
	s16 =	ssub.s32 $0x20, s22  }
0xe7: {  	s8 =	sshra.s32 s8, $0x2;
	[sflag:s5] =	ssyncadd.s32 @!p1 $0xFFFFE000;
	p1 =	sge.u32 s15, s3  }
0xe8: {  	s5 =	smulhi.u32 $0xCCCCCCCD, s26;
	s18 =	sadd.s32 $0x13CC0, s8;
	s16 =	sadd.s32 @!p1 s16, s11  }
0xe9: {  	s8 =	sadd.s32 $0x144C0, s8;
	s22 =	sshra.s32 @!p1 s19, $0x2;
	s16 =	sshra.s32 @!p1 s16, $0x2  }
0xea: {  	s31 =	simm.s32 @!p1 $0x0;
	s18 =	sadd.s32 @!p1 s22, s18;
	s29 =	sadd.s32 @!p1 $0x1, s16  }
0xeb: {  	[tilespmem:s18], [sflag:s29] =	stream.linear.gather @!p1 [hbm4b:s14+s31], $0x40, $0x38;
	[tilespmem:$0x1E8C0] =	vst v63  }
0xec: {  	s15 =	sadd.s32 $0xFFFFFFFA, s15;
	s8 =	sadd.s32 @!p1 s22, s8;
	s18 =	sshrl.u32 s5, $0x3  }
0xed: {  	s16 =	sadd.s32 @!p1 $0xB, s16;
	s5 =	sshrl.u32 s5, $0x2;
	s29 =	smul.u32 $0x28, s18  }
0xee: {  	[tilespmem:s8], [sflag:s16] =	stream.linear.gather @!p1 [hbm4b:s4+s31], $0x40, $0x38;
	[tilespmem:$0x1E8C0] =	vst v63  }
0xef: {  	p1 =	sge.u32 s15, s3;
	s31 =	smul.u32 $0xFFFFFFEC, s5;
	s8 =	ssub.s32 $0x8, s29  }
0xf0: {  	s5 =	smul.u32 $0xFFFD8000, s5;
	s8 =	sadd.s32 @!p1 s8, s11  }
0xf1: {  	s15 =	sadd.s32 $0xFFFFFFFF, s15;
	s29 =	smul.u32 $0xFFFFEC00, s18;
	s8 =	sshra.s32 @!p1 s8, $0x2  }
0xf2: {  	s22 =	sshra.s32 @!p1 s19, $0x2;
	s18 =	sshra.s32 s31, $0x2;
	s8 =	sadd.s32 @!p1 $0x1, s8  }
0xf3: {  	s5 =	sshra.s32 s5, $0x2;
	s16 =	sshra.s32 s29, $0x2;
	_ =	swait.ge @!p1 [sflag:s8], $0x40  }
0xf4: {  	s18 =	sadd.s32 $0x17, s18;
	s5 =	sadd.s32 s5, s30;
	[sflag:s8] =	ssyncset.done @!p1 $0x0  }
0xf5: {  	s16 =	sadd.s32 $0x139C0, s16;
	[sflag:s8] =	ssyncadd.s32 @!p1 $0xFFFFFFC0;
	s8 =	sshra.s32 @!p1 s11, $0x2  }
0xf6: {  	s16 =	sadd.s32 @!p1 s22, s16;
	s8 =	sadd.s32 @!p1 s8, s18;
	s18 =	simm.s32 @!p1 $0x40  }
0xf7: {  	[tilespmem:s5], [sflag:s8] =	stream.indirect.gather @!p1 [hbm4b:s21+s18], $0x80, s16, s18, $0xb8;
	[tilespmem:$0x1E8C0] =	vst v63  }
0xf8: {  	p1 =	sne.s32 s15, s3  }
.Ltmp1:
0xf9: {  	_ = 	snop;
	(pc) =	sbr.rel @p1 .LBB2_4-.Ltmp1, $4  }
0xfa: {  	_ = 	snop  }
0xfb: {  	s28 =	sadd.s32 $0x1, s28;
	s20 =	sadd.s32 $0x2000, s20;
	s0 =	sadd.s32 $0x1, s0  }
0xfc: {  	s26 =	sadd.s32 $0x1, s26;
	s14 =	sadd.s32 $0x8, s14;
	s4 =	sadd.s32 $0x8, s4  }
0xfd: {  	s19 =	sadd.s32 $0x200, s19;
	s30 =	sadd.s32 $0x2000, s30;
	s11 =	sadd.s32 $0x4, s11  }
0xfe: {  	s0 =	sld [smem:$0x7E7];
	_ =	sdelay $0x2  }
0xff: {  	_ =	swait.ge [sflag:s0], $0x2000  }
0x100: {  	s29 =	sld [smem:$0x7E8]  }
0x101: {  	[sflag:s0] =	ssyncset.done $0x0  }
0x102: {  	[sflag:s0] =	ssyncadd.s32 $0xFFFFE000  }
0x103: {  	_ =	swait.ge [sflag:s29], $0x2000  }
0x104: {  	[sflag:s29] =	ssyncset.done $0x0  }
0x105: {  	s4 =	sshrl.u32 @p0 s7, $0x3;
	[sflag:s29] =	ssyncadd.s32 $0xFFFFE000  }
0x106: {  	s5 =	simm.s32 @p0 $0x1FDF;
	s0 =	sadd.s32 @p0 $0x25080, s25;
	[bflag:$0x0] =	sbarrier.arrive $0xFFFF  }
0x107: {  	[hbm:s0], [sflag:s5] =	dma.local @p0 [spmem:s4], $0x400  }
0x108: {  	s0 =	simm.s32 @p0 $0x1F  }
0x109: {  	_ =	swait.ge @p0 [sflag:s0], $0x400  }
0x10a: {  	[sflag:s0] =	ssyncset.done @p0 $0x0  }
0x10b: {  	s8 =	sshrl.u32 @p0 s9, $0x3;
	s4 =	sadd.s32 @p0 $0x25480, s25;
	[sflag:s0] =	ssyncadd.s32 @p0 $0xFFFFFC00  }
0x10c: {  	[hbm:s4], [sflag:s5] =	dma.local @p0 [spmem:s8], $0x400  }
0x10d: {  	_ =	swait.ge @p0 [sflag:s0], $0x400  }
0x10e: {  	[sflag:s0] =	ssyncset.done @p0 $0x0  }
0x10f: {  	s4 =	sadd.s32 @p0 $0x25880, s25;
	s8 =	sshrl.u32 @p0 s10, $0x3;
	[sflag:s0] =	ssyncadd.s32 @p0 $0xFFFFFC00  }
0x110: {  	[hbm:s4], [sflag:s5] =	dma.local @p0 [spmem:s8], $0x400  }
0x111: {  	_ =	swait.ge @p0 [sflag:s0], $0x400  }
0x112: {  	[sflag:s0] =	ssyncset.done @p0 $0x0  }
0x113: {  	s4 =	sadd.s32 @p0 $0x25C80, s25;
	s8 =	sshrl.u32 @p0 s12, $0x3;
	[sflag:s0] =	ssyncadd.s32 @p0 $0xFFFFFC00  }
0x114: {  	[hbm:s4], [sflag:s5] =	dma.local @p0 [spmem:s8], $0x400  }
0x115: {  	_ =	swait.ge @p0 [sflag:s0], $0x400  }
0x116: {  	[sflag:s0] =	ssyncset.done @p0 $0x0  }
0x117: {  	s4 =	sadd.s32 @p0 $0x26080, s25;
	s8 =	sshrl.u32 @p0 s13, $0x3;
	[sflag:s0] =	ssyncadd.s32 @p0 $0xFFFFFC00  }
0x118: {  	[hbm:s4], [sflag:s5] =	dma.local @p0 [spmem:s8], $0x400  }
0x119: {  	_ =	swait.ge @p0 [sflag:s0], $0x400  }
0x11a: {  	[sflag:s0] =	ssyncset.done @p0 $0x0  }
0x11b: {  	s4 =	sadd.s32 @p0 $0x26480, s25;
	s8 =	sshrl.u32 @p0 s23, $0x3;
	[sflag:s0] =	ssyncadd.s32 @p0 $0xFFFFFC00  }
0x11c: {  	[hbm:s4], [sflag:s5] =	dma.local @p0 [spmem:s8], $0x400  }
0x11d: {  	_ =	swait.ge @p0 [sflag:s0], $0x400  }
0x11e: {  	[sflag:s0] =	ssyncset.done @p0 $0x0  }
0x11f: {  	s4 =	sadd.s32 @p0 $0x26880, s25;
	s8 =	sshrl.u32 @p0 s24, $0x3;
	[sflag:s0] =	ssyncadd.s32 @p0 $0xFFFFFC00  }
0x120: {  	[hbm:s4], [sflag:s5] =	dma.local @p0 [spmem:s8], $0x400  }
0x121: {  	_ =	swait.ge @p0 [sflag:s0], $0x400  }
0x122: {  	[sflag:s0] =	ssyncset.done @p0 $0x0  }
0x123: {  	s4 =	sadd.s32 @p0 $0x26C80, s25;
	s8 =	sshrl.u32 @p0 s6, $0x3;
	[sflag:s0] =	ssyncadd.s32 @p0 $0xFFFFFC00  }
0x124: {  	[hbm:s4], [sflag:s5] =	dma.local @p0 [spmem:s8], $0x400  }
0x125: {  	_ =	swait.ge @p0 [sflag:s0], $0x400  }
0x126: {  	s26 =	sld [smem:$0x7FD];
	_ =	sdelay $0x1  }
0x127: {  	[sflag:s0] =	ssyncset.done @p0 $0x0  }
0x128: {  	s4 =	sadd.s32 @p0 $0x27080, s25;
	[sflag:s0] =	ssyncadd.s32 @p0 $0xFFFFFC00;
	s8 =	sshrl.u32 @p0 s26, $0x3  }
0x129: {  	[hbm:s4], [sflag:s5] =	dma.local @p0 [spmem:s8], $0x100  }
0x12a: {  	_ =	swait.ge @p0 [sflag:s0], $0x100  }
0x12b: {  	s31 =	sld [smem:$0x7FC]  }
0x12c: {  	s4 =	stileid.u32  }
0x12d: {  	s4 =	sshll.u32 @!p0 s4, $0x6;
	[sflag:s0] =	ssyncset.done @p0 $0x0;
	s5 =	rddreg [dreg:$0x15]  }
0x12e: {  	[sflag:s0] =	ssyncadd.s32 @p0 $0xFFFFFF00;
	s0 =	sor.u32 @!p0 $0x1C1F, s4;
	s4 =	sshrl.u32 @!p0 s31, $0x3  }
0x12f: {  	[hbm:s5], [sflag:s0] =	dma.local @!p0 [spmem:s4], $0x400  }
0x130: {  	s4 =	simm.s32 @!p0 $0x1F  }
0x131: {  	_ =	swait.ge @!p0 [sflag:s4], $0x400  }
0x132: {  	[sflag:s4] =	ssyncset.done @!p0 $0x0;
	s5 =	rddreg [dreg:$0x16]  }
0x133: {  	s22 =	smov.u32 s6;
	s6 =	rddreg [dreg:$0x17];
	[sflag:s4] =	ssyncadd.s32 @!p0 $0xFFFFFC00  }
0x134: {  	[hbm:s5], [sflag:s0] =	dma.local @!p0 [spmem:s6], $0x400  }
0x135: {  	_ =	swait.ge @!p0 [sflag:s4], $0x400  }
0x136: {  	[sflag:s4] =	ssyncset.done @!p0 $0x0;
	s5 =	rddreg [dreg:$0x18]  }
0x137: {  	s6 =	rddreg [dreg:$0x19];
	[sflag:s4] =	ssyncadd.s32 @!p0 $0xFFFFFC00  }
0x138: {  	[hbm:s5], [sflag:s0] =	dma.local @!p0 [spmem:s6], $0x400  }
0x139: {  	_ =	swait.ge @!p0 [sflag:s4], $0x400  }
0x13a: {  	[sflag:s4] =	ssyncset.done @!p0 $0x0;
	s5 =	rddreg [dreg:$0x1a]  }
0x13b: {  	s6 =	rddreg [dreg:$0x1b];
	[sflag:s4] =	ssyncadd.s32 @!p0 $0xFFFFFC00  }
0x13c: {  	[hbm:s5], [sflag:s0] =	dma.local @!p0 [spmem:s6], $0x400  }
0x13d: {  	_ =	swait.ge @!p0 [sflag:s4], $0x400  }
0x13e: {  	[sflag:s4] =	ssyncset.done @!p0 $0x0;
	s5 =	rddreg [dreg:$0x1c]  }
0x13f: {  	s6 =	rddreg [dreg:$0x1d];
	[sflag:s4] =	ssyncadd.s32 @!p0 $0xFFFFFC00  }
0x140: {  	[hbm:s5], [sflag:s0] =	dma.local @!p0 [spmem:s6], $0x400  }
0x141: {  	_ =	swait.ge @!p0 [sflag:s4], $0x400  }
0x142: {  	[sflag:s4] =	ssyncset.done @!p0 $0x0;
	s5 =	rddreg [dreg:$0x1e]  }
0x143: {  	s6 =	rddreg [dreg:$0x1f];
	[sflag:s4] =	ssyncadd.s32 @!p0 $0xFFFFFC00  }
0x144: {  	[hbm:s5], [sflag:s0] =	dma.local @!p0 [spmem:s6], $0x400  }
0x145: {  	_ =	swait.ge @!p0 [sflag:s4], $0x400  }
0x146: {  	s5 =	sld [smem:$0x7E9]  }
0x147: {  	s6 =	sld [smem:$0x7EA]  }
0x148: {  	[sflag:s4] =	ssyncset.done @!p0 $0x0  }
0x149: {  	[sflag:s4] =	ssyncadd.s32 @!p0 $0xFFFFFC00  }
0x14a: {  	[hbm:s5], [sflag:s0] =	dma.local @!p0 [spmem:s6], $0x400  }
0x14b: {  	_ =	swait.ge @!p0 [sflag:s4], $0x400  }
0x14c: {  	s5 =	sld [smem:$0x7EB]  }
0x14d: {  	s6 =	sld [smem:$0x7EC]  }
0x14e: {  	[sflag:s4] =	ssyncset.done @!p0 $0x0  }
0x14f: {  	[sflag:s4] =	ssyncadd.s32 @!p0 $0xFFFFFC00  }
0x150: {  	[hbm:s5], [sflag:s0] =	dma.local @!p0 [spmem:s6], $0x400  }
0x151: {  	_ =	swait.ge @!p0 [sflag:s4], $0x400  }
0x152: {  	s5 =	sld [smem:$0x7F6]  }
0x153: {  	s6 =	sld [smem:$0x7F7]  }
0x154: {  	[sflag:s4] =	ssyncset.done @!p0 $0x0  }
0x155: {  	[sflag:s4] =	ssyncadd.s32 @!p0 $0xFFFFFC00  }
0x156: {  	[hbm:s5], [sflag:s0] =	dma.local @!p0 [spmem:s6], $0x400  }
0x157: {  	_ =	swait.ge @!p0 [sflag:s4], $0x400  }
0x158: {  	s5 =	sld [smem:$0x7F8]  }
0x159: {  	s6 =	sld [smem:$0x7F9]  }
0x15a: {  	[sflag:s4] =	ssyncset.done @!p0 $0x0  }
0x15b: {  	[sflag:s4] =	ssyncadd.s32 @!p0 $0xFFFFFC00  }
0x15c: {  	[hbm:s5], [sflag:s0] =	dma.local @!p0 [spmem:s6], $0x380  }
0x15d: {  	_ =	swait.ge @!p0 [sflag:s4], $0x380  }
0x15e: {  	s2 =	sadd.s32 $0x1, s2;
	s30 =	rddreg [dreg:$0x14]  }
0x15f: {  	p1 =	sne.s32 s2, s30  }
.Ltmp2:
0x160: {  	_ = 	snop;
	(pc) =	sbr.rel @p1 .LBB2_1-.Ltmp2, $4  }
0x161: {  	_ = 	snop  }
0x162: {  	s11 =	smov.u32 s7;
	s14 =	smov.u32 s9;
	s15 =	smov.u32 s10  }
0x163: {  	s16 =	smov.u32 s12;
	s18 =	smov.u32 s13;
	[sflag:s4] =	ssyncset.done @!p0 $0x0  }
0x164: {  	s19 =	smov.u32 s23;
	s20 =	smov.u32 s24;
	[sflag:s4] =	ssyncadd.s32 @!p0 $0xFFFFFC80  }
0x165: {  	_ =	sfence.sel $0x180000  }
0x166: {  	[bflag:$0x0] =	sbarrier.arrive $0xFFFF  }
0x167: {  	_ =	strace $0x9000004A  }
0x168: {  	s0 =	stileid.u32;
	[bflag:$0x2] =	sbarrier.arrive $0xFFFF  }
0x169: {  	p0 =	sne.s32 s0, $0x0;
	s0 =	rddreg [dreg:$0x3]  }
0x16a: {  	s0 =	sadd.s32 @!p0 $0x100000, s0  }
0x16b: {  	[sflag:s0] =	ssyncadd.tile.s32 @!p0 $0x1;
	_ =	shalt  }
.Lfunc_end2:
_tile_overlayer_lowered:
.L_overlay_start_2:
0x16c: {  	(tag) =	ssettag $0x2  }
0x16d: {  	s0 =	rddreg [dreg:$0x0];
	s2 =	stileid.u32  }
0x16e: {  	s1 =	rddreg [dreg:$0x1];
	p0 =	sne.s32 s2, $0x0  }
0x16f: {  	s3 =	rddreg [dreg:$0x2];
	[bflag:$0x3] =	sbarrier.arrive $0xFFFF;
	s2 =	simm.s32 @!p0 $0x1C1F  }
0x170: {  	[timem:s3], [sflag:s2] =	dma.local @!p0 [hbm:s0], s1  }
0x171: {  	s0 =	simm.s32 @!p0 $0x1F  }
0x172: {  	_ =	swait.ge @!p0 [sflag:s0], s1  }
0x173: {  	s1 =	ssub.s32 @!p0 $0x0, s1;
	[sflag:s0] =	ssyncset.done @!p0 $0x0  }
0x174: {  	[sflag:s0] =	ssyncadd.s32 @!p0 s1  }
0x175: {  	[bflag:$0x3] =	sbarrier.arrive $0xFFFF  }
0x176: {  	_ =	shalt  }

</sc_bundles>
